<compile_context>
chip_gen: v7x
topology: tpu7x:2x2x1
jax: 0.10.2.dev20260603
libtpu: 0.0.44.dev20260713+nightly
codegen_flags: <defaults>
</compile_context>

<pallas_src>
import functools

import jax
import jax.numpy as jnp
from jax import lax
from jax.experimental import pallas as pl
from jax.experimental.pallas import tpu as pltpu
from jax.experimental.pallas import tpu_sc as plsc

_CH = 128
_NSLAB = 32
_RB = 2000


def _cdiv(a, b):
    return (a + b - 1) // b



def _fill_const(ref, rows, d, val):
    vec = jnp.full((16,), val, jnp.float32)

    def row(i, carry):
        for jj in range(d // 16):
            ref[i, pl.ds(jj * 16, 16)] = vec
        return carry

    lax.fori_loop(0, rows, row, 0)


def _sc_degree(dst3, npad):
    nslab, C, ch = dst3.shape
    rpt = npad // 16
    mesh = plsc.VectorSubcoreMesh(core_axis_name="c", subcore_axis_name="s")

    def body(dst_hbm, out_hbm, didx, obuf, zbuf, acc):
        c = lax.axis_index("c")
        s = lax.axis_index("s")
        slab = c * 16 + s
        pltpu.sync_copy(dst_hbm.at[slab], didx)
        _fill_const(obuf, ch, 16, 1.0)
        _fill_const(zbuf, ch, 16, 0.0)
        for t in range(rpt // ch):
            pltpu.sync_copy(zbuf, acc.at[pl.ds(s * rpt + t * ch, ch)])
        plsc.subcore_barrier()

        def step(j, carry):
            pltpu.sync_copy(obuf, acc.at[didx.at[j]], add=True)
            return carry

        lax.fori_loop(0, C, step, 0)
        plsc.subcore_barrier()
        pltpu.sync_copy(acc.at[pl.ds(s * rpt, rpt)],
                        out_hbm.at[c, pl.ds(s * rpt, rpt)])

    f = pl.kernel(
        body,
        out_type=jax.ShapeDtypeStruct((2, npad, 16), jnp.float32),
        mesh=mesh,
        compiler_params=pltpu.CompilerParams(use_tc_tiling_on_sc=False),
        scratch_types=[
            pltpu.VMEM((C, ch), jnp.int32),
            pltpu.VMEM((ch, 16), jnp.float32),
            pltpu.VMEM((ch, 16), jnp.float32),
            pltpu.VMEM_SHARED((npad, 16), jnp.float32),
        ],
    )
    return f(dst3)


def _sc_agg128(uh, src2, dst2, npad):
    _, n, d = uh.shape
    tch, ch = src2.shape
    rpt = npad // 16
    nrt = n // 16
    cpt = tch // 16
    mesh = plsc.VectorSubcoreMesh(core_axis_name="c", subcore_axis_name="s")

    def body(u_hbm, src_hbm, dst_hbm, out_hbm, sidx3, didx3, rows, ushr,
             acc, isem, gsem, ssem):
        c = lax.axis_index("c")
        s = lax.axis_index("s")
        base = s * cpt
        C = cpt
        pltpu.sync_copy(u_hbm.at[c, pl.ds(s * nrt, nrt)],
                        ushr.at[pl.ds(s * nrt, nrt)])
        _fill_const(rows.at[0], ch, d, 0.0)
        for t in range(rpt // ch):
            pltpu.sync_copy(rows.at[0], acc.at[pl.ds(s * rpt + t * ch, ch)])
        plsc.subcore_barrier()

        def load_idx(j, slot, sem):
            pltpu.async_copy(src_hbm.at[base + j], sidx3.at[slot], sem)
            pltpu.async_copy(dst_hbm.at[base + j], didx3.at[slot], sem)

        def wait_idx(j, slot, sem):
            pltpu.make_async_copy(src_hbm.at[base + j], sidx3.at[slot],
                                  sem).wait()
            pltpu.make_async_copy(dst_hbm.at[base + j], didx3.at[slot],
                                  sem).wait()

        load_idx(0, 0, isem)
        wait_idx(0, 0, isem)
        pltpu.async_copy(ushr.at[sidx3.at[0]], rows.at[0], gsem)
        load_idx(1, 1, isem)

        def step(j, carry):
            b2 = j % 2
            b3 = j % 3
            pltpu.make_async_copy(ushr.at[sidx3.at[b3]], rows.at[b2],
                                  gsem).wait()

            @pl.when(j > 0)
            def _():
                pltpu.make_async_copy(rows.at[1 - b2],
                                      acc.at[didx3.at[(j + 2) % 3]],
                                      ssem).wait()

            pltpu.async_copy(rows.at[b2], acc.at[didx3.at[b3]], ssem,
                             add=True)

            @pl.when(j + 1 < C)
            def _():
                wait_idx(j + 1, (j + 1) % 3, isem)
                pltpu.async_copy(ushr.at[sidx3.at[(j + 1) % 3]],
                                 rows.at[1 - b2], gsem)

            @pl.when(j + 2 < C)
            def _():
                load_idx(j + 2, (j + 2) % 3, isem)

            return carry

        lax.fori_loop(0, C, step, 0)
        bl2 = (C - 1) % 2
        bl3 = (C - 1) % 3
        pltpu.make_async_copy(rows.at[bl2], acc.at[didx3.at[bl3]],
                              ssem).wait()
        plsc.subcore_barrier()
        pltpu.sync_copy(acc.at[pl.ds(s * rpt, rpt)],
                        out_hbm.at[c, pl.ds(s * rpt, rpt)])

    f = pl.kernel(
        body,
        out_type=jax.ShapeDtypeStruct((2, npad, d), jnp.float32),
        mesh=mesh,
        compiler_params=pltpu.CompilerParams(use_tc_tiling_on_sc=False),
        scratch_types=[
            pltpu.VMEM((3, ch), jnp.int32),
            pltpu.VMEM((3, ch), jnp.int32),
            pltpu.VMEM((2, ch, d), jnp.float32),
            pltpu.VMEM_SHARED((n, d), jnp.float32),
            pltpu.VMEM_SHARED((npad, d), jnp.float32),
            pltpu.SemaphoreType.DMA,
            pltpu.SemaphoreType.DMA,
            pltpu.SemaphoreType.DMA,
        ],
    )
    return f(uh, src2, dst2)


def _sc_agg_spmem(u, src2, dst2, npad):
    n, d = u.shape
    tch, ch = src2.shape
    rpt = npad // 16
    nrt = n // 16
    t_half = tch // 32
    mesh = plsc.VectorSubcoreMesh(core_axis_name="c", subcore_axis_name="s")

    def body(u_hbm, src_hbm, dst_hbm, out_hbm, sidx3, didx3, rows, ushr,
             acc, isem, gsem, ssem):
        c = lax.axis_index("c")
        s = lax.axis_index("s")
        base = (c * 16 + s) * t_half
        C = t_half
        pltpu.sync_copy(u_hbm.at[pl.ds(s * nrt, nrt)],
                        ushr.at[pl.ds(s * nrt, nrt)])
        _fill_const(rows.at[0], ch, d, 0.0)
        for t in range(rpt // ch):
            pltpu.sync_copy(rows.at[0], acc.at[pl.ds(s * rpt + t * ch, ch)])
        plsc.subcore_barrier()

        def load_idx(j, slot, sem):
            pltpu.async_copy(src_hbm.at[base + j], sidx3.at[slot], sem)
            pltpu.async_copy(dst_hbm.at[base + j], didx3.at[slot], sem)

        def wait_idx(j, slot, sem):
            pltpu.make_async_copy(src_hbm.at[base + j], sidx3.at[slot],
                                  sem).wait()
            pltpu.make_async_copy(dst_hbm.at[base + j], didx3.at[slot],
                                  sem).wait()

        load_idx(0, 0, isem)
        wait_idx(0, 0, isem)
        pltpu.async_copy(ushr.at[sidx3.at[0]], rows.at[0], gsem)
        load_idx(1, 1, isem)

        def step(j, carry):
            b2 = j % 2
            b3 = j % 3
            pltpu.make_async_copy(ushr.at[sidx3.at[b3]], rows.at[b2],
                                  gsem).wait()

            @pl.when(j > 0)
            def _():
                pltpu.make_async_copy(rows.at[1 - b2],
                                      acc.at[didx3.at[(j + 2) % 3]],
                                      ssem).wait()

            pltpu.async_copy(rows.at[b2], acc.at[didx3.at[b3]], ssem,
                             add=True)

            @pl.when(j + 1 < C)
            def _():
                wait_idx(j + 1, (j + 1) % 3, isem)
                pltpu.async_copy(ushr.at[sidx3.at[(j + 1) % 3]],
                                 rows.at[1 - b2], gsem)

            @pl.when(j + 2 < C)
            def _():
                load_idx(j + 2, (j + 2) % 3, isem)

            return carry

        lax.fori_loop(0, C, step, 0)
        bl2 = (C - 1) % 2
        bl3 = (C - 1) % 3
        pltpu.make_async_copy(rows.at[bl2], acc.at[didx3.at[bl3]],
                              ssem).wait()
        plsc.subcore_barrier()
        pltpu.sync_copy(acc.at[pl.ds(s * rpt, rpt)],
                        out_hbm.at[c, pl.ds(s * rpt, rpt)])

    f = pl.kernel(
        body,
        out_type=jax.ShapeDtypeStruct((2, npad, d), jnp.float32),
        mesh=mesh,
        compiler_params=pltpu.CompilerParams(use_tc_tiling_on_sc=False),
        scratch_types=[
            pltpu.VMEM((3, ch), jnp.int32),
            pltpu.VMEM((3, ch), jnp.int32),
            pltpu.VMEM((2, ch, d), jnp.float32),
            pltpu.VMEM_SHARED((n, d), jnp.float32),
            pltpu.VMEM_SHARED((npad, d), jnp.float32),
            pltpu.SemaphoreType.DMA,
            pltpu.SemaphoreType.DMA,
            pltpu.SemaphoreType.DMA,
        ],
    )
    return f(u, src2, dst2)


def _sc_agg(u, src2, dst2, npad, t0, t1):
    n, d = u.shape
    tch, ch = src2.shape
    assert 16 * (t0 + t1) == tch
    rpt = npad // 16
    mesh = plsc.VectorSubcoreMesh(core_axis_name="c", subcore_axis_name="s")

    def body(u_hbm, src_hbm, dst_hbm, out_hbm, sidx3, didx3, rows, acc,
             isem, gsem, ssem):
        c = lax.axis_index("c")
        s = lax.axis_index("s")
        C = jnp.where(c == 0, t0, t1)
        base = jnp.where(c == 0, s * t0, 16 * t0 + s * t1)
        _fill_const(rows.at[0], ch, d, 0.0)
        for t in range(rpt // ch):
            pltpu.sync_copy(rows.at[0], acc.at[pl.ds(s * rpt + t * ch, ch)])
        plsc.subcore_barrier()

        def load_idx(j, slot, sem):
            pltpu.async_copy(src_hbm.at[base + j], sidx3.at[slot], sem)
            pltpu.async_copy(dst_hbm.at[base + j], didx3.at[slot], sem)

        def wait_idx(j, slot, sem):
            pltpu.make_async_copy(src_hbm.at[base + j], sidx3.at[slot],
                                  sem).wait()
            pltpu.make_async_copy(dst_hbm.at[base + j], didx3.at[slot],
                                  sem).wait()

        load_idx(0, 0, isem)
        wait_idx(0, 0, isem)
        pltpu.async_copy(u_hbm.at[sidx3.at[0]], rows.at[0], gsem)
        load_idx(1, 1, isem)

        def step(j, carry):
            b2 = j % 2
            b3 = j % 3
            pltpu.make_async_copy(u_hbm.at[sidx3.at[b3]], rows.at[b2],
                                  gsem).wait()

            @pl.when(j > 0)
            def _():
                pltpu.make_async_copy(rows.at[1 - b2],
                                      acc.at[didx3.at[(j + 2) % 3]],
                                      ssem).wait()

            pltpu.async_copy(rows.at[b2], acc.at[didx3.at[b3]], ssem,
                             add=True)

            @pl.when(j + 1 < C)
            def _():
                wait_idx(j + 1, (j + 1) % 3, isem)
                pltpu.async_copy(u_hbm.at[sidx3.at[(j + 1) % 3]],
                                 rows.at[1 - b2], gsem)

            @pl.when(j + 2 < C)
            def _():
                load_idx(j + 2, (j + 2) % 3, isem)

            return carry

        lax.fori_loop(0, C, step, 0)
        bl2 = (C - 1) % 2
        bl3 = (C - 1) % 3
        pltpu.make_async_copy(rows.at[bl2], acc.at[didx3.at[bl3]],
                              ssem).wait()
        plsc.subcore_barrier()
        pltpu.sync_copy(acc.at[pl.ds(s * rpt, rpt)],
                        out_hbm.at[c, pl.ds(s * rpt, rpt)])

    f = pl.kernel(
        body,
        out_type=jax.ShapeDtypeStruct((2, npad, d), jnp.float32),
        mesh=mesh,
        compiler_params=pltpu.CompilerParams(use_tc_tiling_on_sc=False),
        scratch_types=[
            pltpu.VMEM((3, ch), jnp.int32),
            pltpu.VMEM((3, ch), jnp.int32),
            pltpu.VMEM((2, ch, d), jnp.float32),
            pltpu.VMEM_SHARED((npad, d), jnp.float32),
            pltpu.SemaphoreType.DMA,
            pltpu.SemaphoreType.DMA,
            pltpu.SemaphoreType.DMA,
        ],
    )
    return f(u, src2, dst2)



def _mm_body(x_ref, w_ref, o_ref):
    o_ref[...] = jnp.dot(x_ref[...], w_ref[...],
                         preferred_element_type=jnp.float32)


def _tc_matmul(x, w):
    n, k = x.shape
    m = w.shape[1]
    return pl.pallas_call(
        _mm_body,
        grid=(n // _RB,),
        in_specs=[
            pl.BlockSpec((_RB, k), lambda i: (i, 0)),
            pl.BlockSpec((k, m), lambda i: (0, 0)),
        ],
        out_specs=pl.BlockSpec((_RB, m), lambda i: (i, 0)),
        out_shape=jax.ShapeDtypeStruct((n, m), jnp.float32),
    )(x, w)


def _scale_body(h_ref, a_ref, b_ref, o_ref):
    hw = h_ref.shape[1] // 2
    dinv = lax.rsqrt(1.0 + a_ref[0, :, 0:1] + b_ref[0, :, 0:1])
    u = h_ref[...] * dinv
    o_ref[0] = u[:, :hw]
    o_ref[1] = u[:, hw:]


def _dg0(i):
    return (0, i, 0)


def _dg1(i):
    return (1, i, 0)


def _tc_scale(h, deg):
    n, m = h.shape
    hw = m // 2
    return pl.pallas_call(
        _scale_body,
        grid=(n // _RB,),
        in_specs=[
            pl.BlockSpec((_RB, m), lambda i: (i, 0)),
            pl.BlockSpec((1, _RB, 16), _dg0),
            pl.BlockSpec((1, _RB, 16), _dg1),
        ],
        out_specs=pl.BlockSpec((2, _RB, hw), lambda i: (0, i, 0)),
        out_shape=jax.ShapeDtypeStruct((2, n, hw), jnp.float32),
    )(h, deg, deg)


def _l2_body(p0_ref, p1_ref, ua_ref, ub_ref,
             a_ref, b_ref, b1a_ref, b1b_ref, w2a_ref, w2b_ref, o_ref):
    dinv = lax.rsqrt(1.0 + a_ref[0, :, 0:1] + b_ref[0, :, 0:1])
    t0 = dinv * (p0_ref[0] + ua_ref[0]) + b1a_ref[0]
    t1 = dinv * (p1_ref[0] + ub_ref[0]) + b1b_ref[0]
    t0 = jnp.maximum(t0, 0.0)
    t1 = jnp.maximum(t1, 0.0)
    o_ref[...] = dinv * (
        jnp.dot(t0, w2a_ref[...], preferred_element_type=jnp.float32)
        + jnp.dot(t1, w2b_ref[...], preferred_element_type=jnp.float32))


def _tc_layer2(p2, uh, deg, b1, w2):
    _, n, hw = uh.shape
    ncls = w2.shape[1]
    return pl.pallas_call(
        _l2_body,
        grid=(n // _RB,),
        in_specs=[
            pl.BlockSpec((1, _RB, hw), _dg0),
            pl.BlockSpec((1, _RB, hw), _dg1),
            pl.BlockSpec((1, _RB, hw), lambda i: (0, i, 0)),
            pl.BlockSpec((1, _RB, hw), lambda i: (1, i, 0)),
            pl.BlockSpec((1, _RB, 16), _dg0),
            pl.BlockSpec((1, _RB, 16), _dg1),
            pl.BlockSpec((1, 1, hw), lambda i: (0, 0, 0)),
            pl.BlockSpec((1, 1, hw), lambda i: (1, 0, 0)),
            pl.BlockSpec((hw, ncls), lambda i: (0, 0)),
            pl.BlockSpec((hw, ncls), lambda i: (1, 0)),
        ],
        out_specs=pl.BlockSpec((_RB, ncls), lambda i: (i, 0)),
        out_shape=jax.ShapeDtypeStruct((n, ncls), jnp.float32),
    )(p2, p2, uh, uh, deg, deg, b1, b1, w2, w2)


def _fin_body(q0_ref, q1_ref, u2_ref, a_ref, b_ref, b2_ref, o_ref):
    dinv = lax.rsqrt(1.0 + a_ref[0, :, 0:1] + b_ref[0, :, 0:1])
    z = dinv * (q0_ref[0] + q1_ref[0] + u2_ref[...]) + b2_ref[...]
    z = z - jnp.max(z, axis=1, keepdims=True)
    e = jnp.exp(z)
    o_ref[...] = e / jnp.sum(e, axis=1, keepdims=True)


def _tc_final(q, u2, deg, b2):
    n, ncls = u2.shape
    return pl.pallas_call(
        _fin_body,
        grid=(n // _RB,),
        in_specs=[
            pl.BlockSpec((1, _RB, ncls), _dg0),
            pl.BlockSpec((1, _RB, ncls), _dg1),
            pl.BlockSpec((_RB, ncls), lambda i: (i, 0)),
            pl.BlockSpec((1, _RB, 16), _dg0),
            pl.BlockSpec((1, _RB, 16), _dg1),
            pl.BlockSpec((1, ncls), lambda i: (0, 0)),
        ],
        out_specs=pl.BlockSpec((_RB, ncls), lambda i: (i, 0)),
        out_shape=jax.ShapeDtypeStruct((n, ncls), jnp.float32),
    )(q, q, u2, deg, deg, b2)



def kernel(x, edge_index, W1, b1, W2, b2):
    n, _ = x.shape
    e = edge_index.shape[1]

    C = _cdiv(e, _NSLAB * _CH)
    epad = _NSLAB * C * _CH
    npad = (n // (16 * _CH) + 1) * (16 * _CH)

    pad = epad - e
    src = edge_index[0]
    dst = edge_index[1]
    src2 = jnp.concatenate(
        [src, jnp.zeros((pad,), jnp.int32)]).reshape(_NSLAB * C, _CH)
    dst2 = jnp.concatenate(
        [dst, jnp.full((pad,), n, jnp.int32)]).reshape(_NSLAB * C, _CH)

    tot = _NSLAB * C // 16

    deg = _sc_degree(dst2.reshape(_NSLAB, C, _CH), npad)

    h1 = _tc_matmul(x, W1)
    u1h = _tc_scale(h1, deg)

    p4 = _sc_agg128(u1h, src2, dst2, npad)
    u2 = _tc_layer2(p4, u1h, deg, b1.reshape(2, 1, -1), W2)

    q = _sc_agg_spmem(u2, src2, dst2, npad)
    return _tc_final(q, u2, deg, b2.reshape(1, -1))

# --- scband reference (transcript-rebuilt; emitter-appended) ---
"""Pipeline reference for scband-gcn-43654047596702 (READ-ONLY COPY).

The authoritative reference and input builder live on the scoring server;
editing this copy changes nothing except your own understanding.
"""

import jax, jax.numpy as jnp
import numpy as np

N = 10000
E = 320000
D_IN = 128
D_HID = 128
N_CLS = 16


def _glorot(key, shape):
    fan_in, fan_out = shape[0], shape[1]
    limit = float(np.sqrt(6.0 / (fan_in + fan_out)))
    return jax.random.uniform(key, shape, dtype=jnp.float32, minval=-limit, maxval=limit)


def setup_inputs(seed: int = 0) -> dict:
    key = jax.random.key(seed)
    k1, k2, k3, k4 = jax.random.split(key, 4)
    x = jax.random.normal(k1, (N, D_IN), dtype=jnp.float32)
    edge_index = jax.random.randint(k2, (2, E), 0, N, dtype=jnp.int32)
    W1 = _glorot(k3, (D_IN, D_HID))
    b1 = jnp.zeros((D_HID,), dtype=jnp.float32)
    W2 = _glorot(k4, (D_HID, N_CLS))
    b2 = jnp.zeros((N_CLS,), dtype=jnp.float32)
    return {"x": x, "edge_index": edge_index, "W1": W1, "b1": b1, "W2": W2, "b2": b2}


def _gcn_conv(x, edge_index, W, b):
    # GCNConv: out = D^{-1/2} (A + I) D^{-1/2} (x @ W) + b
    n = x.shape[0]
    loop = jnp.arange(n, dtype=edge_index.dtype)
    src = jnp.concatenate([edge_index[0], loop])
    dst = jnp.concatenate([edge_index[1], loop])
    h = x @ W
    deg = jnp.zeros((n,), dtype=h.dtype).at[dst].add(1.0)
    dinv = jnp.where(deg > 0, jax.lax.rsqrt(jnp.maximum(deg, 1e-12)), 0.0)
    norm = dinv[src] * dinv[dst]
    msg = h[src] * norm[:, None]
    out = jax.ops.segment_sum(msg, dst, num_segments=n)
    return out + b


def reference(x, edge_index, W1, b1, W2, b2):
    h = _gcn_conv(x, edge_index, W1, b1)
    h = jax.nn.relu(h)
    # dropout is identity in eval mode
    h = _gcn_conv(h, edge_index, W2, b2)
    return jax.nn.softmax(h, axis=1)

if __name__ == "__main__":
    import jax
    _d = setup_inputs()
    print(jax.jit(kernel)(*tuple(_d.values())))

</pallas_src>

<mosaic_0001>
#map = affine_map<(d0, d1) -> (0, 0, 0)>
module attributes {stable_mosaic.version = 14 : i64} {
  func.func @body(%arg0: i32, %arg1: i32, %arg2: memref<32x79x128xi32, #tpu.memory_space<hbm>>, %arg3: memref<2x10240x16xf32, #tpu.memory_space<hbm>>, %arg4: memref<79x128xi32, #tpu.memory_space<vmem>>, %arg5: memref<128x16xf32, #tpu.memory_space<vmem>>, %arg6: memref<128x16xf32, #tpu.memory_space<vmem>>, %arg7: memref<10240x16xf32, #tpu.memory_space<vmem_shared>>) attributes {dimension_semantics = [#tpu.dimension_semantics<core_parallel>, #tpu.dimension_semantics<subcore_parallel>], iteration_bounds = array<i64: 2, 16>, scalar_prefetch = 0 : i64, scratch_operands = 4 : i64, tpu.core_type = #tpu.core_type<sc_vector_subcore>, window_params = [{transform_indices = #map}, {transform_indices = #map}]} {
    %mul3A = arith.constant 16 : i32
    %mul3A_0 = arith.muli %arg0, %mul3A : i32
    %add3A = arith.addi %mul3A_0, %arg1 : i32
    "tpu.region"() ({
      %run_scoped3A = tpu.sem_alloc : memref<!tpu.dma_semaphore, #tpu.memory_space<semaphore_mem>>
      %dma_start3A = arith.constant 0 : i32
      %dma_start3A_46 = arith.constant 0 : i32
      %dma_start3A_47 = tpu.memref_slice %arg2[%add3A, %dma_start3A, %dma_start3A_46] : memref<32x79x128xi32, #tpu.memory_space<hbm>> -> memref<1x79x128xi32, #tpu.memory_space<hbm>>
      %dma_start3A_48 = tpu.memref_squeeze %dma_start3A_47 : memref<1x79x128xi32, #tpu.memory_space<hbm>> -> memref<79x128xi32, #tpu.memory_space<hbm>>
      %dma_start3A_49 = arith.constant 0 : i32
      %dma_start3A_50 = arith.constant 0 : i32
      %dma_start3A_51 = tpu.memref_slice %arg2[%add3A, %dma_start3A_49, %dma_start3A_50] : memref<32x79x128xi32, #tpu.memory_space<hbm>> -> memref<1x79x128xi32, #tpu.memory_space<hbm>>
      %dma_start3A_52 = tpu.memref_squeeze %dma_start3A_51 : memref<1x79x128xi32, #tpu.memory_space<hbm>> -> memref<79x128xi32, #tpu.memory_space<hbm>>
      tpu.enqueue_dma source(%dma_start3A_52 : memref<79x128xi32, #tpu.memory_space<hbm>>) target(%arg4 : memref<79x128xi32, #tpu.memory_space<vmem>>) target_semaphore(%run_scoped3A : memref<!tpu.dma_semaphore, #tpu.memory_space<semaphore_mem>>)
      %dma_wait3A = arith.constant 0 : i32
      %dma_wait3A_53 = arith.constant 0 : i32
      %dma_wait3A_54 = tpu.memref_slice %arg2[%add3A, %dma_wait3A, %dma_wait3A_53] : memref<32x79x128xi32, #tpu.memory_space<hbm>> -> memref<1x79x128xi32, #tpu.memory_space<hbm>>
      %dma_wait3A_55 = tpu.memref_squeeze %dma_wait3A_54 : memref<1x79x128xi32, #tpu.memory_space<hbm>> -> memref<79x128xi32, #tpu.memory_space<hbm>>
      %dma_wait3A_56 = arith.constant 0 : i32
      %dma_wait3A_57 = arith.constant 0 : i32
      %dma_wait3A_58 = tpu.memref_slice %arg2[%add3A, %dma_wait3A_56, %dma_wait3A_57] : memref<32x79x128xi32, #tpu.memory_space<hbm>> -> memref<1x79x128xi32, #tpu.memory_space<hbm>>
      %dma_wait3A_59 = tpu.memref_squeeze %dma_wait3A_58 : memref<1x79x128xi32, #tpu.memory_space<hbm>> -> memref<79x128xi32, #tpu.memory_space<hbm>>
      tpu.wait_dma2 semaphore(%run_scoped3A : memref<!tpu.dma_semaphore, #tpu.memory_space<semaphore_mem>>) src(%dma_wait3A_59 : memref<79x128xi32, #tpu.memory_space<hbm>>) dst(%arg4 : memref<79x128xi32, #tpu.memory_space<vmem>>)
      tpu.yield
    }) : () -> ()
    %broadcast_in_dim3A = arith.constant 1.000000e+00 : f32
    %broadcast_in_dim3A_1 = vector.broadcast %broadcast_in_dim3A : f32 to vector<16xf32>
    %scan3A = arith.constant 0 : i32
    %scan3A_2 = arith.constant 0 : i32
    %scan3A_3 = arith.constant 128 : i32
    %scan3A_4 = arith.addi %scan3A_2, %scan3A_3 : i32
    %scan3A_5 = arith.constant 1 : i32
    scf.for %scan3A_46 = %scan3A_2 to %scan3A_4 step %scan3A_5  : i32 {
      %swap3A = arith.index_cast %scan3A_46 : i32 to index
      %swap3A_47 = arith.constant 0 : index
      %swap3A_48 = tpu.vector_load %arg5[%swap3A, %swap3A_47] {strides = array<i32>} : memref<128x16xf32, #tpu.memory_space<vmem>>, vector<1x16xf32>,
      %swap3A_49 = vector.shape_cast %swap3A_48 : vector<1x16xf32> to vector<16xf32>
      %swap3A_50 = vector.shape_cast %broadcast_in_dim3A_1 : vector<16xf32> to vector<1x16xf32>
      tpu.vector_store %arg5[%swap3A, %swap3A_47], %swap3A_50 {strides = array<i32>} : memref<128x16xf32, #tpu.memory_space<vmem>>, vector<1x16xf32>,
    }
    %scan3A_6 = arith.constant 128 : i32
    %broadcast_in_dim3A_7 = arith.constant 0.000000e+00 : f32
    %broadcast_in_dim3A_8 = vector.broadcast %broadcast_in_dim3A_7 : f32 to vector<16xf32>
    %scan3A_9 = arith.constant 0 : i32
    %scan3A_10 = arith.constant 0 : i32
    %scan3A_11 = arith.constant 128 : i32
    %scan3A_12 = arith.addi %scan3A_10, %scan3A_11 : i32
    %scan3A_13 = arith.constant 1 : i32
    scf.for %scan3A_46 = %scan3A_10 to %scan3A_12 step %scan3A_13  : i32 {
      %swap3A = arith.index_cast %scan3A_46 : i32 to index
      %swap3A_47 = arith.constant 0 : index
      %swap3A_48 = tpu.vector_load %arg6[%swap3A, %swap3A_47] {strides = array<i32>} : memref<128x16xf32, #tpu.memory_space<vmem>>, vector<1x16xf32>,
      %swap3A_49 = vector.shape_cast %swap3A_48 : vector<1x16xf32> to vector<16xf32>
      %swap3A_50 = vector.shape_cast %broadcast_in_dim3A_8 : vector<16xf32> to vector<1x16xf32>
      tpu.vector_store %arg6[%swap3A, %swap3A_47], %swap3A_50 {strides = array<i32>} : memref<128x16xf32, #tpu.memory_space<vmem>>, vector<1x16xf32>,
    }
    %scan3A_14 = arith.constant 128 : i32
    %mul3A_15 = arith.constant 640 : i32
    %mul3A_16 = arith.muli %arg1, %mul3A_15 : i32
    %add3A_17 = arith.constant 0 : i32
    %add3A_18 = arith.addi %mul3A_16, %add3A_17 : i32
    "tpu.region"() ({
      %run_scoped3A = tpu.sem_alloc : memref<!tpu.dma_semaphore, #tpu.memory_space<semaphore_mem>>
      %dma_start3A = arith.constant 0 : i32
      %dma_start3A_46 = tpu.memref_slice %arg7[%add3A_18, %dma_start3A] : memref<10240x16xf32, #tpu.memory_space<vmem_shared>> -> memref<128x16xf32, #tpu.memory_space<vmem_shared>>
      %dma_start3A_47 = arith.constant 0 : i32
      %dma_start3A_48 = tpu.memref_slice %arg7[%add3A_18, %dma_start3A_47] : memref<10240x16xf32, #tpu.memory_space<vmem_shared>> -> memref<128x16xf32, #tpu.memory_space<vmem_shared>>
      tpu.enqueue_dma source(%arg6 : memref<128x16xf32, #tpu.memory_space<vmem>>) target(%dma_start3A_48 : memref<128x16xf32, #tpu.memory_space<vmem_shared>>) target_semaphore(%run_scoped3A : memref<!tpu.dma_semaphore, #tpu.memory_space<semaphore_mem>>)
      %dma_wait3A = arith.constant 0 : i32
      %dma_wait3A_49 = tpu.memref_slice %arg7[%add3A_18, %dma_wait3A] : memref<10240x16xf32, #tpu.memory_space<vmem_shared>> -> memref<128x16xf32, #tpu.memory_space<vmem_shared>>
      %dma_wait3A_50 = arith.constant 0 : i32
      %dma_wait3A_51 = tpu.memref_slice %arg7[%add3A_18, %dma_wait3A_50] : memref<10240x16xf32, #tpu.memory_space<vmem_shared>> -> memref<128x16xf32, #tpu.memory_space<vmem_shared>>
      tpu.wait_dma2 semaphore(%run_scoped3A : memref<!tpu.dma_semaphore, #tpu.memory_space<semaphore_mem>>) src(%arg6 : memref<128x16xf32, #tpu.memory_space<vmem>>) dst(%dma_wait3A_51 : memref<128x16xf32, #tpu.memory_space<vmem_shared>>)
      tpu.yield
    }) : () -> ()
    %mul3A_19 = arith.constant 640 : i32
    %mul3A_20 = arith.muli %arg1, %mul3A_19 : i32
    %add3A_21 = arith.constant 128 : i32
    %add3A_22 = arith.addi %mul3A_20, %add3A_21 : i32
    "tpu.region"() ({
      %run_scoped3A = tpu.sem_alloc : memref<!tpu.dma_semaphore, #tpu.memory_space<semaphore_mem>>
      %dma_start3A = arith.constant 0 : i32
      %dma_start3A_46 = tpu.memref_slice %arg7[%add3A_22, %dma_start3A] : memref<10240x16xf32, #tpu.memory_space<vmem_shared>> -> memref<128x16xf32, #tpu.memory_space<vmem_shared>>
      %dma_start3A_47 = arith.constant 0 : i32
      %dma_start3A_48 = tpu.memref_slice %arg7[%add3A_22, %dma_start3A_47] : memref<10240x16xf32, #tpu.memory_space<vmem_shared>> -> memref<128x16xf32, #tpu.memory_space<vmem_shared>>
      tpu.enqueue_dma source(%arg6 : memref<128x16xf32, #tpu.memory_space<vmem>>) target(%dma_start3A_48 : memref<128x16xf32, #tpu.memory_space<vmem_shared>>) target_semaphore(%run_scoped3A : memref<!tpu.dma_semaphore, #tpu.memory_space<semaphore_mem>>)
      %dma_wait3A = arith.constant 0 : i32
      %dma_wait3A_49 = tpu.memref_slice %arg7[%add3A_22, %dma_wait3A] : memref<10240x16xf32, #tpu.memory_space<vmem_shared>> -> memref<128x16xf32, #tpu.memory_space<vmem_shared>>
      %dma_wait3A_50 = arith.constant 0 : i32
      %dma_wait3A_51 = tpu.memref_slice %arg7[%add3A_22, %dma_wait3A_50] : memref<10240x16xf32, #tpu.memory_space<vmem_shared>> -> memref<128x16xf32, #tpu.memory_space<vmem_shared>>
      tpu.wait_dma2 semaphore(%run_scoped3A : memref<!tpu.dma_semaphore, #tpu.memory_space<semaphore_mem>>) src(%arg6 : memref<128x16xf32, #tpu.memory_space<vmem>>) dst(%dma_wait3A_51 : memref<128x16xf32, #tpu.memory_space<vmem_shared>>)
      tpu.yield
    }) : () -> ()
    %mul3A_23 = arith.constant 640 : i32
    %mul3A_24 = arith.muli %arg1, %mul3A_23 : i32
    %add3A_25 = arith.constant 256 : i32
    %add3A_26 = arith.addi %mul3A_24, %add3A_25 : i32
    "tpu.region"() ({
      %run_scoped3A = tpu.sem_alloc : memref<!tpu.dma_semaphore, #tpu.memory_space<semaphore_mem>>
      %dma_start3A = arith.constant 0 : i32
      %dma_start3A_46 = tpu.memref_slice %arg7[%add3A_26, %dma_start3A] : memref<10240x16xf32, #tpu.memory_space<vmem_shared>> -> memref<128x16xf32, #tpu.memory_space<vmem_shared>>
      %dma_start3A_47 = arith.constant 0 : i32
      %dma_start3A_48 = tpu.memref_slice %arg7[%add3A_26, %dma_start3A_47] : memref<10240x16xf32, #tpu.memory_space<vmem_shared>> -> memref<128x16xf32, #tpu.memory_space<vmem_shared>>
      tpu.enqueue_dma source(%arg6 : memref<128x16xf32, #tpu.memory_space<vmem>>) target(%dma_start3A_48 : memref<128x16xf32, #tpu.memory_space<vmem_shared>>) target_semaphore(%run_scoped3A : memref<!tpu.dma_semaphore, #tpu.memory_space<semaphore_mem>>)
      %dma_wait3A = arith.constant 0 : i32
      %dma_wait3A_49 = tpu.memref_slice %arg7[%add3A_26, %dma_wait3A] : memref<10240x16xf32, #tpu.memory_space<vmem_shared>> -> memref<128x16xf32, #tpu.memory_space<vmem_shared>>
      %dma_wait3A_50 = arith.constant 0 : i32
      %dma_wait3A_51 = tpu.memref_slice %arg7[%add3A_26, %dma_wait3A_50] : memref<10240x16xf32, #tpu.memory_space<vmem_shared>> -> memref<128x16xf32, #tpu.memory_space<vmem_shared>>
      tpu.wait_dma2 semaphore(%run_scoped3A : memref<!tpu.dma_semaphore, #tpu.memory_space<semaphore_mem>>) src(%arg6 : memref<128x16xf32, #tpu.memory_space<vmem>>) dst(%dma_wait3A_51 : memref<128x16xf32, #tpu.memory_space<vmem_shared>>)
      tpu.yield
    }) : () -> ()
    %mul3A_27 = arith.constant 640 : i32
    %mul3A_28 = arith.muli %arg1, %mul3A_27 : i32
    %add3A_29 = arith.constant 384 : i32
    %add3A_30 = arith.addi %mul3A_28, %add3A_29 : i32
    "tpu.region"() ({
      %run_scoped3A = tpu.sem_alloc : memref<!tpu.dma_semaphore, #tpu.memory_space<semaphore_mem>>
      %dma_start3A = arith.constant 0 : i32
      %dma_start3A_46 = tpu.memref_slice %arg7[%add3A_30, %dma_start3A] : memref<10240x16xf32, #tpu.memory_space<vmem_shared>> -> memref<128x16xf32, #tpu.memory_space<vmem_shared>>
      %dma_start3A_47 = arith.constant 0 : i32
      %dma_start3A_48 = tpu.memref_slice %arg7[%add3A_30, %dma_start3A_47] : memref<10240x16xf32, #tpu.memory_space<vmem_shared>> -> memref<128x16xf32, #tpu.memory_space<vmem_shared>>
      tpu.enqueue_dma source(%arg6 : memref<128x16xf32, #tpu.memory_space<vmem>>) target(%dma_start3A_48 : memref<128x16xf32, #tpu.memory_space<vmem_shared>>) target_semaphore(%run_scoped3A : memref<!tpu.dma_semaphore, #tpu.memory_space<semaphore_mem>>)
      %dma_wait3A = arith.constant 0 : i32
      %dma_wait3A_49 = tpu.memref_slice %arg7[%add3A_30, %dma_wait3A] : memref<10240x16xf32, #tpu.memory_space<vmem_shared>> -> memref<128x16xf32, #tpu.memory_space<vmem_shared>>
      %dma_wait3A_50 = arith.constant 0 : i32
      %dma_wait3A_51 = tpu.memref_slice %arg7[%add3A_30, %dma_wait3A_50] : memref<10240x16xf32, #tpu.memory_space<vmem_shared>> -> memref<128x16xf32, #tpu.memory_space<vmem_shared>>
      tpu.wait_dma2 semaphore(%run_scoped3A : memref<!tpu.dma_semaphore, #tpu.memory_space<semaphore_mem>>) src(%arg6 : memref<128x16xf32, #tpu.memory_space<vmem>>) dst(%dma_wait3A_51 : memref<128x16xf32, #tpu.memory_space<vmem_shared>>)
      tpu.yield
    }) : () -> ()
    %mul3A_31 = arith.constant 640 : i32
    %mul3A_32 = arith.muli %arg1, %mul3A_31 : i32
    %add3A_33 = arith.constant 512 : i32
    %add3A_34 = arith.addi %mul3A_32, %add3A_33 : i32
    "tpu.region"() ({
      %run_scoped3A = tpu.sem_alloc : memref<!tpu.dma_semaphore, #tpu.memory_space<semaphore_mem>>
      %dma_start3A = arith.constant 0 : i32
      %dma_start3A_46 = tpu.memref_slice %arg7[%add3A_34, %dma_start3A] : memref<10240x16xf32, #tpu.memory_space<vmem_shared>> -> memref<128x16xf32, #tpu.memory_space<vmem_shared>>
      %dma_start3A_47 = arith.constant 0 : i32
      %dma_start3A_48 = tpu.memref_slice %arg7[%add3A_34, %dma_start3A_47] : memref<10240x16xf32, #tpu.memory_space<vmem_shared>> -> memref<128x16xf32, #tpu.memory_space<vmem_shared>>
      tpu.enqueue_dma source(%arg6 : memref<128x16xf32, #tpu.memory_space<vmem>>) target(%dma_start3A_48 : memref<128x16xf32, #tpu.memory_space<vmem_shared>>) target_semaphore(%run_scoped3A : memref<!tpu.dma_semaphore, #tpu.memory_space<semaphore_mem>>)
      %dma_wait3A = arith.constant 0 : i32
      %dma_wait3A_49 = tpu.memref_slice %arg7[%add3A_34, %dma_wait3A] : memref<10240x16xf32, #tpu.memory_space<vmem_shared>> -> memref<128x16xf32, #tpu.memory_space<vmem_shared>>
      %dma_wait3A_50 = arith.constant 0 : i32
      %dma_wait3A_51 = tpu.memref_slice %arg7[%add3A_34, %dma_wait3A_50] : memref<10240x16xf32, #tpu.memory_space<vmem_shared>> -> memref<128x16xf32, #tpu.memory_space<vmem_shared>>
      tpu.wait_dma2 semaphore(%run_scoped3A : memref<!tpu.dma_semaphore, #tpu.memory_space<semaphore_mem>>) src(%arg6 : memref<128x16xf32, #tpu.memory_space<vmem>>) dst(%dma_wait3A_51 : memref<128x16xf32, #tpu.memory_space<vmem_shared>>)
      tpu.yield
    }) : () -> ()
    %barrier3A = arith.constant 0 : index
    tpu.barrier barrier_id(%barrier3A)
    %scan3A_35 = arith.constant 0 : i32
    %scan3A_36 = arith.constant 0 : i32
    %scan3A_37 = arith.constant 79 : i32
    %scan3A_38 = arith.addi %scan3A_36, %scan3A_37 : i32
    %scan3A_39 = arith.constant 1 : i32
    scf.for %scan3A_46 = %scan3A_36 to %scan3A_38 step %scan3A_39  : i32 {
      "tpu.region"() ({
        %run_scoped3A = tpu.sem_alloc : memref<!tpu.dma_semaphore, #tpu.memory_space<semaphore_mem>>
        %dma_start3A = arith.constant 0 : i32
        %dma_start3A_47 = tpu.memref_slice %arg4[%scan3A_46, %dma_start3A] : memref<79x128xi32, #tpu.memory_space<vmem>> -> memref<1x128xi32, #tpu.memory_space<vmem>>
        %dma_start3A_48 = tpu.memref_squeeze %dma_start3A_47 : memref<1x128xi32, #tpu.memory_space<vmem>> -> memref<128xi32, #tpu.memory_space<vmem>>
        %dma_start3A_49 = arith.constant 0 : i32
        %dma_start3A_50 = arith.constant 0 : i32
        %dma_start3A_51 = tpu.memref_slice %arg7[%dma_start3A_49, %dma_start3A_50] : memref<10240x16xf32, #tpu.memory_space<vmem_shared>> -> memref<10240x16xf32, #tpu.memory_space<vmem_shared>>
        tpu.enqueue_indirect_dma source(%arg5 : memref<128x16xf32, #tpu.memory_space<vmem>>) target(%dma_start3A_51 : memref<10240x16xf32, #tpu.memory_space<vmem_shared>>) offsets(%dma_start3A_48 : memref<128xi32, #tpu.memory_space<vmem>>) semaphore(%run_scoped3A : memref<!tpu.dma_semaphore, #tpu.memory_space<semaphore_mem>>) {add = true}
        %dma_wait3A = arith.constant 0 : i32
        %dma_wait3A_52 = tpu.memref_slice %arg4[%scan3A_46, %dma_wait3A] : memref<79x128xi32, #tpu.memory_space<vmem>> -> memref<1x128xi32, #tpu.memory_space<vmem>>
        %dma_wait3A_53 = tpu.memref_squeeze %dma_wait3A_52 : memref<1x128xi32, #tpu.memory_space<vmem>> -> memref<128xi32, #tpu.memory_space<vmem>>
        %dma_wait3A_54 = arith.constant 0 : i32
        %dma_wait3A_55 = arith.constant 0 : i32
        %dma_wait3A_56 = tpu.memref_slice %arg7[%dma_wait3A_54, %dma_wait3A_55] : memref<10240x16xf32, #tpu.memory_space<vmem_shared>> -> memref<10240x16xf32, #tpu.memory_space<vmem_shared>>
        tpu.wait_indirect_dma semaphore(%run_scoped3A : memref<!tpu.dma_semaphore, #tpu.memory_space<semaphore_mem>>) src(%arg5 : memref<128x16xf32, #tpu.memory_space<vmem>>) dst(%dma_wait3A_56 : memref<10240x16xf32, #tpu.memory_space<vmem_shared>>)
        tpu.yield
      }) : () -> ()
    }
    %scan3A_40 = arith.constant 79 : i32
    %barrier3A_41 = arith.constant 0 : index
    tpu.barrier barrier_id(%barrier3A_41)
    %mul3A_42 = arith.constant 640 : i32
    %mul3A_43 = arith.muli %arg1, %mul3A_42 : i32
    %mul3A_44 = arith.constant 640 : i32
    %mul3A_45 = arith.muli %arg1, %mul3A_44 : i32
    "tpu.region"() ({
      %run_scoped3A = tpu.sem_alloc : memref<!tpu.dma_semaphore, #tpu.memory_space<semaphore_mem>>
      %dma_start3A = arith.constant 0 : i32
      %dma_start3A_46 = tpu.memref_slice %arg3[%arg0, %mul3A_45, %dma_start3A] : memref<2x10240x16xf32, #tpu.memory_space<hbm>> -> memref<1x640x16xf32, #tpu.memory_space<hbm>>
      %dma_start3A_47 = tpu.memref_squeeze %dma_start3A_46 : memref<1x640x16xf32, #tpu.memory_space<hbm>> -> memref<640x16xf32, #tpu.memory_space<hbm>>
      %dma_start3A_48 = arith.constant 0 : i32
      %dma_start3A_49 = tpu.memref_slice %arg7[%mul3A_43, %dma_start3A_48] : memref<10240x16xf32, #tpu.memory_space<vmem_shared>> -> memref<640x16xf32, #tpu.memory_space<vmem_shared>>
      tpu.enqueue_dma source(%dma_start3A_49 : memref<640x16xf32, #tpu.memory_space<vmem_shared>>) target(%dma_start3A_47 : memref<640x16xf32, #tpu.memory_space<hbm>>) target_semaphore(%run_scoped3A : memref<!tpu.dma_semaphore, #tpu.memory_space<semaphore_mem>>)
      %dma_wait3A = arith.constant 0 : i32
      %dma_wait3A_50 = tpu.memref_slice %arg3[%arg0, %mul3A_45, %dma_wait3A] : memref<2x10240x16xf32, #tpu.memory_space<hbm>> -> memref<1x640x16xf32, #tpu.memory_space<hbm>>
      %dma_wait3A_51 = tpu.memref_squeeze %dma_wait3A_50 : memref<1x640x16xf32, #tpu.memory_space<hbm>> -> memref<640x16xf32, #tpu.memory_space<hbm>>
      %dma_wait3A_52 = arith.constant 0 : i32
      %dma_wait3A_53 = tpu.memref_slice %arg7[%mul3A_43, %dma_wait3A_52] : memref<10240x16xf32, #tpu.memory_space<vmem_shared>> -> memref<640x16xf32, #tpu.memory_space<vmem_shared>>
      tpu.wait_dma2 semaphore(%run_scoped3A : memref<!tpu.dma_semaphore, #tpu.memory_space<semaphore_mem>>) src(%dma_wait3A_53 : memref<640x16xf32, #tpu.memory_space<vmem_shared>>) dst(%dma_wait3A_51 : memref<640x16xf32, #tpu.memory_space<hbm>>)
      tpu.yield
    }) : () -> ()
    return
  }
}

#map = affine_map<(d0, d1) -> (0, 0)>
#map1 = affine_map<(d0, d1) -> (0, 0, 0)>
module attributes {stable_mosaic.version = 14 : i64} {
  func.func @body(%arg0: i32, %arg1: i32, %arg2: memref<10000x16xf32, #tpu.memory_space<hbm>>, %arg3: memref<2528x128xi32, #tpu.memory_space<hbm>>, %arg4: memref<2528x128xi32, #tpu.memory_space<hbm>>, %arg5: memref<2x10240x16xf32, #tpu.memory_space<hbm>>, %arg6: memref<3x128xi32, #tpu.memory_space<vmem>>, %arg7: memref<3x128xi32, #tpu.memory_space<vmem>>, %arg8: memref<2x128x16xf32, #tpu.memory_space<vmem>>, %arg9: memref<10000x16xf32, #tpu.memory_space<vmem_shared>>, %arg10: memref<10240x16xf32, #tpu.memory_space<vmem_shared>>, %arg11: memref<!tpu.dma_semaphore, #tpu.memory_space<semaphore_mem>>, %arg12: memref<!tpu.dma_semaphore, #tpu.memory_space<semaphore_mem>>, %arg13: memref<!tpu.dma_semaphore, #tpu.memory_space<semaphore_mem>>) attributes {dimension_semantics = [#tpu.dimension_semantics<core_parallel>, #tpu.dimension_semantics<subcore_parallel>], iteration_bounds = array<i64: 2, 16>, scalar_prefetch = 0 : i64, scratch_operands = 8 : i64, tpu.core_type = #tpu.core_type<sc_vector_subcore>, window_params = [{transform_indices = #map}, {transform_indices = #map}, {transform_indices = #map}, {transform_indices = #map1}]} {
    %mul3A = arith.constant 16 : i32
    %mul3A_0 = arith.muli %arg0, %mul3A : i32
    %add3A = arith.addi %mul3A_0, %arg1 : i32
    %mul3A_1 = arith.constant 79 : i32
    %mul3A_2 = arith.muli %add3A, %mul3A_1 : i32
    %mul3A_3 = arith.constant 625 : i32
    %mul3A_4 = arith.muli %arg1, %mul3A_3 : i32
    %mul3A_5 = arith.constant 625 : i32
    %mul3A_6 = arith.muli %arg1, %mul3A_5 : i32
    "tpu.region"() ({
      %run_scoped3A_161 = tpu.sem_alloc : memref<!tpu.dma_semaphore, #tpu.memory_space<semaphore_mem>>
      %dma_start3A_162 = arith.constant 0 : i32
      %dma_start3A_163 = tpu.memref_slice %arg9[%mul3A_6, %dma_start3A_162] : memref<10000x16xf32, #tpu.memory_space<vmem_shared>> -> memref<625x16xf32, #tpu.memory_space<vmem_shared>>
      %dma_start3A_164 = arith.constant 0 : i32
      %dma_start3A_165 = tpu.memref_slice %arg2[%mul3A_4, %dma_start3A_164] : memref<10000x16xf32, #tpu.memory_space<hbm>> -> memref<625x16xf32, #tpu.memory_space<hbm>>
      tpu.enqueue_dma source(%dma_start3A_165 : memref<625x16xf32, #tpu.memory_space<hbm>>) target(%dma_start3A_163 : memref<625x16xf32, #tpu.memory_space<vmem_shared>>) target_semaphore(%run_scoped3A_161 : memref<!tpu.dma_semaphore, #tpu.memory_space<semaphore_mem>>)
      %dma_wait3A_166 = arith.constant 0 : i32
      %dma_wait3A_167 = tpu.memref_slice %arg9[%mul3A_6, %dma_wait3A_166] : memref<10000x16xf32, #tpu.memory_space<vmem_shared>> -> memref<625x16xf32, #tpu.memory_space<vmem_shared>>
      %dma_wait3A_168 = arith.constant 0 : i32
      %dma_wait3A_169 = tpu.memref_slice %arg2[%mul3A_4, %dma_wait3A_168] : memref<10000x16xf32, #tpu.memory_space<hbm>> -> memref<625x16xf32, #tpu.memory_space<hbm>>
      tpu.wait_dma2 semaphore(%run_scoped3A_161 : memref<!tpu.dma_semaphore, #tpu.memory_space<semaphore_mem>>) src(%dma_wait3A_169 : memref<625x16xf32, #tpu.memory_space<hbm>>) dst(%dma_wait3A_167 : memref<625x16xf32, #tpu.memory_space<vmem_shared>>)
      tpu.yield
    }) : () -> ()
    %broadcast_in_dim3A = arith.constant 0.000000e+00 : f32
    %broadcast_in_dim3A_7 = vector.broadcast %broadcast_in_dim3A : f32 to vector<16xf32>
    %scan3A = arith.constant 0 : i32
    %scan3A_8 = arith.constant 0 : i32
    %scan3A_9 = arith.constant 0 : i32
    %scan3A_10 = arith.constant 128 : i32
    %scan3A_11 = arith.addi %scan3A_9, %scan3A_10 : i32
    %scan3A_12 = arith.constant 1 : i32
    scf.for %scan3A_161 = %scan3A_9 to %scan3A_11 step %scan3A_12  : i32 {
      %swap3A = arith.constant 0 : i32
      %swap3A_162 = arith.constant 0 : i32
      %swap3A_163 = tpu.memref_slice %arg8[%scan3A_8, %swap3A, %swap3A_162] : memref<2x128x16xf32, #tpu.memory_space<vmem>> -> memref<1x128x16xf32, #tpu.memory_space<vmem>>
      %swap3A_164 = tpu.memref_squeeze %swap3A_163 : memref<1x128x16xf32, #tpu.memory_space<vmem>> -> memref<128x16xf32, #tpu.memory_space<vmem>>
      %swap3A_165 = arith.index_cast %scan3A_161 : i32 to index
      %swap3A_166 = arith.constant 0 : index
      %swap3A_167 = tpu.vector_load %swap3A_164[%swap3A_165, %swap3A_166] {strides = array<i32>} : memref<128x16xf32, #tpu.memory_space<vmem>>, vector<1x16xf32>,
      %swap3A_168 = vector.shape_cast %swap3A_167 : vector<1x16xf32> to vector<16xf32>
      %swap3A_169 = vector.shape_cast %broadcast_in_dim3A_7 : vector<16xf32> to vector<1x16xf32>
      tpu.vector_store %swap3A_164[%swap3A_165, %swap3A_166], %swap3A_169 {strides = array<i32>} : memref<128x16xf32, #tpu.memory_space<vmem>>, vector<1x16xf32>,
    }
    %scan3A_13 = arith.constant 128 : i32
    %mul3A_14 = arith.constant 640 : i32
    %mul3A_15 = arith.muli %arg1, %mul3A_14 : i32
    %add3A_16 = arith.constant 0 : i32
    %add3A_17 = arith.addi %mul3A_15, %add3A_16 : i32
    %run_scoped3A = arith.constant 0 : i32
    "tpu.region"() ({
      %run_scoped3A_161 = tpu.sem_alloc : memref<!tpu.dma_semaphore, #tpu.memory_space<semaphore_mem>>
      %dma_start3A_162 = arith.constant 0 : i32
      %dma_start3A_163 = arith.constant 0 : i32
      %dma_start3A_164 = tpu.memref_slice %arg8[%run_scoped3A, %dma_start3A_162, %dma_start3A_163] : memref<2x128x16xf32, #tpu.memory_space<vmem>> -> memref<1x128x16xf32, #tpu.memory_space<vmem>>
      %dma_start3A_165 = tpu.memref_squeeze %dma_start3A_164 : memref<1x128x16xf32, #tpu.memory_space<vmem>> -> memref<128x16xf32, #tpu.memory_space<vmem>>
      %dma_start3A_166 = arith.constant 0 : i32
      %dma_start3A_167 = tpu.memref_slice %arg10[%add3A_17, %dma_start3A_166] : memref<10240x16xf32, #tpu.memory_space<vmem_shared>> -> memref<128x16xf32, #tpu.memory_space<vmem_shared>>
      %dma_start3A_168 = arith.constant 0 : i32
      %dma_start3A_169 = tpu.memref_slice %arg10[%add3A_17, %dma_start3A_168] : memref<10240x16xf32, #tpu.memory_space<vmem_shared>> -> memref<128x16xf32, #tpu.memory_space<vmem_shared>>
      %dma_start3A_170 = arith.constant 0 : i32
      %dma_start3A_171 = arith.constant 0 : i32
      %dma_start3A_172 = tpu.memref_slice %arg8[%run_scoped3A, %dma_start3A_170, %dma_start3A_171] : memref<2x128x16xf32, #tpu.memory_space<vmem>> -> memref<1x128x16xf32, #tpu.memory_space<vmem>>
      %dma_start3A_173 = tpu.memref_squeeze %dma_start3A_172 : memref<1x128x16xf32, #tpu.memory_space<vmem>> -> memref<128x16xf32, #tpu.memory_space<vmem>>
      tpu.enqueue_dma source(%dma_start3A_173 : memref<128x16xf32, #tpu.memory_space<vmem>>) target(%dma_start3A_169 : memref<128x16xf32, #tpu.memory_space<vmem_shared>>) target_semaphore(%run_scoped3A_161 : memref<!tpu.dma_semaphore, #tpu.memory_space<semaphore_mem>>)
      %dma_wait3A_174 = arith.constant 0 : i32
      %dma_wait3A_175 = arith.constant 0 : i32
      %dma_wait3A_176 = tpu.memref_slice %arg8[%run_scoped3A, %dma_wait3A_174, %dma_wait3A_175] : memref<2x128x16xf32, #tpu.memory_space<vmem>> -> memref<1x128x16xf32, #tpu.memory_space<vmem>>
      %dma_wait3A_177 = tpu.memref_squeeze %dma_wait3A_176 : memref<1x128x16xf32, #tpu.memory_space<vmem>> -> memref<128x16xf32, #tpu.memory_space<vmem>>
      %dma_wait3A_178 = arith.constant 0 : i32
      %dma_wait3A_179 = tpu.memref_slice %arg10[%add3A_17, %dma_wait3A_178] : memref<10240x16xf32, #tpu.memory_space<vmem_shared>> -> memref<128x16xf32, #tpu.memory_space<vmem_shared>>
      %dma_wait3A_180 = arith.constant 0 : i32
      %dma_wait3A_181 = tpu.memref_slice %arg10[%add3A_17, %dma_wait3A_180] : memref<10240x16xf32, #tpu.memory_space<vmem_shared>> -> memref<128x16xf32, #tpu.memory_space<vmem_shared>>
      %dma_wait3A_182 = arith.constant 0 : i32
      %dma_wait3A_183 = arith.constant 0 : i32
      %dma_wait3A_184 = tpu.memref_slice %arg8[%run_scoped3A, %dma_wait3A_182, %dma_wait3A_183] : memref<2x128x16xf32, #tpu.memory_space<vmem>> -> memref<1x128x16xf32, #tpu.memory_space<vmem>>
      %dma_wait3A_185 = tpu.memref_squeeze %dma_wait3A_184 : memref<1x128x16xf32, #tpu.memory_space<vmem>> -> memref<128x16xf32, #tpu.memory_space<vmem>>
      tpu.wait_dma2 semaphore(%run_scoped3A_161 : memref<!tpu.dma_semaphore, #tpu.memory_space<semaphore_mem>>) src(%dma_wait3A_185 : memref<128x16xf32, #tpu.memory_space<vmem>>) dst(%dma_wait3A_181 : memref<128x16xf32, #tpu.memory_space<vmem_shared>>)
      tpu.yield
    }) : () -> ()
    %mul3A_18 = arith.constant 640 : i32
    %mul3A_19 = arith.muli %arg1, %mul3A_18 : i32
    %add3A_20 = arith.constant 128 : i32
    %add3A_21 = arith.addi %mul3A_19, %add3A_20 : i32
    %run_scoped3A_22 = arith.constant 0 : i32
    "tpu.region"() ({
      %run_scoped3A_161 = tpu.sem_alloc : memref<!tpu.dma_semaphore, #tpu.memory_space<semaphore_mem>>
      %dma_start3A_162 = arith.constant 0 : i32
      %dma_start3A_163 = arith.constant 0 : i32
      %dma_start3A_164 = tpu.memref_slice %arg8[%run_scoped3A_22, %dma_start3A_162, %dma_start3A_163] : memref<2x128x16xf32, #tpu.memory_space<vmem>> -> memref<1x128x16xf32, #tpu.memory_space<vmem>>
      %dma_start3A_165 = tpu.memref_squeeze %dma_start3A_164 : memref<1x128x16xf32, #tpu.memory_space<vmem>> -> memref<128x16xf32, #tpu.memory_space<vmem>>
      %dma_start3A_166 = arith.constant 0 : i32
      %dma_start3A_167 = tpu.memref_slice %arg10[%add3A_21, %dma_start3A_166] : memref<10240x16xf32, #tpu.memory_space<vmem_shared>> -> memref<128x16xf32, #tpu.memory_space<vmem_shared>>
      %dma_start3A_168 = arith.constant 0 : i32
      %dma_start3A_169 = tpu.memref_slice %arg10[%add3A_21, %dma_start3A_168] : memref<10240x16xf32, #tpu.memory_space<vmem_shared>> -> memref<128x16xf32, #tpu.memory_space<vmem_shared>>
      %dma_start3A_170 = arith.constant 0 : i32
      %dma_start3A_171 = arith.constant 0 : i32
      %dma_start3A_172 = tpu.memref_slice %arg8[%run_scoped3A_22, %dma_start3A_170, %dma_start3A_171] : memref<2x128x16xf32, #tpu.memory_space<vmem>> -> memref<1x128x16xf32, #tpu.memory_space<vmem>>
      %dma_start3A_173 = tpu.memref_squeeze %dma_start3A_172 : memref<1x128x16xf32, #tpu.memory_space<vmem>> -> memref<128x16xf32, #tpu.memory_space<vmem>>
      tpu.enqueue_dma source(%dma_start3A_173 : memref<128x16xf32, #tpu.memory_space<vmem>>) target(%dma_start3A_169 : memref<128x16xf32, #tpu.memory_space<vmem_shared>>) target_semaphore(%run_scoped3A_161 : memref<!tpu.dma_semaphore, #tpu.memory_space<semaphore_mem>>)
      %dma_wait3A_174 = arith.constant 0 : i32
      %dma_wait3A_175 = arith.constant 0 : i32
      %dma_wait3A_176 = tpu.memref_slice %arg8[%run_scoped3A_22, %dma_wait3A_174, %dma_wait3A_175] : memref<2x128x16xf32, #tpu.memory_space<vmem>> -> memref<1x128x16xf32, #tpu.memory_space<vmem>>
      %dma_wait3A_177 = tpu.memref_squeeze %dma_wait3A_176 : memref<1x128x16xf32, #tpu.memory_space<vmem>> -> memref<128x16xf32, #tpu.memory_space<vmem>>
      %dma_wait3A_178 = arith.constant 0 : i32
      %dma_wait3A_179 = tpu.memref_slice %arg10[%add3A_21, %dma_wait3A_178] : memref<10240x16xf32, #tpu.memory_space<vmem_shared>> -> memref<128x16xf32, #tpu.memory_space<vmem_shared>>
      %dma_wait3A_180 = arith.constant 0 : i32
      %dma_wait3A_181 = tpu.memref_slice %arg10[%add3A_21, %dma_wait3A_180] : memref<10240x16xf32, #tpu.memory_space<vmem_shared>> -> memref<128x16xf32, #tpu.memory_space<vmem_shared>>
      %dma_wait3A_182 = arith.constant 0 : i32
      %dma_wait3A_183 = arith.constant 0 : i32
      %dma_wait3A_184 = tpu.memref_slice %arg8[%run_scoped3A_22, %dma_wait3A_182, %dma_wait3A_183] : memref<2x128x16xf32, #tpu.memory_space<vmem>> -> memref<1x128x16xf32, #tpu.memory_space<vmem>>
      %dma_wait3A_185 = tpu.memref_squeeze %dma_wait3A_184 : memref<1x128x16xf32, #tpu.memory_space<vmem>> -> memref<128x16xf32, #tpu.memory_space<vmem>>
      tpu.wait_dma2 semaphore(%run_scoped3A_161 : memref<!tpu.dma_semaphore, #tpu.memory_space<semaphore_mem>>) src(%dma_wait3A_185 : memref<128x16xf32, #tpu.memory_space<vmem>>) dst(%dma_wait3A_181 : memref<128x16xf32, #tpu.memory_space<vmem_shared>>)
      tpu.yield
    }) : () -> ()
    %mul3A_23 = arith.constant 640 : i32
    %mul3A_24 = arith.muli %arg1, %mul3A_23 : i32
    %add3A_25 = arith.constant 256 : i32
    %add3A_26 = arith.addi %mul3A_24, %add3A_25 : i32
    %run_scoped3A_27 = arith.constant 0 : i32
    "tpu.region"() ({
      %run_scoped3A_161 = tpu.sem_alloc : memref<!tpu.dma_semaphore, #tpu.memory_space<semaphore_mem>>
      %dma_start3A_162 = arith.constant 0 : i32
      %dma_start3A_163 = arith.constant 0 : i32
      %dma_start3A_164 = tpu.memref_slice %arg8[%run_scoped3A_27, %dma_start3A_162, %dma_start3A_163] : memref<2x128x16xf32, #tpu.memory_space<vmem>> -> memref<1x128x16xf32, #tpu.memory_space<vmem>>
      %dma_start3A_165 = tpu.memref_squeeze %dma_start3A_164 : memref<1x128x16xf32, #tpu.memory_space<vmem>> -> memref<128x16xf32, #tpu.memory_space<vmem>>
      %dma_start3A_166 = arith.constant 0 : i32
      %dma_start3A_167 = tpu.memref_slice %arg10[%add3A_26, %dma_start3A_166] : memref<10240x16xf32, #tpu.memory_space<vmem_shared>> -> memref<128x16xf32, #tpu.memory_space<vmem_shared>>
      %dma_start3A_168 = arith.constant 0 : i32
      %dma_start3A_169 = tpu.memref_slice %arg10[%add3A_26, %dma_start3A_168] : memref<10240x16xf32, #tpu.memory_space<vmem_shared>> -> memref<128x16xf32, #tpu.memory_space<vmem_shared>>
      %dma_start3A_170 = arith.constant 0 : i32
      %dma_start3A_171 = arith.constant 0 : i32
      %dma_start3A_172 = tpu.memref_slice %arg8[%run_scoped3A_27, %dma_start3A_170, %dma_start3A_171] : memref<2x128x16xf32, #tpu.memory_space<vmem>> -> memref<1x128x16xf32, #tpu.memory_space<vmem>>
      %dma_start3A_173 = tpu.memref_squeeze %dma_start3A_172 : memref<1x128x16xf32, #tpu.memory_space<vmem>> -> memref<128x16xf32, #tpu.memory_space<vmem>>
      tpu.enqueue_dma source(%dma_start3A_173 : memref<128x16xf32, #tpu.memory_space<vmem>>) target(%dma_start3A_169 : memref<128x16xf32, #tpu.memory_space<vmem_shared>>) target_semaphore(%run_scoped3A_161 : memref<!tpu.dma_semaphore, #tpu.memory_space<semaphore_mem>>)
      %dma_wait3A_174 = arith.constant 0 : i32
      %dma_wait3A_175 = arith.constant 0 : i32
      %dma_wait3A_176 = tpu.memref_slice %arg8[%run_scoped3A_27, %dma_wait3A_174, %dma_wait3A_175] : memref<2x128x16xf32, #tpu.memory_space<vmem>> -> memref<1x128x16xf32, #tpu.memory_space<vmem>>
      %dma_wait3A_177 = tpu.memref_squeeze %dma_wait3A_176 : memref<1x128x16xf32, #tpu.memory_space<vmem>> -> memref<128x16xf32, #tpu.memory_space<vmem>>
      %dma_wait3A_178 = arith.constant 0 : i32
      %dma_wait3A_179 = tpu.memref_slice %arg10[%add3A_26, %dma_wait3A_178] : memref<10240x16xf32, #tpu.memory_space<vmem_shared>> -> memref<128x16xf32, #tpu.memory_space<vmem_shared>>
      %dma_wait3A_180 = arith.constant 0 : i32
      %dma_wait3A_181 = tpu.memref_slice %arg10[%add3A_26, %dma_wait3A_180] : memref<10240x16xf32, #tpu.memory_space<vmem_shared>> -> memref<128x16xf32, #tpu.memory_space<vmem_shared>>
      %dma_wait3A_182 = arith.constant 0 : i32
      %dma_wait3A_183 = arith.constant 0 : i32
      %dma_wait3A_184 = tpu.memref_slice %arg8[%run_scoped3A_27, %dma_wait3A_182, %dma_wait3A_183] : memref<2x128x16xf32, #tpu.memory_space<vmem>> -> memref<1x128x16xf32, #tpu.memory_space<vmem>>
      %dma_wait3A_185 = tpu.memref_squeeze %dma_wait3A_184 : memref<1x128x16xf32, #tpu.memory_space<vmem>> -> memref<128x16xf32, #tpu.memory_space<vmem>>
      tpu.wait_dma2 semaphore(%run_scoped3A_161 : memref<!tpu.dma_semaphore, #tpu.memory_space<semaphore_mem>>) src(%dma_wait3A_185 : memref<128x16xf32, #tpu.memory_space<vmem>>) dst(%dma_wait3A_181 : memref<128x16xf32, #tpu.memory_space<vmem_shared>>)
      tpu.yield
    }) : () -> ()
    %mul3A_28 = arith.constant 640 : i32
    %mul3A_29 = arith.muli %arg1, %mul3A_28 : i32
    %add3A_30 = arith.constant 384 : i32
    %add3A_31 = arith.addi %mul3A_29, %add3A_30 : i32
    %run_scoped3A_32 = arith.constant 0 : i32
    "tpu.region"() ({
      %run_scoped3A_161 = tpu.sem_alloc : memref<!tpu.dma_semaphore, #tpu.memory_space<semaphore_mem>>
      %dma_start3A_162 = arith.constant 0 : i32
      %dma_start3A_163 = arith.constant 0 : i32
      %dma_start3A_164 = tpu.memref_slice %arg8[%run_scoped3A_32, %dma_start3A_162, %dma_start3A_163] : memref<2x128x16xf32, #tpu.memory_space<vmem>> -> memref<1x128x16xf32, #tpu.memory_space<vmem>>
      %dma_start3A_165 = tpu.memref_squeeze %dma_start3A_164 : memref<1x128x16xf32, #tpu.memory_space<vmem>> -> memref<128x16xf32, #tpu.memory_space<vmem>>
      %dma_start3A_166 = arith.constant 0 : i32
      %dma_start3A_167 = tpu.memref_slice %arg10[%add3A_31, %dma_start3A_166] : memref<10240x16xf32, #tpu.memory_space<vmem_shared>> -> memref<128x16xf32, #tpu.memory_space<vmem_shared>>
      %dma_start3A_168 = arith.constant 0 : i32
      %dma_start3A_169 = tpu.memref_slice %arg10[%add3A_31, %dma_start3A_168] : memref<10240x16xf32, #tpu.memory_space<vmem_shared>> -> memref<128x16xf32, #tpu.memory_space<vmem_shared>>
      %dma_start3A_170 = arith.constant 0 : i32
      %dma_start3A_171 = arith.constant 0 : i32
      %dma_start3A_172 = tpu.memref_slice %arg8[%run_scoped3A_32, %dma_start3A_170, %dma_start3A_171] : memref<2x128x16xf32, #tpu.memory_space<vmem>> -> memref<1x128x16xf32, #tpu.memory_space<vmem>>
      %dma_start3A_173 = tpu.memref_squeeze %dma_start3A_172 : memref<1x128x16xf32, #tpu.memory_space<vmem>> -> memref<128x16xf32, #tpu.memory_space<vmem>>
      tpu.enqueue_dma source(%dma_start3A_173 : memref<128x16xf32, #tpu.memory_space<vmem>>) target(%dma_start3A_169 : memref<128x16xf32, #tpu.memory_space<vmem_shared>>) target_semaphore(%run_scoped3A_161 : memref<!tpu.dma_semaphore, #tpu.memory_space<semaphore_mem>>)
      %dma_wait3A_174 = arith.constant 0 : i32
      %dma_wait3A_175 = arith.constant 0 : i32
      %dma_wait3A_176 = tpu.memref_slice %arg8[%run_scoped3A_32, %dma_wait3A_174, %dma_wait3A_175] : memref<2x128x16xf32, #tpu.memory_space<vmem>> -> memref<1x128x16xf32, #tpu.memory_space<vmem>>
      %dma_wait3A_177 = tpu.memref_squeeze %dma_wait3A_176 : memref<1x128x16xf32, #tpu.memory_space<vmem>> -> memref<128x16xf32, #tpu.memory_space<vmem>>
      %dma_wait3A_178 = arith.constant 0 : i32
      %dma_wait3A_179 = tpu.memref_slice %arg10[%add3A_31, %dma_wait3A_178] : memref<10240x16xf32, #tpu.memory_space<vmem_shared>> -> memref<128x16xf32, #tpu.memory_space<vmem_shared>>
      %dma_wait3A_180 = arith.constant 0 : i32
      %dma_wait3A_181 = tpu.memref_slice %arg10[%add3A_31, %dma_wait3A_180] : memref<10240x16xf32, #tpu.memory_space<vmem_shared>> -> memref<128x16xf32, #tpu.memory_space<vmem_shared>>
      %dma_wait3A_182 = arith.constant 0 : i32
      %dma_wait3A_183 = arith.constant 0 : i32
      %dma_wait3A_184 = tpu.memref_slice %arg8[%run_scoped3A_32, %dma_wait3A_182, %dma_wait3A_183] : memref<2x128x16xf32, #tpu.memory_space<vmem>> -> memref<1x128x16xf32, #tpu.memory_space<vmem>>
      %dma_wait3A_185 = tpu.memref_squeeze %dma_wait3A_184 : memref<1x128x16xf32, #tpu.memory_space<vmem>> -> memref<128x16xf32, #tpu.memory_space<vmem>>
      tpu.wait_dma2 semaphore(%run_scoped3A_161 : memref<!tpu.dma_semaphore, #tpu.memory_space<semaphore_mem>>) src(%dma_wait3A_185 : memref<128x16xf32, #tpu.memory_space<vmem>>) dst(%dma_wait3A_181 : memref<128x16xf32, #tpu.memory_space<vmem_shared>>)
      tpu.yield
    }) : () -> ()
    %mul3A_33 = arith.constant 640 : i32
    %mul3A_34 = arith.muli %arg1, %mul3A_33 : i32
    %add3A_35 = arith.constant 512 : i32
    %add3A_36 = arith.addi %mul3A_34, %add3A_35 : i32
    %run_scoped3A_37 = arith.constant 0 : i32
    "tpu.region"() ({
      %run_scoped3A_161 = tpu.sem_alloc : memref<!tpu.dma_semaphore, #tpu.memory_space<semaphore_mem>>
      %dma_start3A_162 = arith.constant 0 : i32
      %dma_start3A_163 = arith.constant 0 : i32
      %dma_start3A_164 = tpu.memref_slice %arg8[%run_scoped3A_37, %dma_start3A_162, %dma_start3A_163] : memref<2x128x16xf32, #tpu.memory_space<vmem>> -> memref<1x128x16xf32, #tpu.memory_space<vmem>>
      %dma_start3A_165 = tpu.memref_squeeze %dma_start3A_164 : memref<1x128x16xf32, #tpu.memory_space<vmem>> -> memref<128x16xf32, #tpu.memory_space<vmem>>
      %dma_start3A_166 = arith.constant 0 : i32
      %dma_start3A_167 = tpu.memref_slice %arg10[%add3A_36, %dma_start3A_166] : memref<10240x16xf32, #tpu.memory_space<vmem_shared>> -> memref<128x16xf32, #tpu.memory_space<vmem_shared>>
      %dma_start3A_168 = arith.constant 0 : i32
      %dma_start3A_169 = tpu.memref_slice %arg10[%add3A_36, %dma_start3A_168] : memref<10240x16xf32, #tpu.memory_space<vmem_shared>> -> memref<128x16xf32, #tpu.memory_space<vmem_shared>>
      %dma_start3A_170 = arith.constant 0 : i32
      %dma_start3A_171 = arith.constant 0 : i32
      %dma_start3A_172 = tpu.memref_slice %arg8[%run_scoped3A_37, %dma_start3A_170, %dma_start3A_171] : memref<2x128x16xf32, #tpu.memory_space<vmem>> -> memref<1x128x16xf32, #tpu.memory_space<vmem>>
      %dma_start3A_173 = tpu.memref_squeeze %dma_start3A_172 : memref<1x128x16xf32, #tpu.memory_space<vmem>> -> memref<128x16xf32, #tpu.memory_space<vmem>>
      tpu.enqueue_dma source(%dma_start3A_173 : memref<128x16xf32, #tpu.memory_space<vmem>>) target(%dma_start3A_169 : memref<128x16xf32, #tpu.memory_space<vmem_shared>>) target_semaphore(%run_scoped3A_161 : memref<!tpu.dma_semaphore, #tpu.memory_space<semaphore_mem>>)
      %dma_wait3A_174 = arith.constant 0 : i32
      %dma_wait3A_175 = arith.constant 0 : i32
      %dma_wait3A_176 = tpu.memref_slice %arg8[%run_scoped3A_37, %dma_wait3A_174, %dma_wait3A_175] : memref<2x128x16xf32, #tpu.memory_space<vmem>> -> memref<1x128x16xf32, #tpu.memory_space<vmem>>
      %dma_wait3A_177 = tpu.memref_squeeze %dma_wait3A_176 : memref<1x128x16xf32, #tpu.memory_space<vmem>> -> memref<128x16xf32, #tpu.memory_space<vmem>>
      %dma_wait3A_178 = arith.constant 0 : i32
      %dma_wait3A_179 = tpu.memref_slice %arg10[%add3A_36, %dma_wait3A_178] : memref<10240x16xf32, #tpu.memory_space<vmem_shared>> -> memref<128x16xf32, #tpu.memory_space<vmem_shared>>
      %dma_wait3A_180 = arith.constant 0 : i32
      %dma_wait3A_181 = tpu.memref_slice %arg10[%add3A_36, %dma_wait3A_180] : memref<10240x16xf32, #tpu.memory_space<vmem_shared>> -> memref<128x16xf32, #tpu.memory_space<vmem_shared>>
      %dma_wait3A_182 = arith.constant 0 : i32
      %dma_wait3A_183 = arith.constant 0 : i32
      %dma_wait3A_184 = tpu.memref_slice %arg8[%run_scoped3A_37, %dma_wait3A_182, %dma_wait3A_183] : memref<2x128x16xf32, #tpu.memory_space<vmem>> -> memref<1x128x16xf32, #tpu.memory_space<vmem>>
      %dma_wait3A_185 = tpu.memref_squeeze %dma_wait3A_184 : memref<1x128x16xf32, #tpu.memory_space<vmem>> -> memref<128x16xf32, #tpu.memory_space<vmem>>
      tpu.wait_dma2 semaphore(%run_scoped3A_161 : memref<!tpu.dma_semaphore, #tpu.memory_space<semaphore_mem>>) src(%dma_wait3A_185 : memref<128x16xf32, #tpu.memory_space<vmem>>) dst(%dma_wait3A_181 : memref<128x16xf32, #tpu.memory_space<vmem_shared>>)
      tpu.yield
    }) : () -> ()
    %barrier3A = arith.constant 0 : index
    tpu.barrier barrier_id(%barrier3A)
    %add3A_38 = arith.constant 0 : i32
    %add3A_39 = arith.addi %mul3A_2, %add3A_38 : i32
    %dma_start3A = arith.constant 0 : i32
    %dma_start3A_40 = arith.constant 0 : i32
    %dma_start3A_41 = tpu.memref_slice %arg6[%dma_start3A, %dma_start3A_40] : memref<3x128xi32, #tpu.memory_space<vmem>> -> memref<1x128xi32, #tpu.memory_space<vmem>>
    %dma_start3A_42 = tpu.memref_squeeze %dma_start3A_41 : memref<1x128xi32, #tpu.memory_space<vmem>> -> memref<128xi32, #tpu.memory_space<vmem>>
    %dma_start3A_43 = arith.constant 0 : i32
    %dma_start3A_44 = tpu.memref_slice %arg3[%add3A_39, %dma_start3A_43] : memref<2528x128xi32, #tpu.memory_space<hbm>> -> memref<1x128xi32, #tpu.memory_space<hbm>>
    %dma_start3A_45 = tpu.memref_squeeze %dma_start3A_44 : memref<1x128xi32, #tpu.memory_space<hbm>> -> memref<128xi32, #tpu.memory_space<hbm>>
    %dma_start3A_46 = arith.constant 0 : i32
    %dma_start3A_47 = tpu.memref_slice %arg6[%dma_start3A, %dma_start3A_46] : memref<3x128xi32, #tpu.memory_space<vmem>> -> memref<1x128xi32, #tpu.memory_space<vmem>>
    %dma_start3A_48 = tpu.memref_squeeze %dma_start3A_47 : memref<1x128xi32, #tpu.memory_space<vmem>> -> memref<128xi32, #tpu.memory_space<vmem>>
    %dma_start3A_49 = arith.constant 0 : i32
    %dma_start3A_50 = tpu.memref_slice %arg3[%add3A_39, %dma_start3A_49] : memref<2528x128xi32, #tpu.memory_space<hbm>> -> memref<1x128xi32, #tpu.memory_space<hbm>>
    %dma_start3A_51 = tpu.memref_squeeze %dma_start3A_50 : memref<1x128xi32, #tpu.memory_space<hbm>> -> memref<128xi32, #tpu.memory_space<hbm>>
    tpu.enqueue_dma source(%dma_start3A_51 : memref<128xi32, #tpu.memory_space<hbm>>) target(%dma_start3A_48 : memref<128xi32, #tpu.memory_space<vmem>>) target_semaphore(%arg11 : memref<!tpu.dma_semaphore, #tpu.memory_space<semaphore_mem>>)
    %add3A_52 = arith.constant 0 : i32
    %add3A_53 = arith.addi %mul3A_2, %add3A_52 : i32
    %dma_start3A_54 = arith.constant 0 : i32
    %dma_start3A_55 = arith.constant 0 : i32
    %dma_start3A_56 = tpu.memref_slice %arg7[%dma_start3A_54, %dma_start3A_55] : memref<3x128xi32, #tpu.memory_space<vmem>> -> memref<1x128xi32, #tpu.memory_space<vmem>>
    %dma_start3A_57 = tpu.memref_squeeze %dma_start3A_56 : memref<1x128xi32, #tpu.memory_space<vmem>> -> memref<128xi32, #tpu.memory_space<vmem>>
    %dma_start3A_58 = arith.constant 0 : i32
    %dma_start3A_59 = tpu.memref_slice %arg4[%add3A_53, %dma_start3A_58] : memref<2528x128xi32, #tpu.memory_space<hbm>> -> memref<1x128xi32, #tpu.memory_space<hbm>>
    %dma_start3A_60 = tpu.memref_squeeze %dma_start3A_59 : memref<1x128xi32, #tpu.memory_space<hbm>> -> memref<128xi32, #tpu.memory_space<hbm>>
    %dma_start3A_61 = arith.constant 0 : i32
    %dma_start3A_62 = tpu.memref_slice %arg7[%dma_start3A_54, %dma_start3A_61] : memref<3x128xi32, #tpu.memory_space<vmem>> -> memref<1x128xi32, #tpu.memory_space<vmem>>
    %dma_start3A_63 = tpu.memref_squeeze %dma_start3A_62 : memref<1x128xi32, #tpu.memory_space<vmem>> -> memref<128xi32, #tpu.memory_space<vmem>>
    %dma_start3A_64 = arith.constant 0 : i32
    %dma_start3A_65 = tpu.memref_slice %arg4[%add3A_53, %dma_start3A_64] : memref<2528x128xi32, #tpu.memory_space<hbm>> -> memref<1x128xi32, #tpu.memory_space<hbm>>
    %dma_start3A_66 = tpu.memref_squeeze %dma_start3A_65 : memref<1x128xi32, #tpu.memory_space<hbm>> -> memref<128xi32, #tpu.memory_space<hbm>>
    tpu.enqueue_dma source(%dma_start3A_66 : memref<128xi32, #tpu.memory_space<hbm>>) target(%dma_start3A_63 : memref<128xi32, #tpu.memory_space<vmem>>) target_semaphore(%arg11 : memref<!tpu.dma_semaphore, #tpu.memory_space<semaphore_mem>>)
    %add3A_67 = arith.constant 0 : i32
    %add3A_68 = arith.addi %mul3A_2, %add3A_67 : i32
    %dma_wait3A = arith.constant 0 : i32
    %dma_wait3A_69 = arith.constant 0 : i32
    %dma_wait3A_70 = tpu.memref_slice %arg6[%dma_wait3A, %dma_wait3A_69] : memref<3x128xi32, #tpu.memory_space<vmem>> -> memref<1x128xi32, #tpu.memory_space<vmem>>
    %dma_wait3A_71 = tpu.memref_squeeze %dma_wait3A_70 : memref<1x128xi32, #tpu.memory_space<vmem>> -> memref<128xi32, #tpu.memory_space<vmem>>
    %dma_wait3A_72 = arith.constant 0 : i32
    %dma_wait3A_73 = tpu.memref_slice %arg3[%add3A_68, %dma_wait3A_72] : memref<2528x128xi32, #tpu.memory_space<hbm>> -> memref<1x128xi32, #tpu.memory_space<hbm>>
    %dma_wait3A_74 = tpu.memref_squeeze %dma_wait3A_73 : memref<1x128xi32, #tpu.memory_space<hbm>> -> memref<128xi32, #tpu.memory_space<hbm>>
    %dma_wait3A_75 = arith.constant 0 : i32
    %dma_wait3A_76 = tpu.memref_slice %arg6[%dma_wait3A, %dma_wait3A_75] : memref<3x128xi32, #tpu.memory_space<vmem>> -> memref<1x128xi32, #tpu.memory_space<vmem>>
    %dma_wait3A_77 = tpu.memref_squeeze %dma_wait3A_76 : memref<1x128xi32, #tpu.memory_space<vmem>> -> memref<128xi32, #tpu.memory_space<vmem>>
    %dma_wait3A_78 = arith.constant 0 : i32
    %dma_wait3A_79 = tpu.memref_slice %arg3[%add3A_68, %dma_wait3A_78] : memref<2528x128xi32, #tpu.memory_space<hbm>> -> memref<1x128xi32, #tpu.memory_space<hbm>>
    %dma_wait3A_80 = tpu.memref_squeeze %dma_wait3A_79 : memref<1x128xi32, #tpu.memory_space<hbm>> -> memref<128xi32, #tpu.memory_space<hbm>>
    tpu.wait_dma2 semaphore(%arg11 : memref<!tpu.dma_semaphore, #tpu.memory_space<semaphore_mem>>) src(%dma_wait3A_80 : memref<128xi32, #tpu.memory_space<hbm>>) dst(%dma_wait3A_77 : memref<128xi32, #tpu.memory_space<vmem>>)
    %add3A_81 = arith.constant 0 : i32
    %add3A_82 = arith.addi %mul3A_2, %add3A_81 : i32
    %dma_wait3A_83 = arith.constant 0 : i32
    %dma_wait3A_84 = arith.constant 0 : i32
    %dma_wait3A_85 = tpu.memref_slice %arg7[%dma_wait3A_83, %dma_wait3A_84] : memref<3x128xi32, #tpu.memory_space<vmem>> -> memref<1x128xi32, #tpu.memory_space<vmem>>
    %dma_wait3A_86 = tpu.memref_squeeze %dma_wait3A_85 : memref<1x128xi32, #tpu.memory_space<vmem>> -> memref<128xi32, #tpu.memory_space<vmem>>
    %dma_wait3A_87 = arith.constant 0 : i32
    %dma_wait3A_88 = tpu.memref_slice %arg4[%add3A_82, %dma_wait3A_87] : memref<2528x128xi32, #tpu.memory_space<hbm>> -> memref<1x128xi32, #tpu.memory_space<hbm>>
    %dma_wait3A_89 = tpu.memref_squeeze %dma_wait3A_88 : memref<1x128xi32, #tpu.memory_space<hbm>> -> memref<128xi32, #tpu.memory_space<hbm>>
    %dma_wait3A_90 = arith.constant 0 : i32
    %dma_wait3A_91 = tpu.memref_slice %arg7[%dma_wait3A_83, %dma_wait3A_90] : memref<3x128xi32, #tpu.memory_space<vmem>> -> memref<1x128xi32, #tpu.memory_space<vmem>>
    %dma_wait3A_92 = tpu.memref_squeeze %dma_wait3A_91 : memref<1x128xi32, #tpu.memory_space<vmem>> -> memref<128xi32, #tpu.memory_space<vmem>>
    %dma_wait3A_93 = arith.constant 0 : i32
    %dma_wait3A_94 = tpu.memref_slice %arg4[%add3A_82, %dma_wait3A_93] : memref<2528x128xi32, #tpu.memory_space<hbm>> -> memref<1x128xi32, #tpu.memory_space<hbm>>
    %dma_wait3A_95 = tpu.memref_squeeze %dma_wait3A_94 : memref<1x128xi32, #tpu.memory_space<hbm>> -> memref<128xi32, #tpu.memory_space<hbm>>
    tpu.wait_dma2 semaphore(%arg11 : memref<!tpu.dma_semaphore, #tpu.memory_space<semaphore_mem>>) src(%dma_wait3A_95 : memref<128xi32, #tpu.memory_space<hbm>>) dst(%dma_wait3A_92 : memref<128xi32, #tpu.memory_space<vmem>>)
    %dma_start3A_96 = arith.constant 0 : i32
    %dma_start3A_97 = arith.constant 0 : i32
    %dma_start3A_98 = arith.constant 0 : i32
    %dma_start3A_99 = arith.constant 0 : i32
    %dma_start3A_100 = tpu.memref_slice %arg8[%dma_start3A_97, %dma_start3A_98, %dma_start3A_99] : memref<2x128x16xf32, #tpu.memory_space<vmem>> -> memref<1x128x16xf32, #tpu.memory_space<vmem>>
    %dma_start3A_101 = tpu.memref_squeeze %dma_start3A_100 : memref<1x128x16xf32, #tpu.memory_space<vmem>> -> memref<128x16xf32, #tpu.memory_space<vmem>>
    %dma_start3A_102 = arith.constant 0 : i32
    %dma_start3A_103 = tpu.memref_slice %arg6[%dma_start3A_96, %dma_start3A_102] : memref<3x128xi32, #tpu.memory_space<vmem>> -> memref<1x128xi32, #tpu.memory_space<vmem>>
    %dma_start3A_104 = tpu.memref_squeeze %dma_start3A_103 : memref<1x128xi32, #tpu.memory_space<vmem>> -> memref<128xi32, #tpu.memory_space<vmem>>
    %dma_start3A_105 = arith.constant 0 : i32
    %dma_start3A_106 = arith.constant 0 : i32
    %dma_start3A_107 = tpu.memref_slice %arg9[%dma_start3A_105, %dma_start3A_106] : memref<10000x16xf32, #tpu.memory_space<vmem_shared>> -> memref<10000x16xf32, #tpu.memory_space<vmem_shared>>
    tpu.enqueue_indirect_dma source(%dma_start3A_107 : memref<10000x16xf32, #tpu.memory_space<vmem_shared>>) target(%dma_start3A_101 : memref<128x16xf32, #tpu.memory_space<vmem>>) offsets(%dma_start3A_104 : memref<128xi32, #tpu.memory_space<vmem>>) semaphore(%arg12 : memref<!tpu.dma_semaphore, #tpu.memory_space<semaphore_mem>>)
    %add3A_108 = arith.constant 1 : i32
    %add3A_109 = arith.addi %mul3A_2, %add3A_108 : i32
    %dma_start3A_110 = arith.constant 1 : i32
    %dma_start3A_111 = arith.constant 0 : i32
    %dma_start3A_112 = tpu.memref_slice %arg6[%dma_start3A_110, %dma_start3A_111] : memref<3x128xi32, #tpu.memory_space<vmem>> -> memref<1x128xi32, #tpu.memory_space<vmem>>
    %dma_start3A_113 = tpu.memref_squeeze %dma_start3A_112 : memref<1x128xi32, #tpu.memory_space<vmem>> -> memref<128xi32, #tpu.memory_space<vmem>>
    %dma_start3A_114 = arith.constant 0 : i32
    %dma_start3A_115 = tpu.memref_slice %arg3[%add3A_109, %dma_start3A_114] : memref<2528x128xi32, #tpu.memory_space<hbm>> -> memref<1x128xi32, #tpu.memory_space<hbm>>
    %dma_start3A_116 = tpu.memref_squeeze %dma_start3A_115 : memref<1x128xi32, #tpu.memory_space<hbm>> -> memref<128xi32, #tpu.memory_space<hbm>>
    %dma_start3A_117 = arith.constant 0 : i32
    %dma_start3A_118 = tpu.memref_slice %arg6[%dma_start3A_110, %dma_start3A_117] : memref<3x128xi32, #tpu.memory_space<vmem>> -> memref<1x128xi32, #tpu.memory_space<vmem>>
    %dma_start3A_119 = tpu.memref_squeeze %dma_start3A_118 : memref<1x128xi32, #tpu.memory_space<vmem>> -> memref<128xi32, #tpu.memory_space<vmem>>
    %dma_start3A_120 = arith.constant 0 : i32
    %dma_start3A_121 = tpu.memref_slice %arg3[%add3A_109, %dma_start3A_120] : memref<2528x128xi32, #tpu.memory_space<hbm>> -> memref<1x128xi32, #tpu.memory_space<hbm>>
    %dma_start3A_122 = tpu.memref_squeeze %dma_start3A_121 : memref<1x128xi32, #tpu.memory_space<hbm>> -> memref<128xi32, #tpu.memory_space<hbm>>
    tpu.enqueue_dma source(%dma_start3A_122 : memref<128xi32, #tpu.memory_space<hbm>>) target(%dma_start3A_119 : memref<128xi32, #tpu.memory_space<vmem>>) target_semaphore(%arg11 : memref<!tpu.dma_semaphore, #tpu.memory_space<semaphore_mem>>)
    %add3A_123 = arith.constant 1 : i32
    %add3A_124 = arith.addi %mul3A_2, %add3A_123 : i32
    %dma_start3A_125 = arith.constant 1 : i32
    %dma_start3A_126 = arith.constant 0 : i32
    %dma_start3A_127 = tpu.memref_slice %arg7[%dma_start3A_125, %dma_start3A_126] : memref<3x128xi32, #tpu.memory_space<vmem>> -> memref<1x128xi32, #tpu.memory_space<vmem>>
    %dma_start3A_128 = tpu.memref_squeeze %dma_start3A_127 : memref<1x128xi32, #tpu.memory_space<vmem>> -> memref<128xi32, #tpu.memory_space<vmem>>
    %dma_start3A_129 = arith.constant 0 : i32
    %dma_start3A_130 = tpu.memref_slice %arg4[%add3A_124, %dma_start3A_129] : memref<2528x128xi32, #tpu.memory_space<hbm>> -> memref<1x128xi32, #tpu.memory_space<hbm>>
    %dma_start3A_131 = tpu.memref_squeeze %dma_start3A_130 : memref<1x128xi32, #tpu.memory_space<hbm>> -> memref<128xi32, #tpu.memory_space<hbm>>
    %dma_start3A_132 = arith.constant 0 : i32
    %dma_start3A_133 = tpu.memref_slice %arg7[%dma_start3A_125, %dma_start3A_132] : memref<3x128xi32, #tpu.memory_space<vmem>> -> memref<1x128xi32, #tpu.memory_space<vmem>>
    %dma_start3A_134 = tpu.memref_squeeze %dma_start3A_133 : memref<1x128xi32, #tpu.memory_space<vmem>> -> memref<128xi32, #tpu.memory_space<vmem>>
    %dma_start3A_135 = arith.constant 0 : i32
    %dma_start3A_136 = tpu.memref_slice %arg4[%add3A_124, %dma_start3A_135] : memref<2528x128xi32, #tpu.memory_space<hbm>> -> memref<1x128xi32, #tpu.memory_space<hbm>>
    %dma_start3A_137 = tpu.memref_squeeze %dma_start3A_136 : memref<1x128xi32, #tpu.memory_space<hbm>> -> memref<128xi32, #tpu.memory_space<hbm>>
    tpu.enqueue_dma source(%dma_start3A_137 : memref<128xi32, #tpu.memory_space<hbm>>) target(%dma_start3A_134 : memref<128xi32, #tpu.memory_space<vmem>>) target_semaphore(%arg11 : memref<!tpu.dma_semaphore, #tpu.memory_space<semaphore_mem>>)
    %scan3A_138 = arith.constant 0 : i32
    %scan3A_139 = arith.constant 0 : i32
    %scan3A_140 = arith.constant 79 : i32
    %scan3A_141 = arith.addi %scan3A_139, %scan3A_140 : i32
    %scan3A_142 = arith.constant 1 : i32
    scf.for %scan3A_161 = %scan3A_139 to %scan3A_141 step %scan3A_142  : i32 {
      %jit3A = arith.constant 2 : i32
      %eq3A = arith.constant 0 : i32
      %eq3A_162 = arith.cmpi eq, %jit3A, %eq3A : i32
      %jit3A_163 = arith.constant 1 : i32
      %select_n3A = arith.select %eq3A_162, %jit3A_163, %jit3A : i32
      %rem3A = arith.remsi %scan3A_161, %select_n3A : i32
      %ne3A = arith.constant 0 : i32
      %ne3A_164 = arith.cmpi ne, %rem3A, %ne3A : i32
      %lt3A = arith.constant 0 : i32
      %lt3A_165 = arith.cmpi slt, %rem3A, %lt3A : i32
      %lt3A_166 = arith.constant 0 : i32
      %lt3A_167 = arith.cmpi slt, %select_n3A, %lt3A_166 : i32
      %ne3A_168 = arith.xori %lt3A_165, %lt3A_167 : i1
      %and3A = arith.andi %ne3A_168, %ne3A_164 : i1
      %add3A_169 = arith.addi %rem3A, %select_n3A : i32
      %select_n3A_170 = arith.select %and3A, %add3A_169, %rem3A : i32
      %jit3A_171 = arith.constant 3 : i32
      %eq3A_172 = arith.constant 0 : i32
      %eq3A_173 = arith.cmpi eq, %jit3A_171, %eq3A_172 : i32
      %jit3A_174 = arith.constant 1 : i32
      %select_n3A_175 = arith.select %eq3A_173, %jit3A_174, %jit3A_171 : i32
      %rem3A_176 = arith.remsi %scan3A_161, %select_n3A_175 : i32
      %ne3A_177 = arith.constant 0 : i32
      %ne3A_178 = arith.cmpi ne, %rem3A_176, %ne3A_177 : i32
      %lt3A_179 = arith.constant 0 : i32
      %lt3A_180 = arith.cmpi slt, %rem3A_176, %lt3A_179 : i32
      %lt3A_181 = arith.constant 0 : i32
      %lt3A_182 = arith.cmpi slt, %select_n3A_175, %lt3A_181 : i32
      %ne3A_183 = arith.xori %lt3A_180, %lt3A_182 : i1
      %and3A_184 = arith.andi %ne3A_183, %ne3A_178 : i1
      %add3A_185 = arith.addi %rem3A_176, %select_n3A_175 : i32
      %select_n3A_186 = arith.select %and3A_184, %add3A_185, %rem3A_176 : i32
      %dma_wait3A_187 = arith.constant 0 : i32
      %dma_wait3A_188 = arith.constant 0 : i32
      %dma_wait3A_189 = tpu.memref_slice %arg8[%select_n3A_170, %dma_wait3A_187, %dma_wait3A_188] : memref<2x128x16xf32, #tpu.memory_space<vmem>> -> memref<1x128x16xf32, #tpu.memory_space<vmem>>
      %dma_wait3A_190 = tpu.memref_squeeze %dma_wait3A_189 : memref<1x128x16xf32, #tpu.memory_space<vmem>> -> memref<128x16xf32, #tpu.memory_space<vmem>>
      %dma_wait3A_191 = arith.constant 0 : i32
      %dma_wait3A_192 = tpu.memref_slice %arg6[%select_n3A_186, %dma_wait3A_191] : memref<3x128xi32, #tpu.memory_space<vmem>> -> memref<1x128xi32, #tpu.memory_space<vmem>>
      %dma_wait3A_193 = tpu.memref_squeeze %dma_wait3A_192 : memref<1x128xi32, #tpu.memory_space<vmem>> -> memref<128xi32, #tpu.memory_space<vmem>>
      %dma_wait3A_194 = arith.constant 0 : i32
      %dma_wait3A_195 = arith.constant 0 : i32
      %dma_wait3A_196 = tpu.memref_slice %arg9[%dma_wait3A_194, %dma_wait3A_195] : memref<10000x16xf32, #tpu.memory_space<vmem_shared>> -> memref<10000x16xf32, #tpu.memory_space<vmem_shared>>
      tpu.wait_indirect_dma semaphore(%arg12 : memref<!tpu.dma_semaphore, #tpu.memory_space<semaphore_mem>>) src(%dma_wait3A_196 : memref<10000x16xf32, #tpu.memory_space<vmem_shared>>) dst(%dma_wait3A_190 : memref<128x16xf32, #tpu.memory_space<vmem>>)
      %gt3A = arith.constant 0 : i32
      %gt3A_197 = arith.cmpi sgt, %scan3A_161, %gt3A : i32
      %convert_element_type3A = arith.extui %gt3A_197 : i1 to i32
      %cond3A = arith.constant 0 : i32
      %cond3A_198 = arith.cmpi ne, %convert_element_type3A, %cond3A : i32
      scf.if %cond3A_198 {
        %sub3A = arith.constant 1 : i32
        %sub3A_223 = arith.subi %sub3A, %select_n3A_170 : i32
        %add3A_224 = arith.constant 2 : i32
        %add3A_225 = arith.addi %scan3A_161, %add3A_224 : i32
        %jit3A_226 = arith.constant 3 : i32
        %eq3A_227 = arith.constant 0 : i32
        %eq3A_228 = arith.cmpi eq, %jit3A_226, %eq3A_227 : i32
        %jit3A_229 = arith.constant 1 : i32
        %select_n3A_230 = arith.select %eq3A_228, %jit3A_229, %jit3A_226 : i32
        %rem3A_231 = arith.remsi %add3A_225, %select_n3A_230 : i32
        %ne3A_232 = arith.constant 0 : i32
        %ne3A_233 = arith.cmpi ne, %rem3A_231, %ne3A_232 : i32
        %lt3A_234 = arith.constant 0 : i32
        %lt3A_235 = arith.cmpi slt, %rem3A_231, %lt3A_234 : i32
        %lt3A_236 = arith.constant 0 : i32
        %lt3A_237 = arith.cmpi slt, %select_n3A_230, %lt3A_236 : i32
        %ne3A_238 = arith.xori %lt3A_235, %lt3A_237 : i1
        %and3A_239 = arith.andi %ne3A_238, %ne3A_233 : i1
        %add3A_240 = arith.addi %rem3A_231, %select_n3A_230 : i32
        %select_n3A_241 = arith.select %and3A_239, %add3A_240, %rem3A_231 : i32
        %dma_wait3A_242 = arith.constant 0 : i32
        %dma_wait3A_243 = arith.constant 0 : i32
        %dma_wait3A_244 = tpu.memref_slice %arg8[%sub3A_223, %dma_wait3A_242, %dma_wait3A_243] : memref<2x128x16xf32, #tpu.memory_space<vmem>> -> memref<1x128x16xf32, #tpu.memory_space<vmem>>
        %dma_wait3A_245 = tpu.memref_squeeze %dma_wait3A_244 : memref<1x128x16xf32, #tpu.memory_space<vmem>> -> memref<128x16xf32, #tpu.memory_space<vmem>>
        %dma_wait3A_246 = arith.constant 0 : i32
        %dma_wait3A_247 = tpu.memref_slice %arg7[%select_n3A_241, %dma_wait3A_246] : memref<3x128xi32, #tpu.memory_space<vmem>> -> memref<1x128xi32, #tpu.memory_space<vmem>>
        %dma_wait3A_248 = tpu.memref_squeeze %dma_wait3A_247 : memref<1x128xi32, #tpu.memory_space<vmem>> -> memref<128xi32, #tpu.memory_space<vmem>>
        %dma_wait3A_249 = arith.constant 0 : i32
        %dma_wait3A_250 = arith.constant 0 : i32
        %dma_wait3A_251 = tpu.memref_slice %arg10[%dma_wait3A_249, %dma_wait3A_250] : memref<10240x16xf32, #tpu.memory_space<vmem_shared>> -> memref<10240x16xf32, #tpu.memory_space<vmem_shared>>
        tpu.wait_indirect_dma semaphore(%arg13 : memref<!tpu.dma_semaphore, #tpu.memory_space<semaphore_mem>>) src(%dma_wait3A_245 : memref<128x16xf32, #tpu.memory_space<vmem>>) dst(%dma_wait3A_251 : memref<10240x16xf32, #tpu.memory_space<vmem_shared>>)
      } else {
      }
      %dma_start3A_199 = arith.constant 0 : i32
      %dma_start3A_200 = arith.constant 0 : i32
      %dma_start3A_201 = tpu.memref_slice %arg8[%select_n3A_170, %dma_start3A_199, %dma_start3A_200] : memref<2x128x16xf32, #tpu.memory_space<vmem>> -> memref<1x128x16xf32, #tpu.memory_space<vmem>>
      %dma_start3A_202 = tpu.memref_squeeze %dma_start3A_201 : memref<1x128x16xf32, #tpu.memory_space<vmem>> -> memref<128x16xf32, #tpu.memory_space<vmem>>
      %dma_start3A_203 = arith.constant 0 : i32
      %dma_start3A_204 = tpu.memref_slice %arg7[%select_n3A_186, %dma_start3A_203] : memref<3x128xi32, #tpu.memory_space<vmem>> -> memref<1x128xi32, #tpu.memory_space<vmem>>
      %dma_start3A_205 = tpu.memref_squeeze %dma_start3A_204 : memref<1x128xi32, #tpu.memory_space<vmem>> -> memref<128xi32, #tpu.memory_space<vmem>>
      %dma_start3A_206 = arith.constant 0 : i32
      %dma_start3A_207 = arith.constant 0 : i32
      %dma_start3A_208 = tpu.memref_slice %arg10[%dma_start3A_206, %dma_start3A_207] : memref<10240x16xf32, #tpu.memory_space<vmem_shared>> -> memref<10240x16xf32, #tpu.memory_space<vmem_shared>>
      tpu.enqueue_indirect_dma source(%dma_start3A_202 : memref<128x16xf32, #tpu.memory_space<vmem>>) target(%dma_start3A_208 : memref<10240x16xf32, #tpu.memory_space<vmem_shared>>) offsets(%dma_start3A_205 : memref<128xi32, #tpu.memory_space<vmem>>) semaphore(%arg13 : memref<!tpu.dma_semaphore, #tpu.memory_space<semaphore_mem>>) {add = true}
      %add3A_209 = arith.constant 1 : i32
      %add3A_210 = arith.addi %scan3A_161, %add3A_209 : i32
      %lt3A_211 = arith.constant 79 : i32
      %lt3A_212 = arith.cmpi slt, %add3A_210, %lt3A_211 : i32
      %convert_element_type3A_213 = arith.extui %lt3A_212 : i1 to i32
      %cond3A_214 = arith.constant 0 : i32
      %cond3A_215 = arith.cmpi ne, %convert_element_type3A_213, %cond3A_214 : i32
      scf.if %cond3A_215 {
        %add3A_223 = arith.constant 1 : i32
        %add3A_224 = arith.addi %scan3A_161, %add3A_223 : i32
        %add3A_225 = arith.constant 1 : i32
        %add3A_226 = arith.addi %scan3A_161, %add3A_225 : i32
        %jit3A_227 = arith.constant 3 : i32
        %eq3A_228 = arith.constant 0 : i32
        %eq3A_229 = arith.cmpi eq, %jit3A_227, %eq3A_228 : i32
        %jit3A_230 = arith.constant 1 : i32
        %select_n3A_231 = arith.select %eq3A_229, %jit3A_230, %jit3A_227 : i32
        %rem3A_232 = arith.remsi %add3A_226, %select_n3A_231 : i32
        %ne3A_233 = arith.constant 0 : i32
        %ne3A_234 = arith.cmpi ne, %rem3A_232, %ne3A_233 : i32
        %lt3A_235 = arith.constant 0 : i32
        %lt3A_236 = arith.cmpi slt, %rem3A_232, %lt3A_235 : i32
        %lt3A_237 = arith.constant 0 : i32
        %lt3A_238 = arith.cmpi slt, %select_n3A_231, %lt3A_237 : i32
        %ne3A_239 = arith.xori %lt3A_236, %lt3A_238 : i1
        %and3A_240 = arith.andi %ne3A_239, %ne3A_234 : i1
        %add3A_241 = arith.addi %rem3A_232, %select_n3A_231 : i32
        %select_n3A_242 = arith.select %and3A_240, %add3A_241, %rem3A_232 : i32
        %add3A_243 = arith.addi %mul3A_2, %add3A_224 : i32
        %dma_wait3A_244 = arith.constant 0 : i32
        %dma_wait3A_245 = tpu.memref_slice %arg6[%select_n3A_242, %dma_wait3A_244] : memref<3x128xi32, #tpu.memory_space<vmem>> -> memref<1x128xi32, #tpu.memory_space<vmem>>
        %dma_wait3A_246 = tpu.memref_squeeze %dma_wait3A_245 : memref<1x128xi32, #tpu.memory_space<vmem>> -> memref<128xi32, #tpu.memory_space<vmem>>
        %dma_wait3A_247 = arith.constant 0 : i32
        %dma_wait3A_248 = tpu.memref_slice %arg3[%add3A_243, %dma_wait3A_247] : memref<2528x128xi32, #tpu.memory_space<hbm>> -> memref<1x128xi32, #tpu.memory_space<hbm>>
        %dma_wait3A_249 = tpu.memref_squeeze %dma_wait3A_248 : memref<1x128xi32, #tpu.memory_space<hbm>> -> memref<128xi32, #tpu.memory_space<hbm>>
        %dma_wait3A_250 = arith.constant 0 : i32
        %dma_wait3A_251 = tpu.memref_slice %arg6[%select_n3A_242, %dma_wait3A_250] : memref<3x128xi32, #tpu.memory_space<vmem>> -> memref<1x128xi32, #tpu.memory_space<vmem>>
        %dma_wait3A_252 = tpu.memref_squeeze %dma_wait3A_251 : memref<1x128xi32, #tpu.memory_space<vmem>> -> memref<128xi32, #tpu.memory_space<vmem>>
        %dma_wait3A_253 = arith.constant 0 : i32
        %dma_wait3A_254 = tpu.memref_slice %arg3[%add3A_243, %dma_wait3A_253] : memref<2528x128xi32, #tpu.memory_space<hbm>> -> memref<1x128xi32, #tpu.memory_space<hbm>>
        %dma_wait3A_255 = tpu.memref_squeeze %dma_wait3A_254 : memref<1x128xi32, #tpu.memory_space<hbm>> -> memref<128xi32, #tpu.memory_space<hbm>>
        tpu.wait_dma2 semaphore(%arg11 : memref<!tpu.dma_semaphore, #tpu.memory_space<semaphore_mem>>) src(%dma_wait3A_255 : memref<128xi32, #tpu.memory_space<hbm>>) dst(%dma_wait3A_252 : memref<128xi32, #tpu.memory_space<vmem>>)
        %add3A_256 = arith.addi %mul3A_2, %add3A_224 : i32
        %dma_wait3A_257 = arith.constant 0 : i32
        %dma_wait3A_258 = tpu.memref_slice %arg7[%select_n3A_242, %dma_wait3A_257] : memref<3x128xi32, #tpu.memory_space<vmem>> -> memref<1x128xi32, #tpu.memory_space<vmem>>
        %dma_wait3A_259 = tpu.memref_squeeze %dma_wait3A_258 : memref<1x128xi32, #tpu.memory_space<vmem>> -> memref<128xi32, #tpu.memory_space<vmem>>
        %dma_wait3A_260 = arith.constant 0 : i32
        %dma_wait3A_261 = tpu.memref_slice %arg4[%add3A_256, %dma_wait3A_260] : memref<2528x128xi32, #tpu.memory_space<hbm>> -> memref<1x128xi32, #tpu.memory_space<hbm>>
        %dma_wait3A_262 = tpu.memref_squeeze %dma_wait3A_261 : memref<1x128xi32, #tpu.memory_space<hbm>> -> memref<128xi32, #tpu.memory_space<hbm>>
        %dma_wait3A_263 = arith.constant 0 : i32
        %dma_wait3A_264 = tpu.memref_slice %arg7[%select_n3A_242, %dma_wait3A_263] : memref<3x128xi32, #tpu.memory_space<vmem>> -> memref<1x128xi32, #tpu.memory_space<vmem>>
        %dma_wait3A_265 = tpu.memref_squeeze %dma_wait3A_264 : memref<1x128xi32, #tpu.memory_space<vmem>> -> memref<128xi32, #tpu.memory_space<vmem>>
        %dma_wait3A_266 = arith.constant 0 : i32
        %dma_wait3A_267 = tpu.memref_slice %arg4[%add3A_256, %dma_wait3A_266] : memref<2528x128xi32, #tpu.memory_space<hbm>> -> memref<1x128xi32, #tpu.memory_space<hbm>>
        %dma_wait3A_268 = tpu.memref_squeeze %dma_wait3A_267 : memref<1x128xi32, #tpu.memory_space<hbm>> -> memref<128xi32, #tpu.memory_space<hbm>>
        tpu.wait_dma2 semaphore(%arg11 : memref<!tpu.dma_semaphore, #tpu.memory_space<semaphore_mem>>) src(%dma_wait3A_268 : memref<128xi32, #tpu.memory_space<hbm>>) dst(%dma_wait3A_265 : memref<128xi32, #tpu.memory_space<vmem>>)
        %add3A_269 = arith.constant 1 : i32
        %add3A_270 = arith.addi %scan3A_161, %add3A_269 : i32
        %jit3A_271 = arith.constant 3 : i32
        %eq3A_272 = arith.constant 0 : i32
        %eq3A_273 = arith.cmpi eq, %jit3A_271, %eq3A_272 : i32
        %jit3A_274 = arith.constant 1 : i32
        %select_n3A_275 = arith.select %eq3A_273, %jit3A_274, %jit3A_271 : i32
        %rem3A_276 = arith.remsi %add3A_270, %select_n3A_275 : i32
        %ne3A_277 = arith.constant 0 : i32
        %ne3A_278 = arith.cmpi ne, %rem3A_276, %ne3A_277 : i32
        %lt3A_279 = arith.constant 0 : i32
        %lt3A_280 = arith.cmpi slt, %rem3A_276, %lt3A_279 : i32
        %lt3A_281 = arith.constant 0 : i32
        %lt3A_282 = arith.cmpi slt, %select_n3A_275, %lt3A_281 : i32
        %ne3A_283 = arith.xori %lt3A_280, %lt3A_282 : i1
        %and3A_284 = arith.andi %ne3A_283, %ne3A_278 : i1
        %add3A_285 = arith.addi %rem3A_276, %select_n3A_275 : i32
        %select_n3A_286 = arith.select %and3A_284, %add3A_285, %rem3A_276 : i32
        %sub3A = arith.constant 1 : i32
        %sub3A_287 = arith.subi %sub3A, %select_n3A_170 : i32
        %dma_start3A_288 = arith.constant 0 : i32
        %dma_start3A_289 = arith.constant 0 : i32
        %dma_start3A_290 = tpu.memref_slice %arg8[%sub3A_287, %dma_start3A_288, %dma_start3A_289] : memref<2x128x16xf32, #tpu.memory_space<vmem>> -> memref<1x128x16xf32, #tpu.memory_space<vmem>>
        %dma_start3A_291 = tpu.memref_squeeze %dma_start3A_290 : memref<1x128x16xf32, #tpu.memory_space<vmem>> -> memref<128x16xf32, #tpu.memory_space<vmem>>
        %dma_start3A_292 = arith.constant 0 : i32
        %dma_start3A_293 = tpu.memref_slice %arg6[%select_n3A_286, %dma_start3A_292] : memref<3x128xi32, #tpu.memory_space<vmem>> -> memref<1x128xi32, #tpu.memory_space<vmem>>
        %dma_start3A_294 = tpu.memref_squeeze %dma_start3A_293 : memref<1x128xi32, #tpu.memory_space<vmem>> -> memref<128xi32, #tpu.memory_space<vmem>>
        %dma_start3A_295 = arith.constant 0 : i32
        %dma_start3A_296 = arith.constant 0 : i32
        %dma_start3A_297 = tpu.memref_slice %arg9[%dma_start3A_295, %dma_start3A_296] : memref<10000x16xf32, #tpu.memory_space<vmem_shared>> -> memref<10000x16xf32, #tpu.memory_space<vmem_shared>>
        tpu.enqueue_indirect_dma source(%dma_start3A_297 : memref<10000x16xf32, #tpu.memory_space<vmem_shared>>) target(%dma_start3A_291 : memref<128x16xf32, #tpu.memory_space<vmem>>) offsets(%dma_start3A_294 : memref<128xi32, #tpu.memory_space<vmem>>) semaphore(%arg12 : memref<!tpu.dma_semaphore, #tpu.memory_space<semaphore_mem>>)
      } else {
      }
      %add3A_216 = arith.constant 2 : i32
      %add3A_217 = arith.addi %scan3A_161, %add3A_216 : i32
      %lt3A_218 = arith.constant 79 : i32
      %lt3A_219 = arith.cmpi slt, %add3A_217, %lt3A_218 : i32
      %convert_element_type3A_220 = arith.extui %lt3A_219 : i1 to i32
      %cond3A_221 = arith.constant 0 : i32
      %cond3A_222 = arith.cmpi ne, %convert_element_type3A_220, %cond3A_221 : i32
      scf.if %cond3A_222 {
        %add3A_223 = arith.constant 2 : i32
        %add3A_224 = arith.addi %scan3A_161, %add3A_223 : i32
        %add3A_225 = arith.constant 2 : i32
        %add3A_226 = arith.addi %scan3A_161, %add3A_225 : i32
        %jit3A_227 = arith.constant 3 : i32
        %eq3A_228 = arith.constant 0 : i32
        %eq3A_229 = arith.cmpi eq, %jit3A_227, %eq3A_228 : i32
        %jit3A_230 = arith.constant 1 : i32
        %select_n3A_231 = arith.select %eq3A_229, %jit3A_230, %jit3A_227 : i32
        %rem3A_232 = arith.remsi %add3A_226, %select_n3A_231 : i32
        %ne3A_233 = arith.constant 0 : i32
        %ne3A_234 = arith.cmpi ne, %rem3A_232, %ne3A_233 : i32
        %lt3A_235 = arith.constant 0 : i32
        %lt3A_236 = arith.cmpi slt, %rem3A_232, %lt3A_235 : i32
        %lt3A_237 = arith.constant 0 : i32
        %lt3A_238 = arith.cmpi slt, %select_n3A_231, %lt3A_237 : i32
        %ne3A_239 = arith.xori %lt3A_236, %lt3A_238 : i1
        %and3A_240 = arith.andi %ne3A_239, %ne3A_234 : i1
        %add3A_241 = arith.addi %rem3A_232, %select_n3A_231 : i32
        %select_n3A_242 = arith.select %and3A_240, %add3A_241, %rem3A_232 : i32
        %add3A_243 = arith.addi %mul3A_2, %add3A_224 : i32
        %dma_start3A_244 = arith.constant 0 : i32
        %dma_start3A_245 = tpu.memref_slice %arg6[%select_n3A_242, %dma_start3A_244] : memref<3x128xi32, #tpu.memory_space<vmem>> -> memref<1x128xi32, #tpu.memory_space<vmem>>
        %dma_start3A_246 = tpu.memref_squeeze %dma_start3A_245 : memref<1x128xi32, #tpu.memory_space<vmem>> -> memref<128xi32, #tpu.memory_space<vmem>>
        %dma_start3A_247 = arith.constant 0 : i32
        %dma_start3A_248 = tpu.memref_slice %arg3[%add3A_243, %dma_start3A_247] : memref<2528x128xi32, #tpu.memory_space<hbm>> -> memref<1x128xi32, #tpu.memory_space<hbm>>
        %dma_start3A_249 = tpu.memref_squeeze %dma_start3A_248 : memref<1x128xi32, #tpu.memory_space<hbm>> -> memref<128xi32, #tpu.memory_space<hbm>>
        %dma_start3A_250 = arith.constant 0 : i32
        %dma_start3A_251 = tpu.memref_slice %arg6[%select_n3A_242, %dma_start3A_250] : memref<3x128xi32, #tpu.memory_space<vmem>> -> memref<1x128xi32, #tpu.memory_space<vmem>>
        %dma_start3A_252 = tpu.memref_squeeze %dma_start3A_251 : memref<1x128xi32, #tpu.memory_space<vmem>> -> memref<128xi32, #tpu.memory_space<vmem>>
        %dma_start3A_253 = arith.constant 0 : i32
        %dma_start3A_254 = tpu.memref_slice %arg3[%add3A_243, %dma_start3A_253] : memref<2528x128xi32, #tpu.memory_space<hbm>> -> memref<1x128xi32, #tpu.memory_space<hbm>>
        %dma_start3A_255 = tpu.memref_squeeze %dma_start3A_254 : memref<1x128xi32, #tpu.memory_space<hbm>> -> memref<128xi32, #tpu.memory_space<hbm>>
        tpu.enqueue_dma source(%dma_start3A_255 : memref<128xi32, #tpu.memory_space<hbm>>) target(%dma_start3A_252 : memref<128xi32, #tpu.memory_space<vmem>>) target_semaphore(%arg11 : memref<!tpu.dma_semaphore, #tpu.memory_space<semaphore_mem>>)
        %add3A_256 = arith.addi %mul3A_2, %add3A_224 : i32
        %dma_start3A_257 = arith.constant 0 : i32
        %dma_start3A_258 = tpu.memref_slice %arg7[%select_n3A_242, %dma_start3A_257] : memref<3x128xi32, #tpu.memory_space<vmem>> -> memref<1x128xi32, #tpu.memory_space<vmem>>
        %dma_start3A_259 = tpu.memref_squeeze %dma_start3A_258 : memref<1x128xi32, #tpu.memory_space<vmem>> -> memref<128xi32, #tpu.memory_space<vmem>>
        %dma_start3A_260 = arith.constant 0 : i32
        %dma_start3A_261 = tpu.memref_slice %arg4[%add3A_256, %dma_start3A_260] : memref<2528x128xi32, #tpu.memory_space<hbm>> -> memref<1x128xi32, #tpu.memory_space<hbm>>
        %dma_start3A_262 = tpu.memref_squeeze %dma_start3A_261 : memref<1x128xi32, #tpu.memory_space<hbm>> -> memref<128xi32, #tpu.memory_space<hbm>>
        %dma_start3A_263 = arith.constant 0 : i32
        %dma_start3A_264 = tpu.memref_slice %arg7[%select_n3A_242, %dma_start3A_263] : memref<3x128xi32, #tpu.memory_space<vmem>> -> memref<1x128xi32, #tpu.memory_space<vmem>>
        %dma_start3A_265 = tpu.memref_squeeze %dma_start3A_264 : memref<1x128xi32, #tpu.memory_space<vmem>> -> memref<128xi32, #tpu.memory_space<vmem>>
        %dma_start3A_266 = arith.constant 0 : i32
        %dma_start3A_267 = tpu.memref_slice %arg4[%add3A_256, %dma_start3A_266] : memref<2528x128xi32, #tpu.memory_space<hbm>> -> memref<1x128xi32, #tpu.memory_space<hbm>>
        %dma_start3A_268 = tpu.memref_squeeze %dma_start3A_267 : memref<1x128xi32, #tpu.memory_space<hbm>> -> memref<128xi32, #tpu.memory_space<hbm>>
        tpu.enqueue_dma source(%dma_start3A_268 : memref<128xi32, #tpu.memory_space<hbm>>) target(%dma_start3A_265 : memref<128xi32, #tpu.memory_space<vmem>>) target_semaphore(%arg11 : memref<!tpu.dma_semaphore, #tpu.memory_space<semaphore_mem>>)
      } else {
      }
    }
    %scan3A_143 = arith.constant 79 : i32
    %dma_wait3A_144 = arith.constant 0 : i32
    %dma_wait3A_145 = arith.constant 0 : i32
    %dma_wait3A_146 = arith.constant 0 : i32
    %dma_wait3A_147 = arith.constant 0 : i32
    %dma_wait3A_148 = tpu.memref_slice %arg8[%dma_wait3A_144, %dma_wait3A_146, %dma_wait3A_147] : memref<2x128x16xf32, #tpu.memory_space<vmem>> -> memref<1x128x16xf32, #tpu.memory_space<vmem>>
    %dma_wait3A_149 = tpu.memref_squeeze %dma_wait3A_148 : memref<1x128x16xf32, #tpu.memory_space<vmem>> -> memref<128x16xf32, #tpu.memory_space<vmem>>
    %dma_wait3A_150 = arith.constant 0 : i32
    %dma_wait3A_151 = tpu.memref_slice %arg7[%dma_wait3A_145, %dma_wait3A_150] : memref<3x128xi32, #tpu.memory_space<vmem>> -> memref<1x128xi32, #tpu.memory_space<vmem>>
    %dma_wait3A_152 = tpu.memref_squeeze %dma_wait3A_151 : memref<1x128xi32, #tpu.memory_space<vmem>> -> memref<128xi32, #tpu.memory_space<vmem>>
    %dma_wait3A_153 = arith.constant 0 : i32
    %dma_wait3A_154 = arith.constant 0 : i32
    %dma_wait3A_155 = tpu.memref_slice %arg10[%dma_wait3A_153, %dma_wait3A_154] : memref<10240x16xf32, #tpu.memory_space<vmem_shared>> -> memref<10240x16xf32, #tpu.memory_space<vmem_shared>>
    tpu.wait_indirect_dma semaphore(%arg13 : memref<!tpu.dma_semaphore, #tpu.memory_space<semaphore_mem>>) src(%dma_wait3A_149 : memref<128x16xf32, #tpu.memory_space<vmem>>) dst(%dma_wait3A_155 : memref<10240x16xf32, #tpu.memory_space<vmem_shared>>)
    %barrier3A_156 = arith.constant 0 : index
    tpu.barrier barrier_id(%barrier3A_156)
    %mul3A_157 = arith.constant 640 : i32
    %mul3A_158 = arith.muli %arg1, %mul3A_157 : i32
    %mul3A_159 = arith.constant 640 : i32
    %mul3A_160 = arith.muli %arg1, %mul3A_159 : i32
    "tpu.region"() ({
      %run_scoped3A_161 = tpu.sem_alloc : memref<!tpu.dma_semaphore, #tpu.memory_space<semaphore_mem>>
      %dma_start3A_162 = arith.constant 0 : i32
      %dma_start3A_163 = tpu.memref_slice %arg5[%arg0, %mul3A_160, %dma_start3A_162] : memref<2x10240x16xf32, #tpu.memory_space<hbm>> -> memref<1x640x16xf32, #tpu.memory_space<hbm>>
      %dma_start3A_164 = tpu.memref_squeeze %dma_start3A_163 : memref<1x640x16xf32, #tpu.memory_space<hbm>> -> memref<640x16xf32, #tpu.memory_space<hbm>>
      %dma_start3A_165 = arith.constant 0 : i32
      %dma_start3A_166 = tpu.memref_slice %arg10[%mul3A_158, %dma_start3A_165] : memref<10240x16xf32, #tpu.memory_space<vmem_shared>> -> memref<640x16xf32, #tpu.memory_space<vmem_shared>>
      tpu.enqueue_dma source(%dma_start3A_166 : memref<640x16xf32, #tpu.memory_space<vmem_shared>>) target(%dma_start3A_164 : memref<640x16xf32, #tpu.memory_space<hbm>>) target_semaphore(%run_scoped3A_161 : memref<!tpu.dma_semaphore, #tpu.memory_space<semaphore_mem>>)
      %dma_wait3A_167 = arith.constant 0 : i32
      %dma_wait3A_168 = tpu.memref_slice %arg5[%arg0, %mul3A_160, %dma_wait3A_167] : memref<2x10240x16xf32, #tpu.memory_space<hbm>> -> memref<1x640x16xf32, #tpu.memory_space<hbm>>
      %dma_wait3A_169 = tpu.memref_squeeze %dma_wait3A_168 : memref<1x640x16xf32, #tpu.memory_space<hbm>> -> memref<640x16xf32, #tpu.memory_space<hbm>>
      %dma_wait3A_170 = arith.constant 0 : i32
      %dma_wait3A_171 = tpu.memref_slice %arg10[%mul3A_158, %dma_wait3A_170] : memref<10240x16xf32, #tpu.memory_space<vmem_shared>> -> memref<640x16xf32, #tpu.memory_space<vmem_shared>>
      tpu.wait_dma2 semaphore(%run_scoped3A_161 : memref<!tpu.dma_semaphore, #tpu.memory_space<semaphore_mem>>) src(%dma_wait3A_171 : memref<640x16xf32, #tpu.memory_space<vmem_shared>>) dst(%dma_wait3A_169 : memref<640x16xf32, #tpu.memory_space<hbm>>)
      tpu.yield
    }) : () -> ()
    return
  }
}

#map = affine_map<(d0, d1) -> (0, 0, 0)>
#map1 = affine_map<(d0, d1) -> (0, 0)>
module attributes {stable_mosaic.version = 14 : i64} {
  func.func @body(%arg0: i32, %arg1: i32, %arg2: memref<2x10000x64xf32, #tpu.memory_space<hbm>>, %arg3: memref<2528x128xi32, #tpu.memory_space<hbm>>, %arg4: memref<2528x128xi32, #tpu.memory_space<hbm>>, %arg5: memref<2x10240x64xf32, #tpu.memory_space<hbm>>, %arg6: memref<3x128xi32, #tpu.memory_space<vmem>>, %arg7: memref<3x128xi32, #tpu.memory_space<vmem>>, %arg8: memref<2x128x64xf32, #tpu.memory_space<vmem>>, %arg9: memref<10000x64xf32, #tpu.memory_space<vmem_shared>>, %arg10: memref<10240x64xf32, #tpu.memory_space<vmem_shared>>, %arg11: memref<!tpu.dma_semaphore, #tpu.memory_space<semaphore_mem>>, %arg12: memref<!tpu.dma_semaphore, #tpu.memory_space<semaphore_mem>>, %arg13: memref<!tpu.dma_semaphore, #tpu.memory_space<semaphore_mem>>) attributes {dimension_semantics = [#tpu.dimension_semantics<core_parallel>, #tpu.dimension_semantics<subcore_parallel>], iteration_bounds = array<i64: 2, 16>, scalar_prefetch = 0 : i64, scratch_operands = 8 : i64, tpu.core_type = #tpu.core_type<sc_vector_subcore>, window_params = [{transform_indices = #map}, {transform_indices = #map1}, {transform_indices = #map1}, {transform_indices = #map}]} {
    %mul3A = arith.constant 158 : i32
    %mul3A_0 = arith.muli %arg1, %mul3A : i32
    %mul3A_1 = arith.constant 625 : i32
    %mul3A_2 = arith.muli %arg1, %mul3A_1 : i32
    %mul3A_3 = arith.constant 625 : i32
    %mul3A_4 = arith.muli %arg1, %mul3A_3 : i32
    "tpu.region"() ({
      %run_scoped3A_158 = tpu.sem_alloc : memref<!tpu.dma_semaphore, #tpu.memory_space<semaphore_mem>>
      %dma_start3A_159 = arith.constant 0 : i32
      %dma_start3A_160 = tpu.memref_slice %arg9[%mul3A_4, %dma_start3A_159] : memref<10000x64xf32, #tpu.memory_space<vmem_shared>> -> memref<625x64xf32, #tpu.memory_space<vmem_shared>>
      %dma_start3A_161 = arith.constant 0 : i32
      %dma_start3A_162 = tpu.memref_slice %arg2[%arg0, %mul3A_2, %dma_start3A_161] : memref<2x10000x64xf32, #tpu.memory_space<hbm>> -> memref<1x625x64xf32, #tpu.memory_space<hbm>>
      %dma_start3A_163 = tpu.memref_squeeze %dma_start3A_162 : memref<1x625x64xf32, #tpu.memory_space<hbm>> -> memref<625x64xf32, #tpu.memory_space<hbm>>
      tpu.enqueue_dma source(%dma_start3A_163 : memref<625x64xf32, #tpu.memory_space<hbm>>) target(%dma_start3A_160 : memref<625x64xf32, #tpu.memory_space<vmem_shared>>) target_semaphore(%run_scoped3A_158 : memref<!tpu.dma_semaphore, #tpu.memory_space<semaphore_mem>>)
      %dma_wait3A_164 = arith.constant 0 : i32
      %dma_wait3A_165 = tpu.memref_slice %arg9[%mul3A_4, %dma_wait3A_164] : memref<10000x64xf32, #tpu.memory_space<vmem_shared>> -> memref<625x64xf32, #tpu.memory_space<vmem_shared>>
      %dma_wait3A_166 = arith.constant 0 : i32
      %dma_wait3A_167 = tpu.memref_slice %arg2[%arg0, %mul3A_2, %dma_wait3A_166] : memref<2x10000x64xf32, #tpu.memory_space<hbm>> -> memref<1x625x64xf32, #tpu.memory_space<hbm>>
      %dma_wait3A_168 = tpu.memref_squeeze %dma_wait3A_167 : memref<1x625x64xf32, #tpu.memory_space<hbm>> -> memref<625x64xf32, #tpu.memory_space<hbm>>
      tpu.wait_dma2 semaphore(%run_scoped3A_158 : memref<!tpu.dma_semaphore, #tpu.memory_space<semaphore_mem>>) src(%dma_wait3A_168 : memref<625x64xf32, #tpu.memory_space<hbm>>) dst(%dma_wait3A_165 : memref<625x64xf32, #tpu.memory_space<vmem_shared>>)
      tpu.yield
    }) : () -> ()
    %broadcast_in_dim3A = arith.constant 0.000000e+00 : f32
    %broadcast_in_dim3A_5 = vector.broadcast %broadcast_in_dim3A : f32 to vector<16xf32>
    %scan3A = arith.constant 0 : i32
    %scan3A_6 = arith.constant 0 : i32
    %scan3A_7 = arith.constant 0 : i32
    %scan3A_8 = arith.constant 128 : i32
    %scan3A_9 = arith.addi %scan3A_7, %scan3A_8 : i32
    %scan3A_10 = arith.constant 1 : i32
    scf.for %scan3A_158 = %scan3A_7 to %scan3A_9 step %scan3A_10  : i32 {
      %swap3A = arith.constant 0 : i32
      %swap3A_159 = arith.constant 0 : i32
      %swap3A_160 = tpu.memref_slice %arg8[%scan3A_6, %swap3A, %swap3A_159] : memref<2x128x64xf32, #tpu.memory_space<vmem>> -> memref<1x128x64xf32, #tpu.memory_space<vmem>>
      %swap3A_161 = tpu.memref_squeeze %swap3A_160 : memref<1x128x64xf32, #tpu.memory_space<vmem>> -> memref<128x64xf32, #tpu.memory_space<vmem>>
      %swap3A_162 = arith.index_cast %scan3A_158 : i32 to index
      %swap3A_163 = arith.constant 0 : index
      %swap3A_164 = tpu.vector_load %swap3A_161[%swap3A_162, %swap3A_163] {strides = array<i32>} : memref<128x64xf32, #tpu.memory_space<vmem>>, vector<1x16xf32>,
      %swap3A_165 = vector.shape_cast %swap3A_164 : vector<1x16xf32> to vector<16xf32>
      %swap3A_166 = vector.shape_cast %broadcast_in_dim3A_5 : vector<16xf32> to vector<1x16xf32>
      tpu.vector_store %swap3A_161[%swap3A_162, %swap3A_163], %swap3A_166 {strides = array<i32>} : memref<128x64xf32, #tpu.memory_space<vmem>>, vector<1x16xf32>,
      %swap3A_167 = arith.constant 0 : i32
      %swap3A_168 = arith.constant 0 : i32
      %swap3A_169 = tpu.memref_slice %arg8[%scan3A_6, %swap3A_167, %swap3A_168] : memref<2x128x64xf32, #tpu.memory_space<vmem>> -> memref<1x128x64xf32, #tpu.memory_space<vmem>>
      %swap3A_170 = tpu.memref_squeeze %swap3A_169 : memref<1x128x64xf32, #tpu.memory_space<vmem>> -> memref<128x64xf32, #tpu.memory_space<vmem>>
      %swap3A_171 = arith.index_cast %scan3A_158 : i32 to index
      %swap3A_172 = arith.constant 16 : index
      %swap3A_173 = tpu.vector_load %swap3A_170[%swap3A_171, %swap3A_172] {strides = array<i32>} : memref<128x64xf32, #tpu.memory_space<vmem>>, vector<1x16xf32>,
      %swap3A_174 = vector.shape_cast %swap3A_173 : vector<1x16xf32> to vector<16xf32>
      %swap3A_175 = vector.shape_cast %broadcast_in_dim3A_5 : vector<16xf32> to vector<1x16xf32>
      tpu.vector_store %swap3A_170[%swap3A_171, %swap3A_172], %swap3A_175 {strides = array<i32>} : memref<128x64xf32, #tpu.memory_space<vmem>>, vector<1x16xf32>,
      %swap3A_176 = arith.constant 0 : i32
      %swap3A_177 = arith.constant 0 : i32
      %swap3A_178 = tpu.memref_slice %arg8[%scan3A_6, %swap3A_176, %swap3A_177] : memref<2x128x64xf32, #tpu.memory_space<vmem>> -> memref<1x128x64xf32, #tpu.memory_space<vmem>>
      %swap3A_179 = tpu.memref_squeeze %swap3A_178 : memref<1x128x64xf32, #tpu.memory_space<vmem>> -> memref<128x64xf32, #tpu.memory_space<vmem>>
      %swap3A_180 = arith.index_cast %scan3A_158 : i32 to index
      %swap3A_181 = arith.constant 32 : index
      %swap3A_182 = tpu.vector_load %swap3A_179[%swap3A_180, %swap3A_181] {strides = array<i32>} : memref<128x64xf32, #tpu.memory_space<vmem>>, vector<1x16xf32>,
      %swap3A_183 = vector.shape_cast %swap3A_182 : vector<1x16xf32> to vector<16xf32>
      %swap3A_184 = vector.shape_cast %broadcast_in_dim3A_5 : vector<16xf32> to vector<1x16xf32>
      tpu.vector_store %swap3A_179[%swap3A_180, %swap3A_181], %swap3A_184 {strides = array<i32>} : memref<128x64xf32, #tpu.memory_space<vmem>>, vector<1x16xf32>,
      %swap3A_185 = arith.constant 0 : i32
      %swap3A_186 = arith.constant 0 : i32
      %swap3A_187 = tpu.memref_slice %arg8[%scan3A_6, %swap3A_185, %swap3A_186] : memref<2x128x64xf32, #tpu.memory_space<vmem>> -> memref<1x128x64xf32, #tpu.memory_space<vmem>>
      %swap3A_188 = tpu.memref_squeeze %swap3A_187 : memref<1x128x64xf32, #tpu.memory_space<vmem>> -> memref<128x64xf32, #tpu.memory_space<vmem>>
      %swap3A_189 = arith.index_cast %scan3A_158 : i32 to index
      %swap3A_190 = arith.constant 48 : index
      %swap3A_191 = tpu.vector_load %swap3A_188[%swap3A_189, %swap3A_190] {strides = array<i32>} : memref<128x64xf32, #tpu.memory_space<vmem>>, vector<1x16xf32>,
      %swap3A_192 = vector.shape_cast %swap3A_191 : vector<1x16xf32> to vector<16xf32>
      %swap3A_193 = vector.shape_cast %broadcast_in_dim3A_5 : vector<16xf32> to vector<1x16xf32>
      tpu.vector_store %swap3A_188[%swap3A_189, %swap3A_190], %swap3A_193 {strides = array<i32>} : memref<128x64xf32, #tpu.memory_space<vmem>>, vector<1x16xf32>,
    }
    %scan3A_11 = arith.constant 128 : i32
    %mul3A_12 = arith.constant 640 : i32
    %mul3A_13 = arith.muli %arg1, %mul3A_12 : i32
    %add3A = arith.constant 0 : i32
    %add3A_14 = arith.addi %mul3A_13, %add3A : i32
    %run_scoped3A = arith.constant 0 : i32
    "tpu.region"() ({
      %run_scoped3A_158 = tpu.sem_alloc : memref<!tpu.dma_semaphore, #tpu.memory_space<semaphore_mem>>
      %dma_start3A_159 = arith.constant 0 : i32
      %dma_start3A_160 = arith.constant 0 : i32
      %dma_start3A_161 = tpu.memref_slice %arg8[%run_scoped3A, %dma_start3A_159, %dma_start3A_160] : memref<2x128x64xf32, #tpu.memory_space<vmem>> -> memref<1x128x64xf32, #tpu.memory_space<vmem>>
      %dma_start3A_162 = tpu.memref_squeeze %dma_start3A_161 : memref<1x128x64xf32, #tpu.memory_space<vmem>> -> memref<128x64xf32, #tpu.memory_space<vmem>>
      %dma_start3A_163 = arith.constant 0 : i32
      %dma_start3A_164 = tpu.memref_slice %arg10[%add3A_14, %dma_start3A_163] : memref<10240x64xf32, #tpu.memory_space<vmem_shared>> -> memref<128x64xf32, #tpu.memory_space<vmem_shared>>
      %dma_start3A_165 = arith.constant 0 : i32
      %dma_start3A_166 = tpu.memref_slice %arg10[%add3A_14, %dma_start3A_165] : memref<10240x64xf32, #tpu.memory_space<vmem_shared>> -> memref<128x64xf32, #tpu.memory_space<vmem_shared>>
      %dma_start3A_167 = arith.constant 0 : i32
      %dma_start3A_168 = arith.constant 0 : i32
      %dma_start3A_169 = tpu.memref_slice %arg8[%run_scoped3A, %dma_start3A_167, %dma_start3A_168] : memref<2x128x64xf32, #tpu.memory_space<vmem>> -> memref<1x128x64xf32, #tpu.memory_space<vmem>>
      %dma_start3A_170 = tpu.memref_squeeze %dma_start3A_169 : memref<1x128x64xf32, #tpu.memory_space<vmem>> -> memref<128x64xf32, #tpu.memory_space<vmem>>
      tpu.enqueue_dma source(%dma_start3A_170 : memref<128x64xf32, #tpu.memory_space<vmem>>) target(%dma_start3A_166 : memref<128x64xf32, #tpu.memory_space<vmem_shared>>) target_semaphore(%run_scoped3A_158 : memref<!tpu.dma_semaphore, #tpu.memory_space<semaphore_mem>>)
      %dma_wait3A_171 = arith.constant 0 : i32
      %dma_wait3A_172 = arith.constant 0 : i32
      %dma_wait3A_173 = tpu.memref_slice %arg8[%run_scoped3A, %dma_wait3A_171, %dma_wait3A_172] : memref<2x128x64xf32, #tpu.memory_space<vmem>> -> memref<1x128x64xf32, #tpu.memory_space<vmem>>
      %dma_wait3A_174 = tpu.memref_squeeze %dma_wait3A_173 : memref<1x128x64xf32, #tpu.memory_space<vmem>> -> memref<128x64xf32, #tpu.memory_space<vmem>>
      %dma_wait3A_175 = arith.constant 0 : i32
      %dma_wait3A_176 = tpu.memref_slice %arg10[%add3A_14, %dma_wait3A_175] : memref<10240x64xf32, #tpu.memory_space<vmem_shared>> -> memref<128x64xf32, #tpu.memory_space<vmem_shared>>
      %dma_wait3A_177 = arith.constant 0 : i32
      %dma_wait3A_178 = tpu.memref_slice %arg10[%add3A_14, %dma_wait3A_177] : memref<10240x64xf32, #tpu.memory_space<vmem_shared>> -> memref<128x64xf32, #tpu.memory_space<vmem_shared>>
      %dma_wait3A_179 = arith.constant 0 : i32
      %dma_wait3A_180 = arith.constant 0 : i32
      %dma_wait3A_181 = tpu.memref_slice %arg8[%run_scoped3A, %dma_wait3A_179, %dma_wait3A_180] : memref<2x128x64xf32, #tpu.memory_space<vmem>> -> memref<1x128x64xf32, #tpu.memory_space<vmem>>
      %dma_wait3A_182 = tpu.memref_squeeze %dma_wait3A_181 : memref<1x128x64xf32, #tpu.memory_space<vmem>> -> memref<128x64xf32, #tpu.memory_space<vmem>>
      tpu.wait_dma2 semaphore(%run_scoped3A_158 : memref<!tpu.dma_semaphore, #tpu.memory_space<semaphore_mem>>) src(%dma_wait3A_182 : memref<128x64xf32, #tpu.memory_space<vmem>>) dst(%dma_wait3A_178 : memref<128x64xf32, #tpu.memory_space<vmem_shared>>)
      tpu.yield
    }) : () -> ()
    %mul3A_15 = arith.constant 640 : i32
    %mul3A_16 = arith.muli %arg1, %mul3A_15 : i32
    %add3A_17 = arith.constant 128 : i32
    %add3A_18 = arith.addi %mul3A_16, %add3A_17 : i32
    %run_scoped3A_19 = arith.constant 0 : i32
    "tpu.region"() ({
      %run_scoped3A_158 = tpu.sem_alloc : memref<!tpu.dma_semaphore, #tpu.memory_space<semaphore_mem>>
      %dma_start3A_159 = arith.constant 0 : i32
      %dma_start3A_160 = arith.constant 0 : i32
      %dma_start3A_161 = tpu.memref_slice %arg8[%run_scoped3A_19, %dma_start3A_159, %dma_start3A_160] : memref<2x128x64xf32, #tpu.memory_space<vmem>> -> memref<1x128x64xf32, #tpu.memory_space<vmem>>
      %dma_start3A_162 = tpu.memref_squeeze %dma_start3A_161 : memref<1x128x64xf32, #tpu.memory_space<vmem>> -> memref<128x64xf32, #tpu.memory_space<vmem>>
      %dma_start3A_163 = arith.constant 0 : i32
      %dma_start3A_164 = tpu.memref_slice %arg10[%add3A_18, %dma_start3A_163] : memref<10240x64xf32, #tpu.memory_space<vmem_shared>> -> memref<128x64xf32, #tpu.memory_space<vmem_shared>>
      %dma_start3A_165 = arith.constant 0 : i32
      %dma_start3A_166 = tpu.memref_slice %arg10[%add3A_18, %dma_start3A_165] : memref<10240x64xf32, #tpu.memory_space<vmem_shared>> -> memref<128x64xf32, #tpu.memory_space<vmem_shared>>
      %dma_start3A_167 = arith.constant 0 : i32
      %dma_start3A_168 = arith.constant 0 : i32
      %dma_start3A_169 = tpu.memref_slice %arg8[%run_scoped3A_19, %dma_start3A_167, %dma_start3A_168] : memref<2x128x64xf32, #tpu.memory_space<vmem>> -> memref<1x128x64xf32, #tpu.memory_space<vmem>>
      %dma_start3A_170 = tpu.memref_squeeze %dma_start3A_169 : memref<1x128x64xf32, #tpu.memory_space<vmem>> -> memref<128x64xf32, #tpu.memory_space<vmem>>
      tpu.enqueue_dma source(%dma_start3A_170 : memref<128x64xf32, #tpu.memory_space<vmem>>) target(%dma_start3A_166 : memref<128x64xf32, #tpu.memory_space<vmem_shared>>) target_semaphore(%run_scoped3A_158 : memref<!tpu.dma_semaphore, #tpu.memory_space<semaphore_mem>>)
      %dma_wait3A_171 = arith.constant 0 : i32
      %dma_wait3A_172 = arith.constant 0 : i32
      %dma_wait3A_173 = tpu.memref_slice %arg8[%run_scoped3A_19, %dma_wait3A_171, %dma_wait3A_172] : memref<2x128x64xf32, #tpu.memory_space<vmem>> -> memref<1x128x64xf32, #tpu.memory_space<vmem>>
      %dma_wait3A_174 = tpu.memref_squeeze %dma_wait3A_173 : memref<1x128x64xf32, #tpu.memory_space<vmem>> -> memref<128x64xf32, #tpu.memory_space<vmem>>
      %dma_wait3A_175 = arith.constant 0 : i32
      %dma_wait3A_176 = tpu.memref_slice %arg10[%add3A_18, %dma_wait3A_175] : memref<10240x64xf32, #tpu.memory_space<vmem_shared>> -> memref<128x64xf32, #tpu.memory_space<vmem_shared>>
      %dma_wait3A_177 = arith.constant 0 : i32
      %dma_wait3A_178 = tpu.memref_slice %arg10[%add3A_18, %dma_wait3A_177] : memref<10240x64xf32, #tpu.memory_space<vmem_shared>> -> memref<128x64xf32, #tpu.memory_space<vmem_shared>>
      %dma_wait3A_179 = arith.constant 0 : i32
      %dma_wait3A_180 = arith.constant 0 : i32
      %dma_wait3A_181 = tpu.memref_slice %arg8[%run_scoped3A_19, %dma_wait3A_179, %dma_wait3A_180] : memref<2x128x64xf32, #tpu.memory_space<vmem>> -> memref<1x128x64xf32, #tpu.memory_space<vmem>>
      %dma_wait3A_182 = tpu.memref_squeeze %dma_wait3A_181 : memref<1x128x64xf32, #tpu.memory_space<vmem>> -> memref<128x64xf32, #tpu.memory_space<vmem>>
      tpu.wait_dma2 semaphore(%run_scoped3A_158 : memref<!tpu.dma_semaphore, #tpu.memory_space<semaphore_mem>>) src(%dma_wait3A_182 : memref<128x64xf32, #tpu.memory_space<vmem>>) dst(%dma_wait3A_178 : memref<128x64xf32, #tpu.memory_space<vmem_shared>>)
      tpu.yield
    }) : () -> ()
    %mul3A_20 = arith.constant 640 : i32
    %mul3A_21 = arith.muli %arg1, %mul3A_20 : i32
    %add3A_22 = arith.constant 256 : i32
    %add3A_23 = arith.addi %mul3A_21, %add3A_22 : i32
    %run_scoped3A_24 = arith.constant 0 : i32
    "tpu.region"() ({
      %run_scoped3A_158 = tpu.sem_alloc : memref<!tpu.dma_semaphore, #tpu.memory_space<semaphore_mem>>
      %dma_start3A_159 = arith.constant 0 : i32
      %dma_start3A_160 = arith.constant 0 : i32
      %dma_start3A_161 = tpu.memref_slice %arg8[%run_scoped3A_24, %dma_start3A_159, %dma_start3A_160] : memref<2x128x64xf32, #tpu.memory_space<vmem>> -> memref<1x128x64xf32, #tpu.memory_space<vmem>>
      %dma_start3A_162 = tpu.memref_squeeze %dma_start3A_161 : memref<1x128x64xf32, #tpu.memory_space<vmem>> -> memref<128x64xf32, #tpu.memory_space<vmem>>
      %dma_start3A_163 = arith.constant 0 : i32
      %dma_start3A_164 = tpu.memref_slice %arg10[%add3A_23, %dma_start3A_163] : memref<10240x64xf32, #tpu.memory_space<vmem_shared>> -> memref<128x64xf32, #tpu.memory_space<vmem_shared>>
      %dma_start3A_165 = arith.constant 0 : i32
      %dma_start3A_166 = tpu.memref_slice %arg10[%add3A_23, %dma_start3A_165] : memref<10240x64xf32, #tpu.memory_space<vmem_shared>> -> memref<128x64xf32, #tpu.memory_space<vmem_shared>>
      %dma_start3A_167 = arith.constant 0 : i32
      %dma_start3A_168 = arith.constant 0 : i32
      %dma_start3A_169 = tpu.memref_slice %arg8[%run_scoped3A_24, %dma_start3A_167, %dma_start3A_168] : memref<2x128x64xf32, #tpu.memory_space<vmem>> -> memref<1x128x64xf32, #tpu.memory_space<vmem>>
      %dma_start3A_170 = tpu.memref_squeeze %dma_start3A_169 : memref<1x128x64xf32, #tpu.memory_space<vmem>> -> memref<128x64xf32, #tpu.memory_space<vmem>>
      tpu.enqueue_dma source(%dma_start3A_170 : memref<128x64xf32, #tpu.memory_space<vmem>>) target(%dma_start3A_166 : memref<128x64xf32, #tpu.memory_space<vmem_shared>>) target_semaphore(%run_scoped3A_158 : memref<!tpu.dma_semaphore, #tpu.memory_space<semaphore_mem>>)
      %dma_wait3A_171 = arith.constant 0 : i32
      %dma_wait3A_172 = arith.constant 0 : i32
      %dma_wait3A_173 = tpu.memref_slice %arg8[%run_scoped3A_24, %dma_wait3A_171, %dma_wait3A_172] : memref<2x128x64xf32, #tpu.memory_space<vmem>> -> memref<1x128x64xf32, #tpu.memory_space<vmem>>
      %dma_wait3A_174 = tpu.memref_squeeze %dma_wait3A_173 : memref<1x128x64xf32, #tpu.memory_space<vmem>> -> memref<128x64xf32, #tpu.memory_space<vmem>>
      %dma_wait3A_175 = arith.constant 0 : i32
      %dma_wait3A_176 = tpu.memref_slice %arg10[%add3A_23, %dma_wait3A_175] : memref<10240x64xf32, #tpu.memory_space<vmem_shared>> -> memref<128x64xf32, #tpu.memory_space<vmem_shared>>
      %dma_wait3A_177 = arith.constant 0 : i32
      %dma_wait3A_178 = tpu.memref_slice %arg10[%add3A_23, %dma_wait3A_177] : memref<10240x64xf32, #tpu.memory_space<vmem_shared>> -> memref<128x64xf32, #tpu.memory_space<vmem_shared>>
      %dma_wait3A_179 = arith.constant 0 : i32
      %dma_wait3A_180 = arith.constant 0 : i32
      %dma_wait3A_181 = tpu.memref_slice %arg8[%run_scoped3A_24, %dma_wait3A_179, %dma_wait3A_180] : memref<2x128x64xf32, #tpu.memory_space<vmem>> -> memref<1x128x64xf32, #tpu.memory_space<vmem>>
      %dma_wait3A_182 = tpu.memref_squeeze %dma_wait3A_181 : memref<1x128x64xf32, #tpu.memory_space<vmem>> -> memref<128x64xf32, #tpu.memory_space<vmem>>
      tpu.wait_dma2 semaphore(%run_scoped3A_158 : memref<!tpu.dma_semaphore, #tpu.memory_space<semaphore_mem>>) src(%dma_wait3A_182 : memref<128x64xf32, #tpu.memory_space<vmem>>) dst(%dma_wait3A_178 : memref<128x64xf32, #tpu.memory_space<vmem_shared>>)
      tpu.yield
    }) : () -> ()
    %mul3A_25 = arith.constant 640 : i32
    %mul3A_26 = arith.muli %arg1, %mul3A_25 : i32
    %add3A_27 = arith.constant 384 : i32
    %add3A_28 = arith.addi %mul3A_26, %add3A_27 : i32
    %run_scoped3A_29 = arith.constant 0 : i32
    "tpu.region"() ({
      %run_scoped3A_158 = tpu.sem_alloc : memref<!tpu.dma_semaphore, #tpu.memory_space<semaphore_mem>>
      %dma_start3A_159 = arith.constant 0 : i32
      %dma_start3A_160 = arith.constant 0 : i32
      %dma_start3A_161 = tpu.memref_slice %arg8[%run_scoped3A_29, %dma_start3A_159, %dma_start3A_160] : memref<2x128x64xf32, #tpu.memory_space<vmem>> -> memref<1x128x64xf32, #tpu.memory_space<vmem>>
      %dma_start3A_162 = tpu.memref_squeeze %dma_start3A_161 : memref<1x128x64xf32, #tpu.memory_space<vmem>> -> memref<128x64xf32, #tpu.memory_space<vmem>>
      %dma_start3A_163 = arith.constant 0 : i32
      %dma_start3A_164 = tpu.memref_slice %arg10[%add3A_28, %dma_start3A_163] : memref<10240x64xf32, #tpu.memory_space<vmem_shared>> -> memref<128x64xf32, #tpu.memory_space<vmem_shared>>
      %dma_start3A_165 = arith.constant 0 : i32
      %dma_start3A_166 = tpu.memref_slice %arg10[%add3A_28, %dma_start3A_165] : memref<10240x64xf32, #tpu.memory_space<vmem_shared>> -> memref<128x64xf32, #tpu.memory_space<vmem_shared>>
      %dma_start3A_167 = arith.constant 0 : i32
      %dma_start3A_168 = arith.constant 0 : i32
      %dma_start3A_169 = tpu.memref_slice %arg8[%run_scoped3A_29, %dma_start3A_167, %dma_start3A_168] : memref<2x128x64xf32, #tpu.memory_space<vmem>> -> memref<1x128x64xf32, #tpu.memory_space<vmem>>
      %dma_start3A_170 = tpu.memref_squeeze %dma_start3A_169 : memref<1x128x64xf32, #tpu.memory_space<vmem>> -> memref<128x64xf32, #tpu.memory_space<vmem>>
      tpu.enqueue_dma source(%dma_start3A_170 : memref<128x64xf32, #tpu.memory_space<vmem>>) target(%dma_start3A_166 : memref<128x64xf32, #tpu.memory_space<vmem_shared>>) target_semaphore(%run_scoped3A_158 : memref<!tpu.dma_semaphore, #tpu.memory_space<semaphore_mem>>)
      %dma_wait3A_171 = arith.constant 0 : i32
      %dma_wait3A_172 = arith.constant 0 : i32
      %dma_wait3A_173 = tpu.memref_slice %arg8[%run_scoped3A_29, %dma_wait3A_171, %dma_wait3A_172] : memref<2x128x64xf32, #tpu.memory_space<vmem>> -> memref<1x128x64xf32, #tpu.memory_space<vmem>>
      %dma_wait3A_174 = tpu.memref_squeeze %dma_wait3A_173 : memref<1x128x64xf32, #tpu.memory_space<vmem>> -> memref<128x64xf32, #tpu.memory_space<vmem>>
      %dma_wait3A_175 = arith.constant 0 : i32
      %dma_wait3A_176 = tpu.memref_slice %arg10[%add3A_28, %dma_wait3A_175] : memref<10240x64xf32, #tpu.memory_space<vmem_shared>> -> memref<128x64xf32, #tpu.memory_space<vmem_shared>>
      %dma_wait3A_177 = arith.constant 0 : i32
      %dma_wait3A_178 = tpu.memref_slice %arg10[%add3A_28, %dma_wait3A_177] : memref<10240x64xf32, #tpu.memory_space<vmem_shared>> -> memref<128x64xf32, #tpu.memory_space<vmem_shared>>
      %dma_wait3A_179 = arith.constant 0 : i32
      %dma_wait3A_180 = arith.constant 0 : i32
      %dma_wait3A_181 = tpu.memref_slice %arg8[%run_scoped3A_29, %dma_wait3A_179, %dma_wait3A_180] : memref<2x128x64xf32, #tpu.memory_space<vmem>> -> memref<1x128x64xf32, #tpu.memory_space<vmem>>
      %dma_wait3A_182 = tpu.memref_squeeze %dma_wait3A_181 : memref<1x128x64xf32, #tpu.memory_space<vmem>> -> memref<128x64xf32, #tpu.memory_space<vmem>>
      tpu.wait_dma2 semaphore(%run_scoped3A_158 : memref<!tpu.dma_semaphore, #tpu.memory_space<semaphore_mem>>) src(%dma_wait3A_182 : memref<128x64xf32, #tpu.memory_space<vmem>>) dst(%dma_wait3A_178 : memref<128x64xf32, #tpu.memory_space<vmem_shared>>)
      tpu.yield
    }) : () -> ()
    %mul3A_30 = arith.constant 640 : i32
    %mul3A_31 = arith.muli %arg1, %mul3A_30 : i32
    %add3A_32 = arith.constant 512 : i32
    %add3A_33 = arith.addi %mul3A_31, %add3A_32 : i32
    %run_scoped3A_34 = arith.constant 0 : i32
    "tpu.region"() ({
      %run_scoped3A_158 = tpu.sem_alloc : memref<!tpu.dma_semaphore, #tpu.memory_space<semaphore_mem>>
      %dma_start3A_159 = arith.constant 0 : i32
      %dma_start3A_160 = arith.constant 0 : i32
      %dma_start3A_161 = tpu.memref_slice %arg8[%run_scoped3A_34, %dma_start3A_159, %dma_start3A_160] : memref<2x128x64xf32, #tpu.memory_space<vmem>> -> memref<1x128x64xf32, #tpu.memory_space<vmem>>
      %dma_start3A_162 = tpu.memref_squeeze %dma_start3A_161 : memref<1x128x64xf32, #tpu.memory_space<vmem>> -> memref<128x64xf32, #tpu.memory_space<vmem>>
      %dma_start3A_163 = arith.constant 0 : i32
      %dma_start3A_164 = tpu.memref_slice %arg10[%add3A_33, %dma_start3A_163] : memref<10240x64xf32, #tpu.memory_space<vmem_shared>> -> memref<128x64xf32, #tpu.memory_space<vmem_shared>>
      %dma_start3A_165 = arith.constant 0 : i32
      %dma_start3A_166 = tpu.memref_slice %arg10[%add3A_33, %dma_start3A_165] : memref<10240x64xf32, #tpu.memory_space<vmem_shared>> -> memref<128x64xf32, #tpu.memory_space<vmem_shared>>
      %dma_start3A_167 = arith.constant 0 : i32
      %dma_start3A_168 = arith.constant 0 : i32
      %dma_start3A_169 = tpu.memref_slice %arg8[%run_scoped3A_34, %dma_start3A_167, %dma_start3A_168] : memref<2x128x64xf32, #tpu.memory_space<vmem>> -> memref<1x128x64xf32, #tpu.memory_space<vmem>>
      %dma_start3A_170 = tpu.memref_squeeze %dma_start3A_169 : memref<1x128x64xf32, #tpu.memory_space<vmem>> -> memref<128x64xf32, #tpu.memory_space<vmem>>
      tpu.enqueue_dma source(%dma_start3A_170 : memref<128x64xf32, #tpu.memory_space<vmem>>) target(%dma_start3A_166 : memref<128x64xf32, #tpu.memory_space<vmem_shared>>) target_semaphore(%run_scoped3A_158 : memref<!tpu.dma_semaphore, #tpu.memory_space<semaphore_mem>>)
      %dma_wait3A_171 = arith.constant 0 : i32
      %dma_wait3A_172 = arith.constant 0 : i32
      %dma_wait3A_173 = tpu.memref_slice %arg8[%run_scoped3A_34, %dma_wait3A_171, %dma_wait3A_172] : memref<2x128x64xf32, #tpu.memory_space<vmem>> -> memref<1x128x64xf32, #tpu.memory_space<vmem>>
      %dma_wait3A_174 = tpu.memref_squeeze %dma_wait3A_173 : memref<1x128x64xf32, #tpu.memory_space<vmem>> -> memref<128x64xf32, #tpu.memory_space<vmem>>
      %dma_wait3A_175 = arith.constant 0 : i32
      %dma_wait3A_176 = tpu.memref_slice %arg10[%add3A_33, %dma_wait3A_175] : memref<10240x64xf32, #tpu.memory_space<vmem_shared>> -> memref<128x64xf32, #tpu.memory_space<vmem_shared>>
      %dma_wait3A_177 = arith.constant 0 : i32
      %dma_wait3A_178 = tpu.memref_slice %arg10[%add3A_33, %dma_wait3A_177] : memref<10240x64xf32, #tpu.memory_space<vmem_shared>> -> memref<128x64xf32, #tpu.memory_space<vmem_shared>>
      %dma_wait3A_179 = arith.constant 0 : i32
      %dma_wait3A_180 = arith.constant 0 : i32
      %dma_wait3A_181 = tpu.memref_slice %arg8[%run_scoped3A_34, %dma_wait3A_179, %dma_wait3A_180] : memref<2x128x64xf32, #tpu.memory_space<vmem>> -> memref<1x128x64xf32, #tpu.memory_space<vmem>>
      %dma_wait3A_182 = tpu.memref_squeeze %dma_wait3A_181 : memref<1x128x64xf32, #tpu.memory_space<vmem>> -> memref<128x64xf32, #tpu.memory_space<vmem>>
      tpu.wait_dma2 semaphore(%run_scoped3A_158 : memref<!tpu.dma_semaphore, #tpu.memory_space<semaphore_mem>>) src(%dma_wait3A_182 : memref<128x64xf32, #tpu.memory_space<vmem>>) dst(%dma_wait3A_178 : memref<128x64xf32, #tpu.memory_space<vmem_shared>>)
      tpu.yield
    }) : () -> ()
    %barrier3A = arith.constant 0 : index
    tpu.barrier barrier_id(%barrier3A)
    %add3A_35 = arith.constant 0 : i32
    %add3A_36 = arith.addi %mul3A_0, %add3A_35 : i32
    %dma_start3A = arith.constant 0 : i32
    %dma_start3A_37 = arith.constant 0 : i32
    %dma_start3A_38 = tpu.memref_slice %arg6[%dma_start3A, %dma_start3A_37] : memref<3x128xi32, #tpu.memory_space<vmem>> -> memref<1x128xi32, #tpu.memory_space<vmem>>
    %dma_start3A_39 = tpu.memref_squeeze %dma_start3A_38 : memref<1x128xi32, #tpu.memory_space<vmem>> -> memref<128xi32, #tpu.memory_space<vmem>>
    %dma_start3A_40 = arith.constant 0 : i32
    %dma_start3A_41 = tpu.memref_slice %arg3[%add3A_36, %dma_start3A_40] : memref<2528x128xi32, #tpu.memory_space<hbm>> -> memref<1x128xi32, #tpu.memory_space<hbm>>
    %dma_start3A_42 = tpu.memref_squeeze %dma_start3A_41 : memref<1x128xi32, #tpu.memory_space<hbm>> -> memref<128xi32, #tpu.memory_space<hbm>>
    %dma_start3A_43 = arith.constant 0 : i32
    %dma_start3A_44 = tpu.memref_slice %arg6[%dma_start3A, %dma_start3A_43] : memref<3x128xi32, #tpu.memory_space<vmem>> -> memref<1x128xi32, #tpu.memory_space<vmem>>
    %dma_start3A_45 = tpu.memref_squeeze %dma_start3A_44 : memref<1x128xi32, #tpu.memory_space<vmem>> -> memref<128xi32, #tpu.memory_space<vmem>>
    %dma_start3A_46 = arith.constant 0 : i32
    %dma_start3A_47 = tpu.memref_slice %arg3[%add3A_36, %dma_start3A_46] : memref<2528x128xi32, #tpu.memory_space<hbm>> -> memref<1x128xi32, #tpu.memory_space<hbm>>
    %dma_start3A_48 = tpu.memref_squeeze %dma_start3A_47 : memref<1x128xi32, #tpu.memory_space<hbm>> -> memref<128xi32, #tpu.memory_space<hbm>>
    tpu.enqueue_dma source(%dma_start3A_48 : memref<128xi32, #tpu.memory_space<hbm>>) target(%dma_start3A_45 : memref<128xi32, #tpu.memory_space<vmem>>) target_semaphore(%arg11 : memref<!tpu.dma_semaphore, #tpu.memory_space<semaphore_mem>>)
    %add3A_49 = arith.constant 0 : i32
    %add3A_50 = arith.addi %mul3A_0, %add3A_49 : i32
    %dma_start3A_51 = arith.constant 0 : i32
    %dma_start3A_52 = arith.constant 0 : i32
    %dma_start3A_53 = tpu.memref_slice %arg7[%dma_start3A_51, %dma_start3A_52] : memref<3x128xi32, #tpu.memory_space<vmem>> -> memref<1x128xi32, #tpu.memory_space<vmem>>
    %dma_start3A_54 = tpu.memref_squeeze %dma_start3A_53 : memref<1x128xi32, #tpu.memory_space<vmem>> -> memref<128xi32, #tpu.memory_space<vmem>>
    %dma_start3A_55 = arith.constant 0 : i32
    %dma_start3A_56 = tpu.memref_slice %arg4[%add3A_50, %dma_start3A_55] : memref<2528x128xi32, #tpu.memory_space<hbm>> -> memref<1x128xi32, #tpu.memory_space<hbm>>
    %dma_start3A_57 = tpu.memref_squeeze %dma_start3A_56 : memref<1x128xi32, #tpu.memory_space<hbm>> -> memref<128xi32, #tpu.memory_space<hbm>>
    %dma_start3A_58 = arith.constant 0 : i32
    %dma_start3A_59 = tpu.memref_slice %arg7[%dma_start3A_51, %dma_start3A_58] : memref<3x128xi32, #tpu.memory_space<vmem>> -> memref<1x128xi32, #tpu.memory_space<vmem>>
    %dma_start3A_60 = tpu.memref_squeeze %dma_start3A_59 : memref<1x128xi32, #tpu.memory_space<vmem>> -> memref<128xi32, #tpu.memory_space<vmem>>
    %dma_start3A_61 = arith.constant 0 : i32
    %dma_start3A_62 = tpu.memref_slice %arg4[%add3A_50, %dma_start3A_61] : memref<2528x128xi32, #tpu.memory_space<hbm>> -> memref<1x128xi32, #tpu.memory_space<hbm>>
    %dma_start3A_63 = tpu.memref_squeeze %dma_start3A_62 : memref<1x128xi32, #tpu.memory_space<hbm>> -> memref<128xi32, #tpu.memory_space<hbm>>
    tpu.enqueue_dma source(%dma_start3A_63 : memref<128xi32, #tpu.memory_space<hbm>>) target(%dma_start3A_60 : memref<128xi32, #tpu.memory_space<vmem>>) target_semaphore(%arg11 : memref<!tpu.dma_semaphore, #tpu.memory_space<semaphore_mem>>)
    %add3A_64 = arith.constant 0 : i32
    %add3A_65 = arith.addi %mul3A_0, %add3A_64 : i32
    %dma_wait3A = arith.constant 0 : i32
    %dma_wait3A_66 = arith.constant 0 : i32
    %dma_wait3A_67 = tpu.memref_slice %arg6[%dma_wait3A, %dma_wait3A_66] : memref<3x128xi32, #tpu.memory_space<vmem>> -> memref<1x128xi32, #tpu.memory_space<vmem>>
    %dma_wait3A_68 = tpu.memref_squeeze %dma_wait3A_67 : memref<1x128xi32, #tpu.memory_space<vmem>> -> memref<128xi32, #tpu.memory_space<vmem>>
    %dma_wait3A_69 = arith.constant 0 : i32
    %dma_wait3A_70 = tpu.memref_slice %arg3[%add3A_65, %dma_wait3A_69] : memref<2528x128xi32, #tpu.memory_space<hbm>> -> memref<1x128xi32, #tpu.memory_space<hbm>>
    %dma_wait3A_71 = tpu.memref_squeeze %dma_wait3A_70 : memref<1x128xi32, #tpu.memory_space<hbm>> -> memref<128xi32, #tpu.memory_space<hbm>>
    %dma_wait3A_72 = arith.constant 0 : i32
    %dma_wait3A_73 = tpu.memref_slice %arg6[%dma_wait3A, %dma_wait3A_72] : memref<3x128xi32, #tpu.memory_space<vmem>> -> memref<1x128xi32, #tpu.memory_space<vmem>>
    %dma_wait3A_74 = tpu.memref_squeeze %dma_wait3A_73 : memref<1x128xi32, #tpu.memory_space<vmem>> -> memref<128xi32, #tpu.memory_space<vmem>>
    %dma_wait3A_75 = arith.constant 0 : i32
    %dma_wait3A_76 = tpu.memref_slice %arg3[%add3A_65, %dma_wait3A_75] : memref<2528x128xi32, #tpu.memory_space<hbm>> -> memref<1x128xi32, #tpu.memory_space<hbm>>
    %dma_wait3A_77 = tpu.memref_squeeze %dma_wait3A_76 : memref<1x128xi32, #tpu.memory_space<hbm>> -> memref<128xi32, #tpu.memory_space<hbm>>
    tpu.wait_dma2 semaphore(%arg11 : memref<!tpu.dma_semaphore, #tpu.memory_space<semaphore_mem>>) src(%dma_wait3A_77 : memref<128xi32, #tpu.memory_space<hbm>>) dst(%dma_wait3A_74 : memref<128xi32, #tpu.memory_space<vmem>>)
    %add3A_78 = arith.constant 0 : i32
    %add3A_79 = arith.addi %mul3A_0, %add3A_78 : i32
    %dma_wait3A_80 = arith.constant 0 : i32
    %dma_wait3A_81 = arith.constant 0 : i32
    %dma_wait3A_82 = tpu.memref_slice %arg7[%dma_wait3A_80, %dma_wait3A_81] : memref<3x128xi32, #tpu.memory_space<vmem>> -> memref<1x128xi32, #tpu.memory_space<vmem>>
    %dma_wait3A_83 = tpu.memref_squeeze %dma_wait3A_82 : memref<1x128xi32, #tpu.memory_space<vmem>> -> memref<128xi32, #tpu.memory_space<vmem>>
    %dma_wait3A_84 = arith.constant 0 : i32
    %dma_wait3A_85 = tpu.memref_slice %arg4[%add3A_79, %dma_wait3A_84] : memref<2528x128xi32, #tpu.memory_space<hbm>> -> memref<1x128xi32, #tpu.memory_space<hbm>>
    %dma_wait3A_86 = tpu.memref_squeeze %dma_wait3A_85 : memref<1x128xi32, #tpu.memory_space<hbm>> -> memref<128xi32, #tpu.memory_space<hbm>>
    %dma_wait3A_87 = arith.constant 0 : i32
    %dma_wait3A_88 = tpu.memref_slice %arg7[%dma_wait3A_80, %dma_wait3A_87] : memref<3x128xi32, #tpu.memory_space<vmem>> -> memref<1x128xi32, #tpu.memory_space<vmem>>
    %dma_wait3A_89 = tpu.memref_squeeze %dma_wait3A_88 : memref<1x128xi32, #tpu.memory_space<vmem>> -> memref<128xi32, #tpu.memory_space<vmem>>
    %dma_wait3A_90 = arith.constant 0 : i32
    %dma_wait3A_91 = tpu.memref_slice %arg4[%add3A_79, %dma_wait3A_90] : memref<2528x128xi32, #tpu.memory_space<hbm>> -> memref<1x128xi32, #tpu.memory_space<hbm>>
    %dma_wait3A_92 = tpu.memref_squeeze %dma_wait3A_91 : memref<1x128xi32, #tpu.memory_space<hbm>> -> memref<128xi32, #tpu.memory_space<hbm>>
    tpu.wait_dma2 semaphore(%arg11 : memref<!tpu.dma_semaphore, #tpu.memory_space<semaphore_mem>>) src(%dma_wait3A_92 : memref<128xi32, #tpu.memory_space<hbm>>) dst(%dma_wait3A_89 : memref<128xi32, #tpu.memory_space<vmem>>)
    %dma_start3A_93 = arith.constant 0 : i32
    %dma_start3A_94 = arith.constant 0 : i32
    %dma_start3A_95 = arith.constant 0 : i32
    %dma_start3A_96 = arith.constant 0 : i32
    %dma_start3A_97 = tpu.memref_slice %arg8[%dma_start3A_94, %dma_start3A_95, %dma_start3A_96] : memref<2x128x64xf32, #tpu.memory_space<vmem>> -> memref<1x128x64xf32, #tpu.memory_space<vmem>>
    %dma_start3A_98 = tpu.memref_squeeze %dma_start3A_97 : memref<1x128x64xf32, #tpu.memory_space<vmem>> -> memref<128x64xf32, #tpu.memory_space<vmem>>
    %dma_start3A_99 = arith.constant 0 : i32
    %dma_start3A_100 = tpu.memref_slice %arg6[%dma_start3A_93, %dma_start3A_99] : memref<3x128xi32, #tpu.memory_space<vmem>> -> memref<1x128xi32, #tpu.memory_space<vmem>>
    %dma_start3A_101 = tpu.memref_squeeze %dma_start3A_100 : memref<1x128xi32, #tpu.memory_space<vmem>> -> memref<128xi32, #tpu.memory_space<vmem>>
    %dma_start3A_102 = arith.constant 0 : i32
    %dma_start3A_103 = arith.constant 0 : i32
    %dma_start3A_104 = tpu.memref_slice %arg9[%dma_start3A_102, %dma_start3A_103] : memref<10000x64xf32, #tpu.memory_space<vmem_shared>> -> memref<10000x64xf32, #tpu.memory_space<vmem_shared>>
    tpu.enqueue_indirect_dma source(%dma_start3A_104 : memref<10000x64xf32, #tpu.memory_space<vmem_shared>>) target(%dma_start3A_98 : memref<128x64xf32, #tpu.memory_space<vmem>>) offsets(%dma_start3A_101 : memref<128xi32, #tpu.memory_space<vmem>>) semaphore(%arg12 : memref<!tpu.dma_semaphore, #tpu.memory_space<semaphore_mem>>)
    %add3A_105 = arith.constant 1 : i32
    %add3A_106 = arith.addi %mul3A_0, %add3A_105 : i32
    %dma_start3A_107 = arith.constant 1 : i32
    %dma_start3A_108 = arith.constant 0 : i32
    %dma_start3A_109 = tpu.memref_slice %arg6[%dma_start3A_107, %dma_start3A_108] : memref<3x128xi32, #tpu.memory_space<vmem>> -> memref<1x128xi32, #tpu.memory_space<vmem>>
    %dma_start3A_110 = tpu.memref_squeeze %dma_start3A_109 : memref<1x128xi32, #tpu.memory_space<vmem>> -> memref<128xi32, #tpu.memory_space<vmem>>
    %dma_start3A_111 = arith.constant 0 : i32
    %dma_start3A_112 = tpu.memref_slice %arg3[%add3A_106, %dma_start3A_111] : memref<2528x128xi32, #tpu.memory_space<hbm>> -> memref<1x128xi32, #tpu.memory_space<hbm>>
    %dma_start3A_113 = tpu.memref_squeeze %dma_start3A_112 : memref<1x128xi32, #tpu.memory_space<hbm>> -> memref<128xi32, #tpu.memory_space<hbm>>
    %dma_start3A_114 = arith.constant 0 : i32
    %dma_start3A_115 = tpu.memref_slice %arg6[%dma_start3A_107, %dma_start3A_114] : memref<3x128xi32, #tpu.memory_space<vmem>> -> memref<1x128xi32, #tpu.memory_space<vmem>>
    %dma_start3A_116 = tpu.memref_squeeze %dma_start3A_115 : memref<1x128xi32, #tpu.memory_space<vmem>> -> memref<128xi32, #tpu.memory_space<vmem>>
    %dma_start3A_117 = arith.constant 0 : i32
    %dma_start3A_118 = tpu.memref_slice %arg3[%add3A_106, %dma_start3A_117] : memref<2528x128xi32, #tpu.memory_space<hbm>> -> memref<1x128xi32, #tpu.memory_space<hbm>>
    %dma_start3A_119 = tpu.memref_squeeze %dma_start3A_118 : memref<1x128xi32, #tpu.memory_space<hbm>> -> memref<128xi32, #tpu.memory_space<hbm>>
    tpu.enqueue_dma source(%dma_start3A_119 : memref<128xi32, #tpu.memory_space<hbm>>) target(%dma_start3A_116 : memref<128xi32, #tpu.memory_space<vmem>>) target_semaphore(%arg11 : memref<!tpu.dma_semaphore, #tpu.memory_space<semaphore_mem>>)
    %add3A_120 = arith.constant 1 : i32
    %add3A_121 = arith.addi %mul3A_0, %add3A_120 : i32
    %dma_start3A_122 = arith.constant 1 : i32
    %dma_start3A_123 = arith.constant 0 : i32
    %dma_start3A_124 = tpu.memref_slice %arg7[%dma_start3A_122, %dma_start3A_123] : memref<3x128xi32, #tpu.memory_space<vmem>> -> memref<1x128xi32, #tpu.memory_space<vmem>>
    %dma_start3A_125 = tpu.memref_squeeze %dma_start3A_124 : memref<1x128xi32, #tpu.memory_space<vmem>> -> memref<128xi32, #tpu.memory_space<vmem>>
    %dma_start3A_126 = arith.constant 0 : i32
    %dma_start3A_127 = tpu.memref_slice %arg4[%add3A_121, %dma_start3A_126] : memref<2528x128xi32, #tpu.memory_space<hbm>> -> memref<1x128xi32, #tpu.memory_space<hbm>>
    %dma_start3A_128 = tpu.memref_squeeze %dma_start3A_127 : memref<1x128xi32, #tpu.memory_space<hbm>> -> memref<128xi32, #tpu.memory_space<hbm>>
    %dma_start3A_129 = arith.constant 0 : i32
    %dma_start3A_130 = tpu.memref_slice %arg7[%dma_start3A_122, %dma_start3A_129] : memref<3x128xi32, #tpu.memory_space<vmem>> -> memref<1x128xi32, #tpu.memory_space<vmem>>
    %dma_start3A_131 = tpu.memref_squeeze %dma_start3A_130 : memref<1x128xi32, #tpu.memory_space<vmem>> -> memref<128xi32, #tpu.memory_space<vmem>>
    %dma_start3A_132 = arith.constant 0 : i32
    %dma_start3A_133 = tpu.memref_slice %arg4[%add3A_121, %dma_start3A_132] : memref<2528x128xi32, #tpu.memory_space<hbm>> -> memref<1x128xi32, #tpu.memory_space<hbm>>
    %dma_start3A_134 = tpu.memref_squeeze %dma_start3A_133 : memref<1x128xi32, #tpu.memory_space<hbm>> -> memref<128xi32, #tpu.memory_space<hbm>>
    tpu.enqueue_dma source(%dma_start3A_134 : memref<128xi32, #tpu.memory_space<hbm>>) target(%dma_start3A_131 : memref<128xi32, #tpu.memory_space<vmem>>) target_semaphore(%arg11 : memref<!tpu.dma_semaphore, #tpu.memory_space<semaphore_mem>>)
    %scan3A_135 = arith.constant 0 : i32
    %scan3A_136 = arith.constant 0 : i32
    %scan3A_137 = arith.constant 158 : i32
    %scan3A_138 = arith.addi %scan3A_136, %scan3A_137 : i32
    %scan3A_139 = arith.constant 1 : i32
    scf.for %scan3A_158 = %scan3A_136 to %scan3A_138 step %scan3A_139  : i32 {
      %jit3A = arith.constant 2 : i32
      %eq3A = arith.constant 0 : i32
      %eq3A_159 = arith.cmpi eq, %jit3A, %eq3A : i32
      %jit3A_160 = arith.constant 1 : i32
      %select_n3A = arith.select %eq3A_159, %jit3A_160, %jit3A : i32
      %rem3A = arith.remsi %scan3A_158, %select_n3A : i32
      %ne3A = arith.constant 0 : i32
      %ne3A_161 = arith.cmpi ne, %rem3A, %ne3A : i32
      %lt3A = arith.constant 0 : i32
      %lt3A_162 = arith.cmpi slt, %rem3A, %lt3A : i32
      %lt3A_163 = arith.constant 0 : i32
      %lt3A_164 = arith.cmpi slt, %select_n3A, %lt3A_163 : i32
      %ne3A_165 = arith.xori %lt3A_162, %lt3A_164 : i1
      %and3A = arith.andi %ne3A_165, %ne3A_161 : i1
      %add3A_166 = arith.addi %rem3A, %select_n3A : i32
      %select_n3A_167 = arith.select %and3A, %add3A_166, %rem3A : i32
      %jit3A_168 = arith.constant 3 : i32
      %eq3A_169 = arith.constant 0 : i32
      %eq3A_170 = arith.cmpi eq, %jit3A_168, %eq3A_169 : i32
      %jit3A_171 = arith.constant 1 : i32
      %select_n3A_172 = arith.select %eq3A_170, %jit3A_171, %jit3A_168 : i32
      %rem3A_173 = arith.remsi %scan3A_158, %select_n3A_172 : i32
      %ne3A_174 = arith.constant 0 : i32
      %ne3A_175 = arith.cmpi ne, %rem3A_173, %ne3A_174 : i32
      %lt3A_176 = arith.constant 0 : i32
      %lt3A_177 = arith.cmpi slt, %rem3A_173, %lt3A_176 : i32
      %lt3A_178 = arith.constant 0 : i32
      %lt3A_179 = arith.cmpi slt, %select_n3A_172, %lt3A_178 : i32
      %ne3A_180 = arith.xori %lt3A_177, %lt3A_179 : i1
      %and3A_181 = arith.andi %ne3A_180, %ne3A_175 : i1
      %add3A_182 = arith.addi %rem3A_173, %select_n3A_172 : i32
      %select_n3A_183 = arith.select %and3A_181, %add3A_182, %rem3A_173 : i32
      %dma_wait3A_184 = arith.constant 0 : i32
      %dma_wait3A_185 = arith.constant 0 : i32
      %dma_wait3A_186 = tpu.memref_slice %arg8[%select_n3A_167, %dma_wait3A_184, %dma_wait3A_185] : memref<2x128x64xf32, #tpu.memory_space<vmem>> -> memref<1x128x64xf32, #tpu.memory_space<vmem>>
      %dma_wait3A_187 = tpu.memref_squeeze %dma_wait3A_186 : memref<1x128x64xf32, #tpu.memory_space<vmem>> -> memref<128x64xf32, #tpu.memory_space<vmem>>
      %dma_wait3A_188 = arith.constant 0 : i32
      %dma_wait3A_189 = tpu.memref_slice %arg6[%select_n3A_183, %dma_wait3A_188] : memref<3x128xi32, #tpu.memory_space<vmem>> -> memref<1x128xi32, #tpu.memory_space<vmem>>
      %dma_wait3A_190 = tpu.memref_squeeze %dma_wait3A_189 : memref<1x128xi32, #tpu.memory_space<vmem>> -> memref<128xi32, #tpu.memory_space<vmem>>
      %dma_wait3A_191 = arith.constant 0 : i32
      %dma_wait3A_192 = arith.constant 0 : i32
      %dma_wait3A_193 = tpu.memref_slice %arg9[%dma_wait3A_191, %dma_wait3A_192] : memref<10000x64xf32, #tpu.memory_space<vmem_shared>> -> memref<10000x64xf32, #tpu.memory_space<vmem_shared>>
      tpu.wait_indirect_dma semaphore(%arg12 : memref<!tpu.dma_semaphore, #tpu.memory_space<semaphore_mem>>) src(%dma_wait3A_193 : memref<10000x64xf32, #tpu.memory_space<vmem_shared>>) dst(%dma_wait3A_187 : memref<128x64xf32, #tpu.memory_space<vmem>>)
      %gt3A = arith.constant 0 : i32
      %gt3A_194 = arith.cmpi sgt, %scan3A_158, %gt3A : i32
      %convert_element_type3A = arith.extui %gt3A_194 : i1 to i32
      %cond3A = arith.constant 0 : i32
      %cond3A_195 = arith.cmpi ne, %convert_element_type3A, %cond3A : i32
      scf.if %cond3A_195 {
        %sub3A = arith.constant 1 : i32
        %sub3A_220 = arith.subi %sub3A, %select_n3A_167 : i32
        %add3A_221 = arith.constant 2 : i32
        %add3A_222 = arith.addi %scan3A_158, %add3A_221 : i32
        %jit3A_223 = arith.constant 3 : i32
        %eq3A_224 = arith.constant 0 : i32
        %eq3A_225 = arith.cmpi eq, %jit3A_223, %eq3A_224 : i32
        %jit3A_226 = arith.constant 1 : i32
        %select_n3A_227 = arith.select %eq3A_225, %jit3A_226, %jit3A_223 : i32
        %rem3A_228 = arith.remsi %add3A_222, %select_n3A_227 : i32
        %ne3A_229 = arith.constant 0 : i32
        %ne3A_230 = arith.cmpi ne, %rem3A_228, %ne3A_229 : i32
        %lt3A_231 = arith.constant 0 : i32
        %lt3A_232 = arith.cmpi slt, %rem3A_228, %lt3A_231 : i32
        %lt3A_233 = arith.constant 0 : i32
        %lt3A_234 = arith.cmpi slt, %select_n3A_227, %lt3A_233 : i32
        %ne3A_235 = arith.xori %lt3A_232, %lt3A_234 : i1
        %and3A_236 = arith.andi %ne3A_235, %ne3A_230 : i1
        %add3A_237 = arith.addi %rem3A_228, %select_n3A_227 : i32
        %select_n3A_238 = arith.select %and3A_236, %add3A_237, %rem3A_228 : i32
        %dma_wait3A_239 = arith.constant 0 : i32
        %dma_wait3A_240 = arith.constant 0 : i32
        %dma_wait3A_241 = tpu.memref_slice %arg8[%sub3A_220, %dma_wait3A_239, %dma_wait3A_240] : memref<2x128x64xf32, #tpu.memory_space<vmem>> -> memref<1x128x64xf32, #tpu.memory_space<vmem>>
        %dma_wait3A_242 = tpu.memref_squeeze %dma_wait3A_241 : memref<1x128x64xf32, #tpu.memory_space<vmem>> -> memref<128x64xf32, #tpu.memory_space<vmem>>
        %dma_wait3A_243 = arith.constant 0 : i32
        %dma_wait3A_244 = tpu.memref_slice %arg7[%select_n3A_238, %dma_wait3A_243] : memref<3x128xi32, #tpu.memory_space<vmem>> -> memref<1x128xi32, #tpu.memory_space<vmem>>
        %dma_wait3A_245 = tpu.memref_squeeze %dma_wait3A_244 : memref<1x128xi32, #tpu.memory_space<vmem>> -> memref<128xi32, #tpu.memory_space<vmem>>
        %dma_wait3A_246 = arith.constant 0 : i32
        %dma_wait3A_247 = arith.constant 0 : i32
        %dma_wait3A_248 = tpu.memref_slice %arg10[%dma_wait3A_246, %dma_wait3A_247] : memref<10240x64xf32, #tpu.memory_space<vmem_shared>> -> memref<10240x64xf32, #tpu.memory_space<vmem_shared>>
        tpu.wait_indirect_dma semaphore(%arg13 : memref<!tpu.dma_semaphore, #tpu.memory_space<semaphore_mem>>) src(%dma_wait3A_242 : memref<128x64xf32, #tpu.memory_space<vmem>>) dst(%dma_wait3A_248 : memref<10240x64xf32, #tpu.memory_space<vmem_shared>>)
      } else {
      }
      %dma_start3A_196 = arith.constant 0 : i32
      %dma_start3A_197 = arith.constant 0 : i32
      %dma_start3A_198 = tpu.memref_slice %arg8[%select_n3A_167, %dma_start3A_196, %dma_start3A_197] : memref<2x128x64xf32, #tpu.memory_space<vmem>> -> memref<1x128x64xf32, #tpu.memory_space<vmem>>
      %dma_start3A_199 = tpu.memref_squeeze %dma_start3A_198 : memref<1x128x64xf32, #tpu.memory_space<vmem>> -> memref<128x64xf32, #tpu.memory_space<vmem>>
      %dma_start3A_200 = arith.constant 0 : i32
      %dma_start3A_201 = tpu.memref_slice %arg7[%select_n3A_183, %dma_start3A_200] : memref<3x128xi32, #tpu.memory_space<vmem>> -> memref<1x128xi32, #tpu.memory_space<vmem>>
      %dma_start3A_202 = tpu.memref_squeeze %dma_start3A_201 : memref<1x128xi32, #tpu.memory_space<vmem>> -> memref<128xi32, #tpu.memory_space<vmem>>
      %dma_start3A_203 = arith.constant 0 : i32
      %dma_start3A_204 = arith.constant 0 : i32
      %dma_start3A_205 = tpu.memref_slice %arg10[%dma_start3A_203, %dma_start3A_204] : memref<10240x64xf32, #tpu.memory_space<vmem_shared>> -> memref<10240x64xf32, #tpu.memory_space<vmem_shared>>
      tpu.enqueue_indirect_dma source(%dma_start3A_199 : memref<128x64xf32, #tpu.memory_space<vmem>>) target(%dma_start3A_205 : memref<10240x64xf32, #tpu.memory_space<vmem_shared>>) offsets(%dma_start3A_202 : memref<128xi32, #tpu.memory_space<vmem>>) semaphore(%arg13 : memref<!tpu.dma_semaphore, #tpu.memory_space<semaphore_mem>>) {add = true}
      %add3A_206 = arith.constant 1 : i32
      %add3A_207 = arith.addi %scan3A_158, %add3A_206 : i32
      %lt3A_208 = arith.constant 158 : i32
      %lt3A_209 = arith.cmpi slt, %add3A_207, %lt3A_208 : i32
      %convert_element_type3A_210 = arith.extui %lt3A_209 : i1 to i32
      %cond3A_211 = arith.constant 0 : i32
      %cond3A_212 = arith.cmpi ne, %convert_element_type3A_210, %cond3A_211 : i32
      scf.if %cond3A_212 {
        %add3A_220 = arith.constant 1 : i32
        %add3A_221 = arith.addi %scan3A_158, %add3A_220 : i32
        %add3A_222 = arith.constant 1 : i32
        %add3A_223 = arith.addi %scan3A_158, %add3A_222 : i32
        %jit3A_224 = arith.constant 3 : i32
        %eq3A_225 = arith.constant 0 : i32
        %eq3A_226 = arith.cmpi eq, %jit3A_224, %eq3A_225 : i32
        %jit3A_227 = arith.constant 1 : i32
        %select_n3A_228 = arith.select %eq3A_226, %jit3A_227, %jit3A_224 : i32
        %rem3A_229 = arith.remsi %add3A_223, %select_n3A_228 : i32
        %ne3A_230 = arith.constant 0 : i32
        %ne3A_231 = arith.cmpi ne, %rem3A_229, %ne3A_230 : i32
        %lt3A_232 = arith.constant 0 : i32
        %lt3A_233 = arith.cmpi slt, %rem3A_229, %lt3A_232 : i32
        %lt3A_234 = arith.constant 0 : i32
        %lt3A_235 = arith.cmpi slt, %select_n3A_228, %lt3A_234 : i32
        %ne3A_236 = arith.xori %lt3A_233, %lt3A_235 : i1
        %and3A_237 = arith.andi %ne3A_236, %ne3A_231 : i1
        %add3A_238 = arith.addi %rem3A_229, %select_n3A_228 : i32
        %select_n3A_239 = arith.select %and3A_237, %add3A_238, %rem3A_229 : i32
        %add3A_240 = arith.addi %mul3A_0, %add3A_221 : i32
        %dma_wait3A_241 = arith.constant 0 : i32
        %dma_wait3A_242 = tpu.memref_slice %arg6[%select_n3A_239, %dma_wait3A_241] : memref<3x128xi32, #tpu.memory_space<vmem>> -> memref<1x128xi32, #tpu.memory_space<vmem>>
        %dma_wait3A_243 = tpu.memref_squeeze %dma_wait3A_242 : memref<1x128xi32, #tpu.memory_space<vmem>> -> memref<128xi32, #tpu.memory_space<vmem>>
        %dma_wait3A_244 = arith.constant 0 : i32
        %dma_wait3A_245 = tpu.memref_slice %arg3[%add3A_240, %dma_wait3A_244] : memref<2528x128xi32, #tpu.memory_space<hbm>> -> memref<1x128xi32, #tpu.memory_space<hbm>>
        %dma_wait3A_246 = tpu.memref_squeeze %dma_wait3A_245 : memref<1x128xi32, #tpu.memory_space<hbm>> -> memref<128xi32, #tpu.memory_space<hbm>>
        %dma_wait3A_247 = arith.constant 0 : i32
        %dma_wait3A_248 = tpu.memref_slice %arg6[%select_n3A_239, %dma_wait3A_247] : memref<3x128xi32, #tpu.memory_space<vmem>> -> memref<1x128xi32, #tpu.memory_space<vmem>>
        %dma_wait3A_249 = tpu.memref_squeeze %dma_wait3A_248 : memref<1x128xi32, #tpu.memory_space<vmem>> -> memref<128xi32, #tpu.memory_space<vmem>>
        %dma_wait3A_250 = arith.constant 0 : i32
        %dma_wait3A_251 = tpu.memref_slice %arg3[%add3A_240, %dma_wait3A_250] : memref<2528x128xi32, #tpu.memory_space<hbm>> -> memref<1x128xi32, #tpu.memory_space<hbm>>
        %dma_wait3A_252 = tpu.memref_squeeze %dma_wait3A_251 : memref<1x128xi32, #tpu.memory_space<hbm>> -> memref<128xi32, #tpu.memory_space<hbm>>
        tpu.wait_dma2 semaphore(%arg11 : memref<!tpu.dma_semaphore, #tpu.memory_space<semaphore_mem>>) src(%dma_wait3A_252 : memref<128xi32, #tpu.memory_space<hbm>>) dst(%dma_wait3A_249 : memref<128xi32, #tpu.memory_space<vmem>>)
        %add3A_253 = arith.addi %mul3A_0, %add3A_221 : i32
        %dma_wait3A_254 = arith.constant 0 : i32
        %dma_wait3A_255 = tpu.memref_slice %arg7[%select_n3A_239, %dma_wait3A_254] : memref<3x128xi32, #tpu.memory_space<vmem>> -> memref<1x128xi32, #tpu.memory_space<vmem>>
        %dma_wait3A_256 = tpu.memref_squeeze %dma_wait3A_255 : memref<1x128xi32, #tpu.memory_space<vmem>> -> memref<128xi32, #tpu.memory_space<vmem>>
        %dma_wait3A_257 = arith.constant 0 : i32
        %dma_wait3A_258 = tpu.memref_slice %arg4[%add3A_253, %dma_wait3A_257] : memref<2528x128xi32, #tpu.memory_space<hbm>> -> memref<1x128xi32, #tpu.memory_space<hbm>>
        %dma_wait3A_259 = tpu.memref_squeeze %dma_wait3A_258 : memref<1x128xi32, #tpu.memory_space<hbm>> -> memref<128xi32, #tpu.memory_space<hbm>>
        %dma_wait3A_260 = arith.constant 0 : i32
        %dma_wait3A_261 = tpu.memref_slice %arg7[%select_n3A_239, %dma_wait3A_260] : memref<3x128xi32, #tpu.memory_space<vmem>> -> memref<1x128xi32, #tpu.memory_space<vmem>>
        %dma_wait3A_262 = tpu.memref_squeeze %dma_wait3A_261 : memref<1x128xi32, #tpu.memory_space<vmem>> -> memref<128xi32, #tpu.memory_space<vmem>>
        %dma_wait3A_263 = arith.constant 0 : i32
        %dma_wait3A_264 = tpu.memref_slice %arg4[%add3A_253, %dma_wait3A_263] : memref<2528x128xi32, #tpu.memory_space<hbm>> -> memref<1x128xi32, #tpu.memory_space<hbm>>
        %dma_wait3A_265 = tpu.memref_squeeze %dma_wait3A_264 : memref<1x128xi32, #tpu.memory_space<hbm>> -> memref<128xi32, #tpu.memory_space<hbm>>
        tpu.wait_dma2 semaphore(%arg11 : memref<!tpu.dma_semaphore, #tpu.memory_space<semaphore_mem>>) src(%dma_wait3A_265 : memref<128xi32, #tpu.memory_space<hbm>>) dst(%dma_wait3A_262 : memref<128xi32, #tpu.memory_space<vmem>>)
        %add3A_266 = arith.constant 1 : i32
        %add3A_267 = arith.addi %scan3A_158, %add3A_266 : i32
        %jit3A_268 = arith.constant 3 : i32
        %eq3A_269 = arith.constant 0 : i32
        %eq3A_270 = arith.cmpi eq, %jit3A_268, %eq3A_269 : i32
        %jit3A_271 = arith.constant 1 : i32
        %select_n3A_272 = arith.select %eq3A_270, %jit3A_271, %jit3A_268 : i32
        %rem3A_273 = arith.remsi %add3A_267, %select_n3A_272 : i32
        %ne3A_274 = arith.constant 0 : i32
        %ne3A_275 = arith.cmpi ne, %rem3A_273, %ne3A_274 : i32
        %lt3A_276 = arith.constant 0 : i32
        %lt3A_277 = arith.cmpi slt, %rem3A_273, %lt3A_276 : i32
        %lt3A_278 = arith.constant 0 : i32
        %lt3A_279 = arith.cmpi slt, %select_n3A_272, %lt3A_278 : i32
        %ne3A_280 = arith.xori %lt3A_277, %lt3A_279 : i1
        %and3A_281 = arith.andi %ne3A_280, %ne3A_275 : i1
        %add3A_282 = arith.addi %rem3A_273, %select_n3A_272 : i32
        %select_n3A_283 = arith.select %and3A_281, %add3A_282, %rem3A_273 : i32
        %sub3A = arith.constant 1 : i32
        %sub3A_284 = arith.subi %sub3A, %select_n3A_167 : i32
        %dma_start3A_285 = arith.constant 0 : i32
        %dma_start3A_286 = arith.constant 0 : i32
        %dma_start3A_287 = tpu.memref_slice %arg8[%sub3A_284, %dma_start3A_285, %dma_start3A_286] : memref<2x128x64xf32, #tpu.memory_space<vmem>> -> memref<1x128x64xf32, #tpu.memory_space<vmem>>
        %dma_start3A_288 = tpu.memref_squeeze %dma_start3A_287 : memref<1x128x64xf32, #tpu.memory_space<vmem>> -> memref<128x64xf32, #tpu.memory_space<vmem>>
        %dma_start3A_289 = arith.constant 0 : i32
        %dma_start3A_290 = tpu.memref_slice %arg6[%select_n3A_283, %dma_start3A_289] : memref<3x128xi32, #tpu.memory_space<vmem>> -> memref<1x128xi32, #tpu.memory_space<vmem>>
        %dma_start3A_291 = tpu.memref_squeeze %dma_start3A_290 : memref<1x128xi32, #tpu.memory_space<vmem>> -> memref<128xi32, #tpu.memory_space<vmem>>
        %dma_start3A_292 = arith.constant 0 : i32
        %dma_start3A_293 = arith.constant 0 : i32
        %dma_start3A_294 = tpu.memref_slice %arg9[%dma_start3A_292, %dma_start3A_293] : memref<10000x64xf32, #tpu.memory_space<vmem_shared>> -> memref<10000x64xf32, #tpu.memory_space<vmem_shared>>
        tpu.enqueue_indirect_dma source(%dma_start3A_294 : memref<10000x64xf32, #tpu.memory_space<vmem_shared>>) target(%dma_start3A_288 : memref<128x64xf32, #tpu.memory_space<vmem>>) offsets(%dma_start3A_291 : memref<128xi32, #tpu.memory_space<vmem>>) semaphore(%arg12 : memref<!tpu.dma_semaphore, #tpu.memory_space<semaphore_mem>>)
      } else {
      }
      %add3A_213 = arith.constant 2 : i32
      %add3A_214 = arith.addi %scan3A_158, %add3A_213 : i32
      %lt3A_215 = arith.constant 158 : i32
      %lt3A_216 = arith.cmpi slt, %add3A_214, %lt3A_215 : i32
      %convert_element_type3A_217 = arith.extui %lt3A_216 : i1 to i32
      %cond3A_218 = arith.constant 0 : i32
      %cond3A_219 = arith.cmpi ne, %convert_element_type3A_217, %cond3A_218 : i32
      scf.if %cond3A_219 {
        %add3A_220 = arith.constant 2 : i32
        %add3A_221 = arith.addi %scan3A_158, %add3A_220 : i32
        %add3A_222 = arith.constant 2 : i32
        %add3A_223 = arith.addi %scan3A_158, %add3A_222 : i32
        %jit3A_224 = arith.constant 3 : i32
        %eq3A_225 = arith.constant 0 : i32
        %eq3A_226 = arith.cmpi eq, %jit3A_224, %eq3A_225 : i32
        %jit3A_227 = arith.constant 1 : i32
        %select_n3A_228 = arith.select %eq3A_226, %jit3A_227, %jit3A_224 : i32
        %rem3A_229 = arith.remsi %add3A_223, %select_n3A_228 : i32
        %ne3A_230 = arith.constant 0 : i32
        %ne3A_231 = arith.cmpi ne, %rem3A_229, %ne3A_230 : i32
        %lt3A_232 = arith.constant 0 : i32
        %lt3A_233 = arith.cmpi slt, %rem3A_229, %lt3A_232 : i32
        %lt3A_234 = arith.constant 0 : i32
        %lt3A_235 = arith.cmpi slt, %select_n3A_228, %lt3A_234 : i32
        %ne3A_236 = arith.xori %lt3A_233, %lt3A_235 : i1
        %and3A_237 = arith.andi %ne3A_236, %ne3A_231 : i1
        %add3A_238 = arith.addi %rem3A_229, %select_n3A_228 : i32
        %select_n3A_239 = arith.select %and3A_237, %add3A_238, %rem3A_229 : i32
        %add3A_240 = arith.addi %mul3A_0, %add3A_221 : i32
        %dma_start3A_241 = arith.constant 0 : i32
        %dma_start3A_242 = tpu.memref_slice %arg6[%select_n3A_239, %dma_start3A_241] : memref<3x128xi32, #tpu.memory_space<vmem>> -> memref<1x128xi32, #tpu.memory_space<vmem>>
        %dma_start3A_243 = tpu.memref_squeeze %dma_start3A_242 : memref<1x128xi32, #tpu.memory_space<vmem>> -> memref<128xi32, #tpu.memory_space<vmem>>
        %dma_start3A_244 = arith.constant 0 : i32
        %dma_start3A_245 = tpu.memref_slice %arg3[%add3A_240, %dma_start3A_244] : memref<2528x128xi32, #tpu.memory_space<hbm>> -> memref<1x128xi32, #tpu.memory_space<hbm>>
        %dma_start3A_246 = tpu.memref_squeeze %dma_start3A_245 : memref<1x128xi32, #tpu.memory_space<hbm>> -> memref<128xi32, #tpu.memory_space<hbm>>
        %dma_start3A_247 = arith.constant 0 : i32
        %dma_start3A_248 = tpu.memref_slice %arg6[%select_n3A_239, %dma_start3A_247] : memref<3x128xi32, #tpu.memory_space<vmem>> -> memref<1x128xi32, #tpu.memory_space<vmem>>
        %dma_start3A_249 = tpu.memref_squeeze %dma_start3A_248 : memref<1x128xi32, #tpu.memory_space<vmem>> -> memref<128xi32, #tpu.memory_space<vmem>>
        %dma_start3A_250 = arith.constant 0 : i32
        %dma_start3A_251 = tpu.memref_slice %arg3[%add3A_240, %dma_start3A_250] : memref<2528x128xi32, #tpu.memory_space<hbm>> -> memref<1x128xi32, #tpu.memory_space<hbm>>
        %dma_start3A_252 = tpu.memref_squeeze %dma_start3A_251 : memref<1x128xi32, #tpu.memory_space<hbm>> -> memref<128xi32, #tpu.memory_space<hbm>>
        tpu.enqueue_dma source(%dma_start3A_252 : memref<128xi32, #tpu.memory_space<hbm>>) target(%dma_start3A_249 : memref<128xi32, #tpu.memory_space<vmem>>) target_semaphore(%arg11 : memref<!tpu.dma_semaphore, #tpu.memory_space<semaphore_mem>>)
        %add3A_253 = arith.addi %mul3A_0, %add3A_221 : i32
        %dma_start3A_254 = arith.constant 0 : i32
        %dma_start3A_255 = tpu.memref_slice %arg7[%select_n3A_239, %dma_start3A_254] : memref<3x128xi32, #tpu.memory_space<vmem>> -> memref<1x128xi32, #tpu.memory_space<vmem>>
        %dma_start3A_256 = tpu.memref_squeeze %dma_start3A_255 : memref<1x128xi32, #tpu.memory_space<vmem>> -> memref<128xi32, #tpu.memory_space<vmem>>
        %dma_start3A_257 = arith.constant 0 : i32
        %dma_start3A_258 = tpu.memref_slice %arg4[%add3A_253, %dma_start3A_257] : memref<2528x128xi32, #tpu.memory_space<hbm>> -> memref<1x128xi32, #tpu.memory_space<hbm>>
        %dma_start3A_259 = tpu.memref_squeeze %dma_start3A_258 : memref<1x128xi32, #tpu.memory_space<hbm>> -> memref<128xi32, #tpu.memory_space<hbm>>
        %dma_start3A_260 = arith.constant 0 : i32
        %dma_start3A_261 = tpu.memref_slice %arg7[%select_n3A_239, %dma_start3A_260] : memref<3x128xi32, #tpu.memory_space<vmem>> -> memref<1x128xi32, #tpu.memory_space<vmem>>
        %dma_start3A_262 = tpu.memref_squeeze %dma_start3A_261 : memref<1x128xi32, #tpu.memory_space<vmem>> -> memref<128xi32, #tpu.memory_space<vmem>>
        %dma_start3A_263 = arith.constant 0 : i32
        %dma_start3A_264 = tpu.memref_slice %arg4[%add3A_253, %dma_start3A_263] : memref<2528x128xi32, #tpu.memory_space<hbm>> -> memref<1x128xi32, #tpu.memory_space<hbm>>
        %dma_start3A_265 = tpu.memref_squeeze %dma_start3A_264 : memref<1x128xi32, #tpu.memory_space<hbm>> -> memref<128xi32, #tpu.memory_space<hbm>>
        tpu.enqueue_dma source(%dma_start3A_265 : memref<128xi32, #tpu.memory_space<hbm>>) target(%dma_start3A_262 : memref<128xi32, #tpu.memory_space<vmem>>) target_semaphore(%arg11 : memref<!tpu.dma_semaphore, #tpu.memory_space<semaphore_mem>>)
      } else {
      }
    }
    %scan3A_140 = arith.constant 158 : i32
    %dma_wait3A_141 = arith.constant 1 : i32
    %dma_wait3A_142 = arith.constant 1 : i32
    %dma_wait3A_143 = arith.constant 0 : i32
    %dma_wait3A_144 = arith.constant 0 : i32
    %dma_wait3A_145 = tpu.memref_slice %arg8[%dma_wait3A_141, %dma_wait3A_143, %dma_wait3A_144] : memref<2x128x64xf32, #tpu.memory_space<vmem>> -> memref<1x128x64xf32, #tpu.memory_space<vmem>>
    %dma_wait3A_146 = tpu.memref_squeeze %dma_wait3A_145 : memref<1x128x64xf32, #tpu.memory_space<vmem>> -> memref<128x64xf32, #tpu.memory_space<vmem>>
    %dma_wait3A_147 = arith.constant 0 : i32
    %dma_wait3A_148 = tpu.memref_slice %arg7[%dma_wait3A_142, %dma_wait3A_147] : memref<3x128xi32, #tpu.memory_space<vmem>> -> memref<1x128xi32, #tpu.memory_space<vmem>>
    %dma_wait3A_149 = tpu.memref_squeeze %dma_wait3A_148 : memref<1x128xi32, #tpu.memory_space<vmem>> -> memref<128xi32, #tpu.memory_space<vmem>>
    %dma_wait3A_150 = arith.constant 0 : i32
    %dma_wait3A_151 = arith.constant 0 : i32
    %dma_wait3A_152 = tpu.memref_slice %arg10[%dma_wait3A_150, %dma_wait3A_151] : memref<10240x64xf32, #tpu.memory_space<vmem_shared>> -> memref<10240x64xf32, #tpu.memory_space<vmem_shared>>
    tpu.wait_indirect_dma semaphore(%arg13 : memref<!tpu.dma_semaphore, #tpu.memory_space<semaphore_mem>>) src(%dma_wait3A_146 : memref<128x64xf32, #tpu.memory_space<vmem>>) dst(%dma_wait3A_152 : memref<10240x64xf32, #tpu.memory_space<vmem_shared>>)
    %barrier3A_153 = arith.constant 0 : index
    tpu.barrier barrier_id(%barrier3A_153)
    %mul3A_154 = arith.constant 640 : i32
    %mul3A_155 = arith.muli %arg1, %mul3A_154 : i32
    %mul3A_156 = arith.constant 640 : i32
    %mul3A_157 = arith.muli %arg1, %mul3A_156 : i32
    "tpu.region"() ({
      %run_scoped3A_158 = tpu.sem_alloc : memref<!tpu.dma_semaphore, #tpu.memory_space<semaphore_mem>>
      %dma_start3A_159 = arith.constant 0 : i32
      %dma_start3A_160 = tpu.memref_slice %arg5[%arg0, %mul3A_157, %dma_start3A_159] : memref<2x10240x64xf32, #tpu.memory_space<hbm>> -> memref<1x640x64xf32, #tpu.memory_space<hbm>>
      %dma_start3A_161 = tpu.memref_squeeze %dma_start3A_160 : memref<1x640x64xf32, #tpu.memory_space<hbm>> -> memref<640x64xf32, #tpu.memory_space<hbm>>
      %dma_start3A_162 = arith.constant 0 : i32
      %dma_start3A_163 = tpu.memref_slice %arg10[%mul3A_155, %dma_start3A_162] : memref<10240x64xf32, #tpu.memory_space<vmem_shared>> -> memref<640x64xf32, #tpu.memory_space<vmem_shared>>
      tpu.enqueue_dma source(%dma_start3A_163 : memref<640x64xf32, #tpu.memory_space<vmem_shared>>) target(%dma_start3A_161 : memref<640x64xf32, #tpu.memory_space<hbm>>) target_semaphore(%run_scoped3A_158 : memref<!tpu.dma_semaphore, #tpu.memory_space<semaphore_mem>>)
      %dma_wait3A_164 = arith.constant 0 : i32
      %dma_wait3A_165 = tpu.memref_slice %arg5[%arg0, %mul3A_157, %dma_wait3A_164] : memref<2x10240x64xf32, #tpu.memory_space<hbm>> -> memref<1x640x64xf32, #tpu.memory_space<hbm>>
      %dma_wait3A_166 = tpu.memref_squeeze %dma_wait3A_165 : memref<1x640x64xf32, #tpu.memory_space<hbm>> -> memref<640x64xf32, #tpu.memory_space<hbm>>
      %dma_wait3A_167 = arith.constant 0 : i32
      %dma_wait3A_168 = tpu.memref_slice %arg10[%mul3A_155, %dma_wait3A_167] : memref<10240x64xf32, #tpu.memory_space<vmem_shared>> -> memref<640x64xf32, #tpu.memory_space<vmem_shared>>
      tpu.wait_dma2 semaphore(%run_scoped3A_158 : memref<!tpu.dma_semaphore, #tpu.memory_space<semaphore_mem>>) src(%dma_wait3A_168 : memref<640x64xf32, #tpu.memory_space<vmem_shared>>) dst(%dma_wait3A_166 : memref<640x64xf32, #tpu.memory_space<hbm>>)
      tpu.yield
    }) : () -> ()
    return
  }
}

module attributes {stable_mosaic.version = 14 : i64} {
  func.func @_mm_body(%arg0: i32, %arg1: memref<2000x128xf32, #tpu.memory_space<vmem>>, %arg2: memref<128x128xf32, #tpu.memory_space<vmem>>, %arg3: memref<2000x128xf32, #tpu.memory_space<vmem>>) attributes {dimension_semantics = [#tpu.dimension_semantics<arbitrary>], iteration_bounds = array<i64: 5>, scalar_prefetch = 0 : i64, scratch_operands = 0 : i64, tpu.core_type = #tpu.core_type<tc>, window_params = [{transform_indices = @transform_0, window_bounds = array<i64: 2000, 128>}, {pipeline_mode = #tpu.pipeline_mode<synchronous>, transform_indices = @transform_1, window_bounds = array<i64: 128, 128>}, {transform_indices = @transform_2, window_bounds = array<i64: 2000, 128>}]} {
    %get3A = arith.constant 0 : index
    %get3A_0 = arith.constant 0 : index
    %get3A_1 = vector.load %arg1[%get3A, %get3A_0] : memref<2000x128xf32, #tpu.memory_space<vmem>>, vector<2000x128xf32>
    %get3A_2 = arith.constant 0 : index
    %get3A_3 = arith.constant 0 : index
    %get3A_4 = vector.load %arg2[%get3A_2, %get3A_3] : memref<128x128xf32, #tpu.memory_space<vmem>>, vector<128x128xf32>
    %dot_general3A = arith.constant dense<0.000000e+00> : vector<2000x128xf32>
    %dot_general3A_5 = tpu.matmul %get3A_1, %get3A_4, %dot_general3A {dimension_numbers = #tpu.dot_dimension_numbers<[1], [0], [0], [1], [0, 0, 1, 1], [], []>, transpose_lhs_hint = false} : vector<2000x128xf32>, vector<128x128xf32>, vector<2000x128xf32> -> vector<2000x128xf32>
    %swap3A = arith.constant 0 : index
    %swap3A_6 = arith.constant 0 : index
    %swap3A_7 = vector.load %arg3[%swap3A, %swap3A_6] : memref<2000x128xf32, #tpu.memory_space<vmem>>, vector<2000x128xf32>
    tpu.vector_store %arg3[%swap3A, %swap3A_6], %dot_general3A_5 {strides = array<i32>} : memref<2000x128xf32, #tpu.memory_space<vmem>>, vector<2000x128xf32>,
    return
  }
  func.func @transform_0(%arg0: i32) -> (i32, i32) {
    %c0_i32 = arith.constant 0 : i32
    %c0_i32_0 = arith.constant 0 : i32
    return %arg0, %c0_i32 : i32, i32
  }
  func.func @transform_1(%arg0: i32) -> (i32, i32) {
    %c0_i32 = arith.constant 0 : i32
    %c0_i32_0 = arith.constant 0 : i32
    %c0_i32_1 = arith.constant 0 : i32
    return %c0_i32, %c0_i32_0 : i32, i32
  }
  func.func @transform_2(%arg0: i32) -> (i32, i32) {
    %c0_i32 = arith.constant 0 : i32
    %c0_i32_0 = arith.constant 0 : i32
    return %arg0, %c0_i32 : i32, i32
  }
}

module attributes {stable_mosaic.version = 14 : i64} {
  func.func @_scale_body(%arg0: i32, %arg1: memref<2000x128xf32, #tpu.memory_space<vmem>>, %arg2: memref<1x2000x16xf32, #tpu.memory_space<vmem>>, %arg3: memref<1x2000x16xf32, #tpu.memory_space<vmem>>, %arg4: memref<2x2000x64xf32, #tpu.memory_space<vmem>>) attributes {dimension_semantics = [#tpu.dimension_semantics<arbitrary>], iteration_bounds = array<i64: 5>, scalar_prefetch = 0 : i64, scratch_operands = 0 : i64, tpu.core_type = #tpu.core_type<tc>, window_params = [{transform_indices = @transform_0, window_bounds = array<i64: 2000, 128>}, {transform_indices = @transform_1, window_bounds = array<i64: 1, 2000, 16>}, {transform_indices = @transform_2, window_bounds = array<i64: 1, 2000, 16>}, {transform_indices = @transform_3, window_bounds = array<i64: 2, 2000, 64>}]} {
    %get3A = arith.constant 0 : index
    %get3A_0 = arith.constant 0 : index
    %get3A_1 = arith.constant 0 : index
    %get3A_2 = vector.load %arg2[%get3A, %get3A_0, %get3A_1] : memref<1x2000x16xf32, #tpu.memory_space<vmem>>, vector<1x2000x1xf32>
    %get3A_3 = vector.shape_cast %get3A_2 : vector<1x2000x1xf32> to vector<2000x1xf32>
    %add3A = arith.constant 1.000000e+00 : f32
    %add3A_4 = vector.broadcast %add3A : f32 to vector<2000x1xf32>
    %add3A_5 = arith.addf %add3A_4, %get3A_3 : vector<2000x1xf32>
    %get3A_6 = arith.constant 0 : index
    %get3A_7 = arith.constant 0 : index
    %get3A_8 = arith.constant 0 : index
    %get3A_9 = vector.load %arg3[%get3A_6, %get3A_7, %get3A_8] : memref<1x2000x16xf32, #tpu.memory_space<vmem>>, vector<1x2000x1xf32>
    %get3A_10 = vector.shape_cast %get3A_9 : vector<1x2000x1xf32> to vector<2000x1xf32>
    %add3A_11 = arith.addf %add3A_5, %get3A_10 : vector<2000x1xf32>
    %rsqrt3A = math.rsqrt %add3A_11 : vector<2000x1xf32>
    %get3A_12 = arith.constant 0 : index
    %get3A_13 = arith.constant 0 : index
    %get3A_14 = vector.load %arg1[%get3A_12, %get3A_13] : memref<2000x128xf32, #tpu.memory_space<vmem>>, vector<2000x128xf32>
    %mul3A = vector.broadcast %rsqrt3A : vector<2000x1xf32> to vector<2000x128xf32>
    %mul3A_15 = arith.mulf %get3A_14, %mul3A : vector<2000x128xf32>
    %slice3A = vector.extract_strided_slice %mul3A_15 {offsets = [0, 0], sizes = [2000, 64], strides = [1, 1]} : vector<2000x128xf32> to vector<2000x64xf32>
    %swap3A = arith.constant 0 : index
    %swap3A_16 = arith.constant 0 : index
    %swap3A_17 = arith.constant 0 : index
    %swap3A_18 = vector.load %arg4[%swap3A, %swap3A_16, %swap3A_17] : memref<2x2000x64xf32, #tpu.memory_space<vmem>>, vector<1x2000x64xf32>
    %swap3A_19 = vector.shape_cast %swap3A_18 : vector<1x2000x64xf32> to vector<2000x64xf32>
    %swap3A_20 = vector.shape_cast %slice3A : vector<2000x64xf32> to vector<1x2000x64xf32>
    tpu.vector_store %arg4[%swap3A, %swap3A_16, %swap3A_17], %swap3A_20 {strides = array<i32>} : memref<2x2000x64xf32, #tpu.memory_space<vmem>>, vector<1x2000x64xf32>,
    %slice3A_21 = vector.extract_strided_slice %mul3A_15 {offsets = [0, 64], sizes = [2000, 64], strides = [1, 1]} : vector<2000x128xf32> to vector<2000x64xf32>
    %swap3A_22 = arith.constant 1 : index
    %swap3A_23 = arith.constant 0 : index
    %swap3A_24 = arith.constant 0 : index
    %swap3A_25 = vector.load %arg4[%swap3A_22, %swap3A_23, %swap3A_24] : memref<2x2000x64xf32, #tpu.memory_space<vmem>>, vector<1x2000x64xf32>
    %swap3A_26 = vector.shape_cast %swap3A_25 : vector<1x2000x64xf32> to vector<2000x64xf32>
    %swap3A_27 = vector.shape_cast %slice3A_21 : vector<2000x64xf32> to vector<1x2000x64xf32>
    tpu.vector_store %arg4[%swap3A_22, %swap3A_23, %swap3A_24], %swap3A_27 {strides = array<i32>} : memref<2x2000x64xf32, #tpu.memory_space<vmem>>, vector<1x2000x64xf32>,
    return
  }
  func.func @transform_0(%arg0: i32) -> (i32, i32) {
    %c0_i32 = arith.constant 0 : i32
    %c0_i32_0 = arith.constant 0 : i32
    return %arg0, %c0_i32 : i32, i32
  }
  func.func @transform_1(%arg0: i32) -> (i32, i32, i32) {
    %c0_i32 = arith.constant 0 : i32
    %c0_i32_0 = arith.constant 0 : i32
    %c0_i32_1 = arith.constant 0 : i32
    return %c0_i32, %arg0, %c0_i32_0 : i32, i32, i32
  }
  func.func @transform_2(%arg0: i32) -> (i32, i32, i32) {
    %c1_i32 = arith.constant 1 : i32
    %c0_i32 = arith.constant 0 : i32
    %c0_i32_0 = arith.constant 0 : i32
    return %c1_i32, %arg0, %c0_i32 : i32, i32, i32
  }
  func.func @transform_3(%arg0: i32) -> (i32, i32, i32) {
    %c0_i32 = arith.constant 0 : i32
    %c0_i32_0 = arith.constant 0 : i32
    %c0_i32_1 = arith.constant 0 : i32
    return %c0_i32, %arg0, %c0_i32_0 : i32, i32, i32
  }
}

module attributes {stable_mosaic.version = 14 : i64} {
  func.func @_l2_body(%arg0: i32, %arg1: memref<1x2000x64xf32, #tpu.memory_space<vmem>>, %arg2: memref<1x2000x64xf32, #tpu.memory_space<vmem>>, %arg3: memref<1x2000x64xf32, #tpu.memory_space<vmem>>, %arg4: memref<1x2000x64xf32, #tpu.memory_space<vmem>>, %arg5: memref<1x2000x16xf32, #tpu.memory_space<vmem>>, %arg6: memref<1x2000x16xf32, #tpu.memory_space<vmem>>, %arg7: memref<1x1x64xf32, #tpu.memory_space<vmem>>, %arg8: memref<1x1x64xf32, #tpu.memory_space<vmem>>, %arg9: memref<64x16xf32, #tpu.memory_space<vmem>>, %arg10: memref<64x16xf32, #tpu.memory_space<vmem>>, %arg11: memref<2000x16xf32, #tpu.memory_space<vmem>>) attributes {dimension_semantics = [#tpu.dimension_semantics<arbitrary>], iteration_bounds = array<i64: 5>, scalar_prefetch = 0 : i64, scratch_operands = 0 : i64, tpu.core_type = #tpu.core_type<tc>, window_params = [{transform_indices = @transform_0, window_bounds = array<i64: 1, 2000, 64>}, {transform_indices = @transform_1, window_bounds = array<i64: 1, 2000, 64>}, {transform_indices = @transform_2, window_bounds = array<i64: 1, 2000, 64>}, {transform_indices = @transform_3, window_bounds = array<i64: 1, 2000, 64>}, {transform_indices = @transform_4, window_bounds = array<i64: 1, 2000, 16>}, {transform_indices = @transform_5, window_bounds = array<i64: 1, 2000, 16>}, {transform_indices = @transform_6, window_bounds = array<i64: 1, 1, 64>}, {transform_indices = @transform_7, window_bounds = array<i64: 1, 1, 64>}, {transform_indices = @transform_8, window_bounds = array<i64: 64, 16>}, {transform_indices = @transform_9, window_bounds = array<i64: 64, 16>}, {transform_indices = @transform_10, window_bounds = array<i64: 2000, 16>}]} {
    %get3A = arith.constant 0 : index
    %get3A_0 = arith.constant 0 : index
    %get3A_1 = arith.constant 0 : index
    %get3A_2 = vector.load %arg5[%get3A, %get3A_0, %get3A_1] : memref<1x2000x16xf32, #tpu.memory_space<vmem>>, vector<1x2000x1xf32>
    %get3A_3 = vector.shape_cast %get3A_2 : vector<1x2000x1xf32> to vector<2000x1xf32>
    %add3A = arith.constant 1.000000e+00 : f32
    %add3A_4 = vector.broadcast %add3A : f32 to vector<2000x1xf32>
    %add3A_5 = arith.addf %add3A_4, %get3A_3 : vector<2000x1xf32>
    %get3A_6 = arith.constant 0 : index
    %get3A_7 = arith.constant 0 : index
    %get3A_8 = arith.constant 0 : index
    %get3A_9 = vector.load %arg6[%get3A_6, %get3A_7, %get3A_8] : memref<1x2000x16xf32, #tpu.memory_space<vmem>>, vector<1x2000x1xf32>
    %get3A_10 = vector.shape_cast %get3A_9 : vector<1x2000x1xf32> to vector<2000x1xf32>
    %add3A_11 = arith.addf %add3A_5, %get3A_10 : vector<2000x1xf32>
    %rsqrt3A = math.rsqrt %add3A_11 : vector<2000x1xf32>
    %get3A_12 = arith.constant 0 : index
    %get3A_13 = arith.constant 0 : index
    %get3A_14 = arith.constant 0 : index
    %get3A_15 = vector.load %arg1[%get3A_12, %get3A_13, %get3A_14] : memref<1x2000x64xf32, #tpu.memory_space<vmem>>, vector<1x2000x64xf32>
    %get3A_16 = vector.shape_cast %get3A_15 : vector<1x2000x64xf32> to vector<2000x64xf32>
    %get3A_17 = arith.constant 0 : index
    %get3A_18 = arith.constant 0 : index
    %get3A_19 = arith.constant 0 : index
    %get3A_20 = vector.load %arg3[%get3A_17, %get3A_18, %get3A_19] : memref<1x2000x64xf32, #tpu.memory_space<vmem>>, vector<1x2000x64xf32>
    %get3A_21 = vector.shape_cast %get3A_20 : vector<1x2000x64xf32> to vector<2000x64xf32>
    %add3A_22 = arith.addf %get3A_16, %get3A_21 : vector<2000x64xf32>
    %mul3A = vector.broadcast %rsqrt3A : vector<2000x1xf32> to vector<2000x64xf32>
    %mul3A_23 = arith.mulf %mul3A, %add3A_22 : vector<2000x64xf32>
    %get3A_24 = arith.constant 0 : index
    %get3A_25 = arith.constant 0 : index
    %get3A_26 = arith.constant 0 : index
    %get3A_27 = vector.load %arg7[%get3A_24, %get3A_25, %get3A_26] : memref<1x1x64xf32, #tpu.memory_space<vmem>>, vector<1x1x64xf32>
    %get3A_28 = vector.shape_cast %get3A_27 : vector<1x1x64xf32> to vector<1x64xf32>
    %add3A_29 = vector.broadcast %get3A_28 : vector<1x64xf32> to vector<2000x64xf32>
    %add3A_30 = arith.addf %mul3A_23, %add3A_29 : vector<2000x64xf32>
    %get3A_31 = arith.constant 0 : index
    %get3A_32 = arith.constant 0 : index
    %get3A_33 = arith.constant 0 : index
    %get3A_34 = vector.load %arg2[%get3A_31, %get3A_32, %get3A_33] : memref<1x2000x64xf32, #tpu.memory_space<vmem>>, vector<1x2000x64xf32>
    %get3A_35 = vector.shape_cast %get3A_34 : vector<1x2000x64xf32> to vector<2000x64xf32>
    %get3A_36 = arith.constant 0 : index
    %get3A_37 = arith.constant 0 : index
    %get3A_38 = arith.constant 0 : index
    %get3A_39 = vector.load %arg4[%get3A_36, %get3A_37, %get3A_38] : memref<1x2000x64xf32, #tpu.memory_space<vmem>>, vector<1x2000x64xf32>
    %get3A_40 = vector.shape_cast %get3A_39 : vector<1x2000x64xf32> to vector<2000x64xf32>
    %add3A_41 = arith.addf %get3A_35, %get3A_40 : vector<2000x64xf32>
    %mul3A_42 = vector.broadcast %rsqrt3A : vector<2000x1xf32> to vector<2000x64xf32>
    %mul3A_43 = arith.mulf %mul3A_42, %add3A_41 : vector<2000x64xf32>
    %get3A_44 = arith.constant 0 : index
    %get3A_45 = arith.constant 0 : index
    %get3A_46 = arith.constant 0 : index
    %get3A_47 = vector.load %arg8[%get3A_44, %get3A_45, %get3A_46] : memref<1x1x64xf32, #tpu.memory_space<vmem>>, vector<1x1x64xf32>
    %get3A_48 = vector.shape_cast %get3A_47 : vector<1x1x64xf32> to vector<1x64xf32>
    %add3A_49 = vector.broadcast %get3A_48 : vector<1x64xf32> to vector<2000x64xf32>
    %add3A_50 = arith.addf %mul3A_43, %add3A_49 : vector<2000x64xf32>
    %max3A = arith.constant 0.000000e+00 : f32
    %max3A_51 = vector.broadcast %max3A : f32 to vector<2000x64xf32>
    %max3A_52 = arith.maximumf %add3A_30, %max3A_51 : vector<2000x64xf32>
    %max3A_53 = arith.constant 0.000000e+00 : f32
    %max3A_54 = vector.broadcast %max3A_53 : f32 to vector<2000x64xf32>
    %max3A_55 = arith.maximumf %add3A_50, %max3A_54 : vector<2000x64xf32>
    %get3A_56 = arith.constant 0 : index
    %get3A_57 = arith.constant 0 : index
    %get3A_58 = vector.load %arg9[%get3A_56, %get3A_57] : memref<64x16xf32, #tpu.memory_space<vmem>>, vector<64x16xf32>
    %dot_general3A = arith.constant dense<0.000000e+00> : vector<2000x16xf32>
    %dot_general3A_59 = tpu.matmul %max3A_52, %get3A_58, %dot_general3A {dimension_numbers = #tpu.dot_dimension_numbers<[1], [0], [0], [1], [0, 0, 1, 1], [], []>, transpose_lhs_hint = false} : vector<2000x64xf32>, vector<64x16xf32>, vector<2000x16xf32> -> vector<2000x16xf32>
    %get3A_60 = arith.constant 0 : index
    %get3A_61 = arith.constant 0 : index
    %get3A_62 = vector.load %arg10[%get3A_60, %get3A_61] : memref<64x16xf32, #tpu.memory_space<vmem>>, vector<64x16xf32>
    %dot_general3A_63 = arith.constant dense<0.000000e+00> : vector<2000x16xf32>
    %dot_general3A_64 = tpu.matmul %max3A_55, %get3A_62, %dot_general3A_63 {dimension_numbers = #tpu.dot_dimension_numbers<[1], [0], [0], [1], [0, 0, 1, 1], [], []>, transpose_lhs_hint = false} : vector<2000x64xf32>, vector<64x16xf32>, vector<2000x16xf32> -> vector<2000x16xf32>
    %add3A_65 = arith.addf %dot_general3A_59, %dot_general3A_64 : vector<2000x16xf32>
    %mul3A_66 = vector.broadcast %rsqrt3A : vector<2000x1xf32> to vector<2000x16xf32>
    %mul3A_67 = arith.mulf %mul3A_66, %add3A_65 : vector<2000x16xf32>
    %swap3A = arith.constant 0 : index
    %swap3A_68 = arith.constant 0 : index
    %swap3A_69 = vector.load %arg11[%swap3A, %swap3A_68] : memref<2000x16xf32, #tpu.memory_space<vmem>>, vector<2000x16xf32>
    tpu.vector_store %arg11[%swap3A, %swap3A_68], %mul3A_67 {strides = array<i32>} : memref<2000x16xf32, #tpu.memory_space<vmem>>, vector<2000x16xf32>,
    return
  }
  func.func @transform_0(%arg0: i32) -> (i32, i32, i32) {
    %c0_i32 = arith.constant 0 : i32
    %c0_i32_0 = arith.constant 0 : i32
    %c0_i32_1 = arith.constant 0 : i32
    return %c0_i32, %arg0, %c0_i32_0 : i32, i32, i32
  }
  func.func @transform_1(%arg0: i32) -> (i32, i32, i32) {
    %c1_i32 = arith.constant 1 : i32
    %c0_i32 = arith.constant 0 : i32
    %c0_i32_0 = arith.constant 0 : i32
    return %c1_i32, %arg0, %c0_i32 : i32, i32, i32
  }
  func.func @transform_2(%arg0: i32) -> (i32, i32, i32) {
    %c0_i32 = arith.constant 0 : i32
    %c0_i32_0 = arith.constant 0 : i32
    %c0_i32_1 = arith.constant 0 : i32
    return %c0_i32, %arg0, %c0_i32_0 : i32, i32, i32
  }
  func.func @transform_3(%arg0: i32) -> (i32, i32, i32) {
    %c1_i32 = arith.constant 1 : i32
    %c0_i32 = arith.constant 0 : i32
    %c0_i32_0 = arith.constant 0 : i32
    return %c1_i32, %arg0, %c0_i32 : i32, i32, i32
  }
  func.func @transform_4(%arg0: i32) -> (i32, i32, i32) {
    %c0_i32 = arith.constant 0 : i32
    %c0_i32_0 = arith.constant 0 : i32
    %c0_i32_1 = arith.constant 0 : i32
    return %c0_i32, %arg0, %c0_i32_0 : i32, i32, i32
  }
  func.func @transform_5(%arg0: i32) -> (i32, i32, i32) {
    %c1_i32 = arith.constant 1 : i32
    %c0_i32 = arith.constant 0 : i32
    %c0_i32_0 = arith.constant 0 : i32
    return %c1_i32, %arg0, %c0_i32 : i32, i32, i32
  }
  func.func @transform_6(%arg0: i32) -> (i32, i32, i32) {
    %c0_i32 = arith.constant 0 : i32
    %c0_i32_0 = arith.constant 0 : i32
    %c0_i32_1 = arith.constant 0 : i32
    %c0_i32_2 = arith.constant 0 : i32
    return %c0_i32, %c0_i32_0, %c0_i32_1 : i32, i32, i32
  }
  func.func @transform_7(%arg0: i32) -> (i32, i32, i32) {
    %c1_i32 = arith.constant 1 : i32
    %c0_i32 = arith.constant 0 : i32
    %c0_i32_0 = arith.constant 0 : i32
    %c0_i32_1 = arith.constant 0 : i32
    return %c1_i32, %c0_i32, %c0_i32_0 : i32, i32, i32
  }
  func.func @transform_8(%arg0: i32) -> (i32, i32) {
    %c0_i32 = arith.constant 0 : i32
    %c0_i32_0 = arith.constant 0 : i32
    %c0_i32_1 = arith.constant 0 : i32
    return %c0_i32, %c0_i32_0 : i32, i32
  }
  func.func @transform_9(%arg0: i32) -> (i32, i32) {
    %c1_i32 = arith.constant 1 : i32
    %c0_i32 = arith.constant 0 : i32
    %c0_i32_0 = arith.constant 0 : i32
    return %c1_i32, %c0_i32 : i32, i32
  }
  func.func @transform_10(%arg0: i32) -> (i32, i32) {
    %c0_i32 = arith.constant 0 : i32
    %c0_i32_0 = arith.constant 0 : i32
    return %arg0, %c0_i32 : i32, i32
  }
}

module attributes {stable_mosaic.version = 14 : i64} {
  func.func @_fin_body(%arg0: i32, %arg1: memref<1x2000x16xf32, #tpu.memory_space<vmem>>, %arg2: memref<1x2000x16xf32, #tpu.memory_space<vmem>>, %arg3: memref<2000x16xf32, #tpu.memory_space<vmem>>, %arg4: memref<1x2000x16xf32, #tpu.memory_space<vmem>>, %arg5: memref<1x2000x16xf32, #tpu.memory_space<vmem>>, %arg6: memref<1x16xf32, #tpu.memory_space<vmem>>, %arg7: memref<2000x16xf32, #tpu.memory_space<vmem>>) attributes {dimension_semantics = [#tpu.dimension_semantics<arbitrary>], iteration_bounds = array<i64: 5>, scalar_prefetch = 0 : i64, scratch_operands = 0 : i64, tpu.core_type = #tpu.core_type<tc>, window_params = [{transform_indices = @transform_0, window_bounds = array<i64: 1, 2000, 16>}, {transform_indices = @transform_1, window_bounds = array<i64: 1, 2000, 16>}, {transform_indices = @transform_2, window_bounds = array<i64: 2000, 16>}, {transform_indices = @transform_3, window_bounds = array<i64: 1, 2000, 16>}, {transform_indices = @transform_4, window_bounds = array<i64: 1, 2000, 16>}, {pipeline_mode = #tpu.pipeline_mode<synchronous>, transform_indices = @transform_5, window_bounds = array<i64: 1, 16>}, {transform_indices = @transform_6, window_bounds = array<i64: 2000, 16>}]} {
    %get3A = arith.constant 0 : index
    %get3A_0 = arith.constant 0 : index
    %get3A_1 = arith.constant 0 : index
    %get3A_2 = vector.load %arg4[%get3A, %get3A_0, %get3A_1] : memref<1x2000x16xf32, #tpu.memory_space<vmem>>, vector<1x2000x1xf32>
    %get3A_3 = vector.shape_cast %get3A_2 : vector<1x2000x1xf32> to vector<2000x1xf32>
    %add3A = arith.constant 1.000000e+00 : f32
    %add3A_4 = vector.broadcast %add3A : f32 to vector<2000x1xf32>
    %add3A_5 = arith.addf %add3A_4, %get3A_3 : vector<2000x1xf32>
    %get3A_6 = arith.constant 0 : index
    %get3A_7 = arith.constant 0 : index
    %get3A_8 = arith.constant 0 : index
    %get3A_9 = vector.load %arg5[%get3A_6, %get3A_7, %get3A_8] : memref<1x2000x16xf32, #tpu.memory_space<vmem>>, vector<1x2000x1xf32>
    %get3A_10 = vector.shape_cast %get3A_9 : vector<1x2000x1xf32> to vector<2000x1xf32>
    %add3A_11 = arith.addf %add3A_5, %get3A_10 : vector<2000x1xf32>
    %rsqrt3A = math.rsqrt %add3A_11 : vector<2000x1xf32>
    %get3A_12 = arith.constant 0 : index
    %get3A_13 = arith.constant 0 : index
    %get3A_14 = arith.constant 0 : index
    %get3A_15 = vector.load %arg1[%get3A_12, %get3A_13, %get3A_14] : memref<1x2000x16xf32, #tpu.memory_space<vmem>>, vector<1x2000x16xf32>
    %get3A_16 = vector.shape_cast %get3A_15 : vector<1x2000x16xf32> to vector<2000x16xf32>
    %get3A_17 = arith.constant 0 : index
    %get3A_18 = arith.constant 0 : index
    %get3A_19 = arith.constant 0 : index
    %get3A_20 = vector.load %arg2[%get3A_17, %get3A_18, %get3A_19] : memref<1x2000x16xf32, #tpu.memory_space<vmem>>, vector<1x2000x16xf32>
    %get3A_21 = vector.shape_cast %get3A_20 : vector<1x2000x16xf32> to vector<2000x16xf32>
    %add3A_22 = arith.addf %get3A_16, %get3A_21 : vector<2000x16xf32>
    %get3A_23 = arith.constant 0 : index
    %get3A_24 = arith.constant 0 : index
    %get3A_25 = vector.load %arg3[%get3A_23, %get3A_24] : memref<2000x16xf32, #tpu.memory_space<vmem>>, vector<2000x16xf32>
    %add3A_26 = arith.addf %add3A_22, %get3A_25 : vector<2000x16xf32>
    %mul3A = vector.broadcast %rsqrt3A : vector<2000x1xf32> to vector<2000x16xf32>
    %mul3A_27 = arith.mulf %mul3A, %add3A_26 : vector<2000x16xf32>
    %get3A_28 = arith.constant 0 : index
    %get3A_29 = arith.constant 0 : index
    %get3A_30 = vector.load %arg6[%get3A_28, %get3A_29] : memref<1x16xf32, #tpu.memory_space<vmem>>, vector<1x16xf32>
    %add3A_31 = vector.broadcast %get3A_30 : vector<1x16xf32> to vector<2000x16xf32>
    %add3A_32 = arith.addf %mul3A_27, %add3A_31 : vector<2000x16xf32>
    %reduce_max3A = arith.constant dense<0xFF800000> : vector<2000xf32>
    %reduce_max3A_33 = vector.multi_reduction <maximumf>, %add3A_32, %reduce_max3A [1] : vector<2000x16xf32> to vector<2000xf32>
    %broadcast_in_dim3A = vector.shape_cast %reduce_max3A_33 : vector<2000xf32> to vector<2000x1xf32>
    %sub3A = vector.broadcast %broadcast_in_dim3A : vector<2000x1xf32> to vector<2000x16xf32>
    %sub3A_34 = arith.subf %add3A_32, %sub3A : vector<2000x16xf32>
    %exp3A = math.exp %sub3A_34 : vector<2000x16xf32>
    %reduce_sum3A = arith.constant dense<0.000000e+00> : vector<2000xf32>
    %reduce_sum3A_35 = vector.multi_reduction <add>, %exp3A, %reduce_sum3A [1] : vector<2000x16xf32> to vector<2000xf32>
    %broadcast_in_dim3A_36 = vector.shape_cast %reduce_sum3A_35 : vector<2000xf32> to vector<2000x1xf32>
    %div3A = vector.broadcast %broadcast_in_dim3A_36 : vector<2000x1xf32> to vector<2000x16xf32>
    %div3A_37 = arith.divf %exp3A, %div3A : vector<2000x16xf32>
    %swap3A = arith.constant 0 : index
    %swap3A_38 = arith.constant 0 : index
    %swap3A_39 = vector.load %arg7[%swap3A, %swap3A_38] : memref<2000x16xf32, #tpu.memory_space<vmem>>, vector<2000x16xf32>
    tpu.vector_store %arg7[%swap3A, %swap3A_38], %div3A_37 {strides = array<i32>} : memref<2000x16xf32, #tpu.memory_space<vmem>>, vector<2000x16xf32>,
    return
  }
  func.func @transform_0(%arg0: i32) -> (i32, i32, i32) {
    %c0_i32 = arith.constant 0 : i32
    %c0_i32_0 = arith.constant 0 : i32
    %c0_i32_1 = arith.constant 0 : i32
    return %c0_i32, %arg0, %c0_i32_0 : i32, i32, i32
  }
  func.func @transform_1(%arg0: i32) -> (i32, i32, i32) {
    %c1_i32 = arith.constant 1 : i32
    %c0_i32 = arith.constant 0 : i32
    %c0_i32_0 = arith.constant 0 : i32
    return %c1_i32, %arg0, %c0_i32 : i32, i32, i32
  }
  func.func @transform_2(%arg0: i32) -> (i32, i32) {
    %c0_i32 = arith.constant 0 : i32
    %c0_i32_0 = arith.constant 0 : i32
    return %arg0, %c0_i32 : i32, i32
  }
  func.func @transform_3(%arg0: i32) -> (i32, i32, i32) {
    %c0_i32 = arith.constant 0 : i32
    %c0_i32_0 = arith.constant 0 : i32
    %c0_i32_1 = arith.constant 0 : i32
    return %c0_i32, %arg0, %c0_i32_0 : i32, i32, i32
  }
  func.func @transform_4(%arg0: i32) -> (i32, i32, i32) {
    %c1_i32 = arith.constant 1 : i32
    %c0_i32 = arith.constant 0 : i32
    %c0_i32_0 = arith.constant 0 : i32
    return %c1_i32, %arg0, %c0_i32 : i32, i32, i32
  }
  func.func @transform_5(%arg0: i32) -> (i32, i32) {
    %c0_i32 = arith.constant 0 : i32
    %c0_i32_0 = arith.constant 0 : i32
    %c0_i32_1 = arith.constant 0 : i32
    return %c0_i32, %c0_i32_0 : i32, i32
  }
  func.func @transform_6(%arg0: i32) -> (i32, i32) {
    %c0_i32 = arith.constant 0 : i32
    %c0_i32_0 = arith.constant 0 : i32
    return %arg0, %c0_i32 : i32, i32
  }
}

</mosaic_0001>

<sc_bundles>
// kernel: kernel.12.cloned.1.call-start
scs
__scs_entry_jumppad:
0x0: {  	(pc) =	sbr.rel $0x88, $3  }
0x1: {  	(tag) =	ssettag $0x0;
	lr =	simm.s32 $0x1  }
0x2: {  	[smem:$0x3F9B] =	sst lr;
	_ =	strace $0xD0000000  }
0x3: {  	_ = 	snop  }
0x4: {  	_ = 	snop  }
0x5: {  	_ = 	snop  }
0x6: {  	_ = 	snop  }
0x7: {  	_ = 	snop  }
__scs_overlays_trampoline_lowered:
0x8: {  	[smem:$0x3FAA] =	sst s0  }
0x9: {  	[smem:$0x3FAB] =	sst s1  }
0xa: {  	[smem:$0x3FAC] =	sst s2  }
0xb: {  	[smem:$0x3FAD] =	sst s3  }
0xc: {  	[smem:$0x3FAE] =	sst s4  }
0xd: {  	[smem:$0x3FAF] =	sst s5  }
0xe: {  	[smem:$0x3FB0] =	sst s6  }
0xf: {  	[smem:$0x3FB1] =	sst s7  }
0x10: {  	[smem:$0x3FB2] =	sst s8  }
0x11: {  	[smem:$0x3FB3] =	sst s9;
	s0 =	simm.s32 @!p0 $0x0  }
0x12: {  	s1 =	sld [smem:$0x3F99];
	s0 =	simm.s32 @p0 $0x1  }
0x13: {  	[smem:$0x3FB4] =	sst s0;
	s0 =	simm.s32 @!p1 $0x0  }
0x14: {  	s2 =	sld [smem:$0x3F98];
	s0 =	simm.s32 @p1 $0x1  }
0x15: {  	[smem:$0x3FB5] =	sst s0;
	s0 =	simm.s32 @!p2 $0x0  }
0x16: {  	s3 =	sld [smem:$0x3FDB];
	s0 =	simm.s32 @p2 $0x1  }
0x17: {  	s4 =	simm.s32 $0x1BF5;
	[smem:$0x3FB7] =	sst s0  }
0x18: {  	s0 =	sld [smem:$0x3F9A];
	_ =	swait.ge [sflag:s4], $0x0  }
0x19: {  	s7 =	sld [smem:$0x3F9B]  }
0x1a: {  	s8 =	sadd.s32 $0xFFFFE003, lr  }
0x1b: {  	s9 =	sadd.s32 $0xFFFFFEF7, lr;
	s5 =	simm.s32 $0xFFFFFFFF;
	p2 =	slt.u32 s8, $0xFFFFF086  }
0x1c: {  	p1 =	slt.u32 s9, $0xF7A;
	s5 =	simm.s32 @!p2 $0x0  }
0x1d: {  	s5 =	simm.s32 @p1 $0x1;
	p0 =	seq.s32 s7, s2  }
0x1e: {  	s7 =	smul.u32 @!p0 $0xF7A, s2;
	p2 =	seq.s32 @!p0 s5, $0x0  }
0x1f: {  	s9 =	smul.u32 $0xF7A, s1;
	s8 =	simm.s32 @!p0 $0x1BF5;
	p2 =	por !p2, p0  }
0x20: {  	[sflag:s8] =	ssyncset.s32 @!p0 $0xFFFFF086;
	s6 =	sadd.s32 @!p0 s3, s7;
	s7 =	simm.s32 @!p0 $0x108  }
0x21: {  	s3 =	sadd.s32 s3, s9;
	s6 =	sadd.s32 @!p0 $0x88, s6;
	s7 =	simm.s32 @p2 $0x1082  }
0x22: {  	[simem:s7], [sflag:s8] =	dma.local @!p0 [hbm:s6], $0xF7A  }
0x23: {  	s9 =	sor.u32 $0xD0000000, s2;
	s6 =	simm.s32 $0x108;
	_ =	swait.ge @!p0 [sflag:s8], $0x0  }
0x24: {  	s3 =	sadd.s32 $0x88, s3;
	s6 =	simm.s32 @!p1 $0x1082;
	[sflag:s4] =	ssyncset.s32 $0xFFFFF086  }
0x25: {  	[simem:s6], [sflag:s4] =	dma.local [hbm:s3], $0xF7A  }
0x26: {  	[smem:$0x3F9B] =	sst s1;
	(tag) =	ssettag s2;
	_ =	strace s9  }
0x27: {  	s1 =	sld [smem:$0x3FAB]  }
0x28: {  	s2 =	sld [smem:$0x3FAC]  }
0x29: {  	s4 =	sld [smem:$0x3FAE]  }
0x2a: {  	p0 =	seq.s32 s5, $0x0;
	s5 =	sld [smem:$0x3FAF]  }
0x2b: {  	s6 =	sld [smem:$0x3FB0]  }
0x2c: {  	s7 =	sld [smem:$0x3FB1]  }
0x2d: {  	s3 =	simm.s32 $0x108;
	s8 =	sld [smem:$0x3FB2]  }
0x2e: {  	s3 =	simm.s32 @!p0 $0x1082;
	s9 =	sld [smem:$0x3FB3]  }
0x2f: {  	lr =	sadd.s32 s0, s3;
	s0 =	sld [smem:$0x3FAA]  }
0x30: {  	s3 =	sld [smem:$0x3FAD]  }
0x31: {  	[smem:$0x3FB6] =	sst s10  }
0x32: {  	s10 =	sld [smem:$0x3FB4];
	_ =	sdelay $0x3  }
0x33: {  	p0 =	seq.s32 s10, $0x1;
	s10 =	sld [smem:$0x3FB6];
	_ =	sdelay $0x3  }
0x34: {  	[smem:$0x3FB6] =	sst s10  }
0x35: {  	s10 =	sld [smem:$0x3FB5];
	_ =	sdelay $0x3  }
0x36: {  	p1 =	seq.s32 s10, $0x1;
	s10 =	sld [smem:$0x3FB6];
	_ =	sdelay $0x3  }
0x37: {  	[smem:$0x3FB6] =	sst s10  }
0x38: {  	s10 =	sld [smem:$0x3FB7]  }
0x39: {  	_ = 	snop;
	(pc) =	sbr.ind lr, $3  }
0x3a: {  	_ = 	snop  }
0x3b: {  	_ = 	snop  }
0x3c: {  	p2 =	seq.s32 s10, $0x1;
	s10 =	sld [smem:$0x3FB6]  }
0x3d: {  	_ =	shalt  }
0x3e: {  	_ =	shalt  }
0x3f: {  	_ =	shalt  }
0x40: {  	_ =	shalt  }
0x41: {  	_ =	shalt  }
0x42: {  	_ =	shalt  }
0x43: {  	_ =	shalt  }
0x44: {  	_ =	shalt  }
0x45: {  	_ =	shalt  }
0x46: {  	_ =	shalt  }
0x47: {  	_ =	shalt  }
0x48: {  	_ =	shalt  }
0x49: {  	_ =	shalt  }
0x4a: {  	_ =	shalt  }
0x4b: {  	_ =	shalt  }
0x4c: {  	_ =	shalt  }
0x4d: {  	_ =	shalt  }
0x4e: {  	_ =	shalt  }
0x4f: {  	_ =	shalt  }
0x50: {  	_ =	shalt  }
0x51: {  	_ =	shalt  }
0x52: {  	_ =	shalt  }
0x53: {  	_ =	shalt  }
0x54: {  	_ =	shalt  }
0x55: {  	_ =	shalt  }
0x56: {  	_ =	shalt  }
0x57: {  	_ =	shalt  }
0x58: {  	_ =	shalt  }
0x59: {  	_ =	shalt  }
0x5a: {  	_ =	shalt  }
0x5b: {  	_ =	shalt  }
0x5c: {  	_ =	shalt  }
0x5d: {  	_ =	shalt  }
0x5e: {  	_ =	shalt  }
0x5f: {  	_ =	shalt  }
0x60: {  	_ =	shalt  }
0x61: {  	_ =	shalt  }
0x62: {  	_ =	shalt  }
0x63: {  	_ =	shalt  }
0x64: {  	_ =	shalt  }
0x65: {  	_ =	shalt  }
0x66: {  	_ =	shalt  }
0x67: {  	_ =	shalt  }
0x68: {  	_ =	shalt  }
0x69: {  	_ =	shalt  }
0x6a: {  	_ =	shalt  }
0x6b: {  	_ =	shalt  }
0x6c: {  	_ =	shalt  }
0x6d: {  	_ =	shalt  }
0x6e: {  	_ =	shalt  }
0x6f: {  	_ =	shalt  }
0x70: {  	_ =	shalt  }
0x71: {  	_ =	shalt  }
0x72: {  	_ =	shalt  }
0x73: {  	_ =	shalt  }
0x74: {  	_ =	shalt  }
0x75: {  	_ =	shalt  }
0x76: {  	_ =	shalt  }
0x77: {  	_ =	shalt  }
0x78: {  	_ =	shalt  }
0x79: {  	_ =	shalt  }
0x7a: {  	_ =	shalt  }
0x7b: {  	_ =	shalt  }
0x7c: {  	_ =	shalt  }
0x7d: {  	_ =	shalt  }
0x7e: {  	_ =	shalt  }
0x7f: {  	_ =	shalt  }
0x80: {  	_ =	shalt  }
0x81: {  	_ =	shalt  }
0x82: {  	_ =	shalt  }
0x83: {  	_ =	shalt  }
0x84: {  	_ =	shalt  }
0x85: {  	_ =	shalt  }
0x86: {  	_ =	shalt  }
0x87: {  	_ =	shalt  }
.Lfunc_end0:
.L_simem_size_0:
called_computation.1_lowered:
.L_overlay_start_0:
0x88: {  	s2 =	sld [smem:$0x3FD9]  }
0x89: {  	s3 =	sld [smem:$0x3FFE];
	_ =	sdelay $0x1  }
0x8a: {  	s1 =	srdreg.scid  }
0x8b: {  	s0 =	sand.u32 $0x1, s1  }
0x8c: {  	s16 =	sshll.u32 s0, $0xA;
	s2 =	sadd.s32 s3, s2  }
0x8d: {  	s2 =	sadd.s32 s2, s16  }
0x8e: {  	[smem:$0x3FC2] =	sst s2  }
0x8f: {  	_ = 	snop  }
0x90: {  	(tm) =	ssettm $0x1  }
0x91: {  	s17 =	sld [smem:$0x3FFB];
	_ =	sdelay $0x3  }
0x92: {  	_ =	strace s17  }
0x93: {  	s2 =	sld [smem:$0x3FFC];
	_ =	sdelay $0x3  }
0x94: {  	_ =	strace s2  }
0x95: {  	s2 =	sld [smem:$0x3FFD];
	_ =	sdelay $0x3  }
0x96: {  	_ =	strace s2  }
0x97: {  	_ =	strace $0x8FFFFFFF  }
0x98: {  	s18 =	sld [smem:$0x3FDB];
	_ =	sdelay $0x1  }
0x99: {  	s19 =	simm.s32 $_scs_section_size  }
0x9a: {  	s4 =	simm.s32 $_size__tile_overlayer_lowered;
	s5 =	simm.s32 $_tile_overlayer_lowered  }
0x9b: {  	s22 =	simm.s32 $0x1BFF;
	s21 =	sshll.u32 s5, $0x1;
	s2 =	sadd.s32 s19, s18  }
0x9c: {  	s6 =	simm.s32 $0x0;
	s20 =	sshll.u32 s4, $0x1;
	s4 =	sadd.s32 s21, s2  }
0x9d: {  	[timem:s6], [sflag:s22] =	dma.local [hbm:s4], s20  }
0x9e: {  	_ =	swait.ge [sflag:s22], s20  }
0x9f: {  	s3 =	ssub.s32 $0x0, s20;
	[sflag:s22] =	ssyncset.done $0x0  }
0xa0: {  	[sflag:s22] =	ssyncadd.s32 s3;
	_ =	sdelay $0x1  }
0xa1: {  	s23 =	simm.s32 $0x1B8B  }
0xa2: {  	_ =	swait.ge [sflag:s23], $0x1  }
0xa3: {  	[sflag:s23] =	ssyncset.done $0x0  }
0xa4: {  	s25 =	simm.s32 $0x1B8E;
	s24 =	sld [smem:$0x3FFE];
	[sflag:s23] =	ssyncadd.s32 $0xFFFFFFFF  }
0xa5: {  	s26 =	simm.s32 $execute0_lowered;
	[smem:$0x3FD2] =	sst s25  }
0xa6: {  	s4 =	sshll.u32 s26, $0x1;
	_ =	strace $0x80000049;
	[dreg:$0x1] =	wrdreg $0xFFFFFFFF  }
0xa7: {  	s28 =	simm.s32 $_size_execute0_lowered;
	s2 =	sadd.s32 s2, s4;
	[dreg:$0x0] =	wrdreg $0x0  }
0xa8: {  	s4 =	sshll.u32 s28, $0x1;
	[dreg:$0x2] =	wrdreg s2  }
0xa9: {  	[dreg:$0x3] =	wrdreg s4  }
0xaa: {  	[dreg:$0x4] =	wrdreg $0xC0  }
0xab: {  	_ =	task [dreg:s6], $0x5FFFF  }
0xac: {  	[dreg:$0x1] =	wrdreg $0xFFFFFFFF  }
0xad: {  	[dreg:$0x0] =	wrdreg $0x60  }
0xae: {  	[dreg:$0x2] =	wrdreg s24  }
0xaf: {  	[dreg:$0x3] =	wrdreg $0x43000  }
0xb0: {  	[dreg:$0x4] =	wrdreg $0xDF400  }
0xb1: {  	[dreg:$0x5] =	wrdreg $0x9  }
0xb2: {  	_ =	task.clear_ibuf [dreg:s6], $0x6FFFF;
	_ =	strace $0x90000049  }
0xb3: {  	s29 =	simm.s32 $0x9;
	_ =	strace $0x8000004B  }
0xb4: {  	_ =	swait.ge [sflag:s29], $0x1  }
0xb5: {  	[sflag:s29] =	ssyncadd.s32 $0xFFFFFFFF  }
0xb6: {  	_ =	strace $0x9000004B  }
0xb7: {  	_ =	sfence  }
0xb8: {  	s30 =	sld [smem:$0x0];
	_ =	sdelay $0x2  }
0xb9: {  	s31 =	sshll.u32 s1, $0xD;
	s1 =	sshrl.u32 s1, $0x2  }
0xba: {  	s3 =	sand.u32 $0x4000, s31;
	s1 =	sadd.s32 s1, s30  }
0xbb: {  	s0 =	sor.u32 s3, s0;
	s1 =	sshll.u32 s1, $0x11  }
0xbc: {  	s0 =	sor.u32 s1, s0  }
0xbd: {  	s0 =	sadd.s32 $0x8F2B, s0  }
0xbe: {  	[sflag:s0] =	ssyncadd.remote.s32 $0x1  }
0xbf: {  	_ =	sfence.sel $0xFFFF  }
0xc0: {  	[dreg:$0x0] =	wrdreg $0xFFFFFFFF;
	(pc) =	sbr.abs _section_cstart, $3  }
0xc1: {  	[dreg:$0x1] =	wrdreg $0xFFFFFFFF  }
0xc2: {  	_ =	task.clear_ibuf [dreg:s6], $0x2FFFF;
	_ =	strace $0x9FFFFFFF  }
0xc3: {  	(tm) =	ssettm $0x7FFFFFFF  }
tec
execute0_lowered:
.L_overlay_start_1:
0x0: {  	(tag) =	ssettag $0x1  }
0x1: {  	s0 =	rddreg [dreg:$0x0];
	s1 =	srdreg.scid  }
0x2: {  	s2 =	rddreg [dreg:$0x1];
	s13 =	stileid.u32  }
0x3: {  	s3 =	rddreg [dreg:$0x2];
	s4 =	simm.s32 $0x0;
	s22 =	simm.s32 $0x4  }
0x4: {  	s23 =	simm.s32 $0x300;
	s24 =	simm.s32 $0x180;
	s8 =	smul.u32 $0x9C40, s13  }
0x5: {  	s25 =	simm.s32 $0x1;
	s28 =	simm.s32 $0x2;
	s10 =	smul.u32 $0xA000, s13  }
0x6: {  	s29 =	simm.s32 $0x3;
	s30 =	simm.s32 $0x0;
	s12 =	smul.u32 $0x28000, s13  }
0x7: {  	s1 =	sand.u32 $0x1, s1;
	[smem:$0x7FF] =	sst s4;
	s17 =	smul.u32 $0x9E0, s13  }
0x8: {  	s6 =	sadd.s32 $0x1400, s0;
	s26 =	sshll.u32 s13, $0x6;
	s5 =	smul.u32 $0x9C400, s1  }
0x9: {  	s7 =	smul.u32 $0xA0000, s1;
	_ =	strace $0x8000004A;
	s1 =	ssub.s32 $0x2, s1  }
0xa: {  	s11 =	sshrl.u32 s1, $0x1;
	s12 =	sshrl.u32 s12, $0x2;
	s16 =	sadd.s32 s6, s17  }
0xb: {  	s5 =	sadd.s32 s8, s5;
	s7 =	sadd.s32 s10, s7;
	s1 =	ssub.s32 s1, s11  }
0xc: {  	s8 =	sadd.s32 s8, s2;
	s14 =	sadd.s32 s12, s3;
	s10 =	sadd.s32 s10, s3  }
0xd: {  	s5 =	sshrl.u32 s5, $0x3;
	s7 =	sshrl.u32 s7, $0x3;
	s31 =	sadd.s32 $0x2000, s14  }
0xe: {  	s12 =	sadd.s32 $0x4000, s14;
	s20 =	smax.u32 s1, $0x1;
	s21 =	sshrl.u32 s8, $0x3  }
0xf: {  	s9 =	sadd.s32 s5, s0;
	s5 =	sadd.s32 $0x15200, s0;
	s0 =	sadd.s32 s7, s0  }
0x10: {  	s7 =	smul.u32 $0x9E, s13;
	[dreg:$0x5] =	wrdreg s31;
	s13 =	sadd.s32 $0x6000, s14  }
0x11: {  	s14 =	sadd.s32 $0x8000, s14;
	s9 =	sadd.s32 $0x6F000, s9;
	s15 =	sadd.s32 s5, s17  }
0x12: {  	s17 =	sor.u32 $0x10, s17;
	s19 =	sadd.s32 $0x96200, s0;
	[dreg:$0x4] =	wrdreg s9  }
0x13: {  	v0 =	vimm.f32 $0.0e+00;
	s9 =	sor.u32 $0x1C04, s26;
	s18 =	sadd.s32 s5, s17;
	s26 =	simm.s32 $0x80  }
.LBB2_1:
0x14: {  	s0 =	rddreg [dreg:$0x4]  }
0x15: {  	[spmem:s21], [sflag:s9] =	dma.local [hbm:s0], $0x1388  }
0x16: {  	_ =	swait.ge [sflag:s22], $0x1388  }
0x17: {  	[sflag:s22] =	ssyncset.done $0x0  }
0x18: {  	s1 =	simm.s32 $0x100;
	s0 =	simm.s32 $0x0;
	[sflag:s22] =	ssyncadd.s32 $0xFFFFEC78  }
.LBB2_2:
0x19: {  	p0 =	sne.s32 s1, $0x7F00;
	[tilespmem:s0+$0x330] =	vst v0;
	s8 =	smov.u32 s1;
	s1 =	sadd.s32 $0x100, s1  }
.Ltmp0:
0x1a: {  	[tilespmem:s0+$0x320] =	vst v0;
	(pc) =	sbr.rel @p0 .LBB2_2-.Ltmp0, $3  }
0x1b: {  	[tilespmem:s0+$0x300] =	vst v0  }
0x1c: {  	[tilespmem:s0+$0x310] =	vst v0;
	_ =	sdelay $0x1  }
0x1d: {  	s0 =	sshra.s32 s8, $0x2  }
0x1e: {  	[tilespmem:s0+$0x330] =	vst v0  }
0x1f: {  	[tilespmem:s0+$0x320] =	vst v0  }
0x20: {  	[tilespmem:s0+$0x300] =	vst v0  }
0x21: {  	[tilespmem:s0+$0x310] =	vst v0  }
0x22: {  	[spmem:s10] =	stream.linear.scatter [tilespmem:s23], [sflag:$0x4], $0x2000, $0x38;
	[tilespmem:$0x17F40] =	vst v63  }
0x23: {  	_ =	swait.ge [sflag:s22], $0x2000  }
0x24: {  	[sflag:s22] =	ssyncset.done $0x0  }
0x25: {  	s11 =	rddreg [dreg:$0x5];
	[sflag:s22] =	ssyncadd.s32 $0xFFFFE000  }
0x26: {  	[spmem:s11] =	stream.linear.scatter [tilespmem:s23], [sflag:$0x4], $0x2000, $0x38;
	[tilespmem:$0x17F40] =	vst v63  }
0x27: {  	_ =	swait.ge [sflag:s22], $0x2000  }
0x28: {  	[sflag:s22] =	ssyncset.done $0x0  }
0x29: {  	[sflag:s22] =	ssyncadd.s32 $0xFFFFE000  }
0x2a: {  	[spmem:s12] =	stream.linear.scatter [tilespmem:s23], [sflag:$0x4], $0x2000, $0x38;
	[tilespmem:$0x17F40] =	vst v63  }
0x2b: {  	_ =	swait.ge [sflag:s22], $0x2000  }
0x2c: {  	[sflag:s22] =	ssyncset.done $0x0  }
0x2d: {  	[sflag:s22] =	ssyncadd.s32 $0xFFFFE000  }
0x2e: {  	[spmem:s13] =	stream.linear.scatter [tilespmem:s23], [sflag:$0x4], $0x2000, $0x38;
	[tilespmem:$0x17F40] =	vst v63  }
0x2f: {  	_ =	swait.ge [sflag:s22], $0x2000  }
0x30: {  	[sflag:s22] =	ssyncset.done $0x0  }
0x31: {  	[sflag:s22] =	ssyncadd.s32 $0xFFFFE000  }
0x32: {  	[spmem:s14] =	stream.linear.scatter [tilespmem:s23], [sflag:$0x4], $0x2000, $0x38;
	[tilespmem:$0x17F40] =	vst v63  }
0x33: {  	_ =	swait.ge [sflag:s22], $0x2000  }
0x34: {  	[sflag:s22] =	ssyncset.done $0x0  }
0x35: {  	[sflag:s22] =	ssyncadd.s32 $0xFFFFE000  }
0x36: {  	s31 =	simm.s32 $0x0;
	[bflag:$0x0] =	sbarrier.arrive $0xFFFF  }
0x37: {  	[tilespmem:s31], [sflag:$0x1] =	stream.linear.gather [hbm4b:s15+s31], $0x80, $0x38;
	[tilespmem:$0x17F40] =	vst v63  }
0x38: {  	_ = 	snop  }
0x39: {  	[tilespmem:s24], [sflag:$0x1] =	stream.linear.gather [hbm4b:s16+s31], $0x80, $0x38;
	[tilespmem:$0x17F40] =	vst v63  }
0x3a: {  	_ =	swait.ge [sflag:s25], $0x80  }
0x3b: {  	[sflag:s25] =	ssyncset.done $0x0  }
0x3c: {  	[sflag:s25] =	ssyncadd.s32 $0xFFFFFF80  }
0x3d: {  	_ =	swait.ge [sflag:s25], $0x80  }
.Ltmp1:
0x3e: {  	[sflag:s25] =	ssyncset.done $0x0;
	(pc) =	sbr.rel .LBB2_4-.Ltmp1, $4  }
0x3f: {  	[sflag:s25] =	ssyncadd.s32 $0xFFFFFF80  }
0x40: {  	[tilespmem:s23], [sflag:$0x2] =	stream.indirect.gather [spmem:s2], $0x40, s31, s26, $0xb8;
	[tilespmem:$0x17F40] =	vst v63  }
0x41: {  	s1 =	simm.s32 $0x200;
	s0 =	smov.u32 s17  }
0x42: {  	[tilespmem:s26], [sflag:$0x1] =	stream.linear.gather [hbm4b:s18+s31], $0x80, $0x38;
	[tilespmem:$0x17F40] =	vst v63  }
.LBB2_9:
0x43: {  	s1 =	smul.u32 $0xAB, s0;
	_ =	sdelay $0x1  }
0x44: {  	s1 =	sshrl.u32 s1, $0x9  }
0x45: {  	s1 =	sand.u32 $0x7F, s1  }
0x46: {  	s1 =	smul.u32 $0x3, s1;
	_ =	sdelay $0x1  }
0x47: {  	s11 =	sadd.s32 s0, s7;
	s1 =	ssub.s32 s0, s1  }
0x48: {  	s0 =	sshll.u32 s11, $0x4;
	s1 =	sand.u32 $0xFF, s1  }
0x49: {  	s8 =	sadd.s32 s5, s0;
	s1 =	sshll.u32 s1, $0x7  }
0x4a: {  	[tilespmem:s1], [sflag:$0x1] =	stream.linear.gather [hbm4b:s8+s4], $0x80, $0x38;
	[tilespmem:$0x17F40] =	vst v63  }
0x4b: {  	s1 =	sadd.s32 $0x180, s1  }
.LBB2_4:
.Ltmp2:
0x4c: {  	(pc) =	sbr.rel .LBB2_5-.Ltmp2, $4  }
0x4d: {  	_ = 	snop  }
0x4e: {  	s0 =	sadd.s32 s6, s0  }
0x4f: {  	[tilespmem:s1], [sflag:$0x1] =	stream.linear.gather [hbm4b:s0+s4], $0x80, $0x38;
	[tilespmem:$0x17F40] =	vst v63  }
0x50: {  	s0 =	sadd.s32 $0x1, s31  }
.LBB2_6:
0x51: {  	[spmem:s3] =	stream.indirect.scatter.add.f32 [tilespmem:s8], [sflag:$0x3], $0x40, s24, s26, $0xb8;
	[tilespmem:$0x17F40] =	vst v63  }
.LBB2_8:
0x52: {  	s8 =	smul.u32 $0xAB, s31;
	_ =	sdelay $0x1  }
0x53: {  	s8 =	sshrl.u32 s8, $0x9  }
0x54: {  	_ =	swait.ge [sflag:s25], $0x80;
	s8 =	sand.u32 $0x7F, s8  }
0x55: {  	[sflag:s25] =	ssyncset.done $0x0;
	s8 =	smul.u32 $0x3, s8  }
0x56: {  	p0 =	sgt.u32 s1, $0x9B;
	[sflag:s25] =	ssyncadd.s32 $0xFFFFFF80  }
.Ltmp3:
0x57: {  	_ =	swait.ge [sflag:s25], $0x80;
	s8 =	ssub.s32 s31, s8;
	(pc) =	sbr.rel @!p0 .LBB2_9-.Ltmp3, $4  }
0x58: {  	s0 =	sxor.u32 $0x2000, s0;
	[sflag:s25] =	ssyncset.done $0x0;
	s8 =	sand.u32 $0xFF, s8  }
0x59: {  	s0 =	sor.u32 $0x300, s0;
	[sflag:s25] =	ssyncadd.s32 $0xFFFFFF80;
	s8 =	sshll.u32 s8, $0x7  }
0x5a: {  	[tilespmem:s0], [sflag:$0x2] =	stream.indirect.gather [spmem:s2], $0x40, s8, s26, $0xb8;
	[tilespmem:$0x17F40] =	vst v63  }
0x5b: {  	s0 =	sadd.s32 $0x1, s31  }
.LBB2_5:
0x5c: {  	s31 =	smov.u32 s0  }
0x5d: {  	p0 =	sne.s32 s31, $0x1  }
.Ltmp4:
0x5e: {  	_ = 	snop;
	(pc) =	sbr.rel @!p0 .LBB2_6-.Ltmp4, $4  }
0x5f: {  	s1 =	sadd.s32 $0xFFFFFFFF, s0  }
0x60: {  	_ =	swait.ge [sflag:s28], $0x2000;
	s0 =	sand.u32 $0x1, s1  }
0x61: {  	[sflag:s28] =	ssyncset.done $0x0;
	s0 =	sshll.u32 s0, $0xD  }
0x62: {  	[sflag:s28] =	ssyncadd.s32 $0xFFFFE000;
	s8 =	sor.u32 $0x300, s0  }
0x63: {  	s11 =	smul.u32 $0xAB, s1;
	_ =	sdelay $0x1  }
0x64: {  	s11 =	sshrl.u32 s11, $0x9  }
0x65: {  	s11 =	sand.u32 $0x7F, s11  }
0x66: {  	s11 =	smul.u32 $0x3, s11  }
0x67: {  	p0 =	seq.s32 s31, $0x9E  }
.Ltmp5:
0x68: {  	s11 =	ssub.s32 s1, s11;
	(pc) =	sbr.rel @!p0 .LBB2_8-.Ltmp5, $4  }
0x69: {  	_ =	swait.ge [sflag:s29], $0x2000;
	s11 =	sand.u32 $0xFF, s11  }
0x6a: {  	[sflag:s29] =	ssyncset.done $0x0;
	s11 =	sshll.u32 s11, $0x7  }
0x6b: {  	[sflag:s29] =	ssyncadd.s32 $0xFFFFE000;
	s11 =	sadd.s32 $0x180, s11  }
0x6c: {  	[spmem:s3] =	stream.indirect.scatter.add.f32 [tilespmem:s8], [sflag:$0x3], $0x40, s11, s26, $0xb8;
	[tilespmem:$0x17F40] =	vst v63  }
0x6d: {  	_ =	swait.ge [sflag:s29], $0x2000  }
0x6e: {  	s30 =	sadd.s32 $0x1, s30;
	[sflag:s29] =	ssyncset.done $0x0  }
0x6f: {  	p0 =	sne.s32 s30, s20;
	[sflag:s29] =	ssyncadd.s32 $0xFFFFE000  }
.Ltmp6:
0x70: {  	s0 =	sshrl.u32 s10, $0x3;
	[bflag:$0x0] =	sbarrier.arrive $0xFFFF;
	(pc) =	sbr.rel @p0 .LBB2_1-.Ltmp6, $4  }
0x71: {  	[hbm:s19], [sflag:s9] =	dma.local [spmem:s0], $0x1400  }
0x72: {  	_ =	swait.ge [sflag:s22], $0x1400  }
0x73: {  	[sflag:s22] =	ssyncset.done $0x0  }
0x74: {  	[sflag:s22] =	ssyncadd.s32 $0xFFFFEC00  }
0x75: {  	_ =	sfence.sel $0x180000  }
0x76: {  	[bflag:$0x0] =	sbarrier.arrive $0xFFFF  }
0x77: {  	_ =	strace $0x9000004A  }
0x78: {  	s0 =	stileid.u32;
	[bflag:$0x2] =	sbarrier.arrive $0xFFFF  }
0x79: {  	p0 =	sne.s32 s0, $0x0;
	s0 =	rddreg [dreg:$0x3]  }
0x7a: {  	s0 =	sadd.s32 @!p0 $0x100000, s0  }
0x7b: {  	[sflag:s0] =	ssyncadd.tile.s32 @!p0 $0x1;
	_ =	shalt  }
.Lfunc_end2:
_tile_overlayer_lowered:
.L_overlay_start_2:
0x7c: {  	(tag) =	ssettag $0x2  }
0x7d: {  	s0 =	rddreg [dreg:$0x0];
	s2 =	stileid.u32  }
0x7e: {  	s1 =	rddreg [dreg:$0x1];
	p0 =	sne.s32 s2, $0x0  }
0x7f: {  	s3 =	rddreg [dreg:$0x2];
	[bflag:$0x3] =	sbarrier.arrive $0xFFFF;
	s2 =	simm.s32 @!p0 $0x1C04  }
0x80: {  	[timem:s3], [sflag:s2] =	dma.local @!p0 [hbm:s0], s1  }
0x81: {  	s0 =	simm.s32 @!p0 $0x4  }
0x82: {  	_ =	swait.ge @!p0 [sflag:s0], s1  }
0x83: {  	s1 =	ssub.s32 @!p0 $0x0, s1;
	[sflag:s0] =	ssyncset.done @!p0 $0x0  }
0x84: {  	[sflag:s0] =	ssyncadd.s32 @!p0 s1  }
0x85: {  	[bflag:$0x3] =	sbarrier.arrive $0xFFFF  }
0x86: {  	_ =	shalt  }

// kernel: kernel.15.cloned.1.call-start
scs
__scs_entry_jumppad:
0x0: {  	(pc) =	sbr.rel $0x88, $3  }
0x1: {  	(tag) =	ssettag $0x0;
	lr =	simm.s32 $0x1  }
0x2: {  	[smem:$0x3F9B] =	sst lr;
	_ =	strace $0xD0000000  }
0x3: {  	_ = 	snop  }
0x4: {  	_ = 	snop  }
0x5: {  	_ = 	snop  }
0x6: {  	_ = 	snop  }
0x7: {  	_ = 	snop  }
__scs_overlays_trampoline_lowered:
0x8: {  	[smem:$0x3FAA] =	sst s0  }
0x9: {  	[smem:$0x3FAB] =	sst s1  }
0xa: {  	[smem:$0x3FAC] =	sst s2  }
0xb: {  	[smem:$0x3FAD] =	sst s3  }
0xc: {  	[smem:$0x3FAE] =	sst s4  }
0xd: {  	[smem:$0x3FAF] =	sst s5  }
0xe: {  	[smem:$0x3FB0] =	sst s6  }
0xf: {  	[smem:$0x3FB1] =	sst s7  }
0x10: {  	[smem:$0x3FB2] =	sst s8  }
0x11: {  	[smem:$0x3FB3] =	sst s9;
	s0 =	simm.s32 @!p0 $0x0  }
0x12: {  	s1 =	sld [smem:$0x3F99];
	s0 =	simm.s32 @p0 $0x1  }
0x13: {  	[smem:$0x3FB4] =	sst s0;
	s0 =	simm.s32 @!p1 $0x0  }
0x14: {  	s2 =	sld [smem:$0x3F98];
	s0 =	simm.s32 @p1 $0x1  }
0x15: {  	[smem:$0x3FB5] =	sst s0;
	s0 =	simm.s32 @!p2 $0x0  }
0x16: {  	s3 =	sld [smem:$0x3FDB];
	s0 =	simm.s32 @p2 $0x1  }
0x17: {  	s4 =	simm.s32 $0x1BF5;
	[smem:$0x3FB7] =	sst s0  }
0x18: {  	s0 =	sld [smem:$0x3F9A];
	_ =	swait.ge [sflag:s4], $0x0  }
0x19: {  	s7 =	sld [smem:$0x3F9B]  }
0x1a: {  	s8 =	sadd.s32 $0xFFFFE003, lr  }
0x1b: {  	s9 =	sadd.s32 $0xFFFFFEF7, lr;
	s5 =	simm.s32 $0xFFFFFFFF;
	p2 =	slt.u32 s8, $0xFFFFF086  }
0x1c: {  	p1 =	slt.u32 s9, $0xF7A;
	s5 =	simm.s32 @!p2 $0x0  }
0x1d: {  	s5 =	simm.s32 @p1 $0x1;
	p0 =	seq.s32 s7, s2  }
0x1e: {  	s7 =	smul.u32 @!p0 $0xF7A, s2;
	p2 =	seq.s32 @!p0 s5, $0x0  }
0x1f: {  	s9 =	smul.u32 $0xF7A, s1;
	s8 =	simm.s32 @!p0 $0x1BF5;
	p2 =	por !p2, p0  }
0x20: {  	[sflag:s8] =	ssyncset.s32 @!p0 $0xFFFFF086;
	s6 =	sadd.s32 @!p0 s3, s7;
	s7 =	simm.s32 @!p0 $0x108  }
0x21: {  	s3 =	sadd.s32 s3, s9;
	s6 =	sadd.s32 @!p0 $0x88, s6;
	s7 =	simm.s32 @p2 $0x1082  }
0x22: {  	[simem:s7], [sflag:s8] =	dma.local @!p0 [hbm:s6], $0xF7A  }
0x23: {  	s9 =	sor.u32 $0xD0000000, s2;
	s6 =	simm.s32 $0x108;
	_ =	swait.ge @!p0 [sflag:s8], $0x0  }
0x24: {  	s3 =	sadd.s32 $0x88, s3;
	s6 =	simm.s32 @!p1 $0x1082;
	[sflag:s4] =	ssyncset.s32 $0xFFFFF086  }
0x25: {  	[simem:s6], [sflag:s4] =	dma.local [hbm:s3], $0xF7A  }
0x26: {  	[smem:$0x3F9B] =	sst s1;
	(tag) =	ssettag s2;
	_ =	strace s9  }
0x27: {  	s1 =	sld [smem:$0x3FAB]  }
0x28: {  	s2 =	sld [smem:$0x3FAC]  }
0x29: {  	s4 =	sld [smem:$0x3FAE]  }
0x2a: {  	p0 =	seq.s32 s5, $0x0;
	s5 =	sld [smem:$0x3FAF]  }
0x2b: {  	s6 =	sld [smem:$0x3FB0]  }
0x2c: {  	s7 =	sld [smem:$0x3FB1]  }
0x2d: {  	s3 =	simm.s32 $0x108;
	s8 =	sld [smem:$0x3FB2]  }
0x2e: {  	s3 =	simm.s32 @!p0 $0x1082;
	s9 =	sld [smem:$0x3FB3]  }
0x2f: {  	lr =	sadd.s32 s0, s3;
	s0 =	sld [smem:$0x3FAA]  }
0x30: {  	s3 =	sld [smem:$0x3FAD]  }
0x31: {  	[smem:$0x3FB6] =	sst s10  }
0x32: {  	s10 =	sld [smem:$0x3FB4];
	_ =	sdelay $0x3  }
0x33: {  	p0 =	seq.s32 s10, $0x1;
	s10 =	sld [smem:$0x3FB6];
	_ =	sdelay $0x3  }
0x34: {  	[smem:$0x3FB6] =	sst s10  }
0x35: {  	s10 =	sld [smem:$0x3FB5];
	_ =	sdelay $0x3  }
0x36: {  	p1 =	seq.s32 s10, $0x1;
	s10 =	sld [smem:$0x3FB6];
	_ =	sdelay $0x3  }
0x37: {  	[smem:$0x3FB6] =	sst s10  }
0x38: {  	s10 =	sld [smem:$0x3FB7]  }
0x39: {  	_ = 	snop;
	(pc) =	sbr.ind lr, $3  }
0x3a: {  	_ = 	snop  }
0x3b: {  	_ = 	snop  }
0x3c: {  	p2 =	seq.s32 s10, $0x1;
	s10 =	sld [smem:$0x3FB6]  }
0x3d: {  	_ =	shalt  }
0x3e: {  	_ =	shalt  }
0x3f: {  	_ =	shalt  }
0x40: {  	_ =	shalt  }
0x41: {  	_ =	shalt  }
0x42: {  	_ =	shalt  }
0x43: {  	_ =	shalt  }
0x44: {  	_ =	shalt  }
0x45: {  	_ =	shalt  }
0x46: {  	_ =	shalt  }
0x47: {  	_ =	shalt  }
0x48: {  	_ =	shalt  }
0x49: {  	_ =	shalt  }
0x4a: {  	_ =	shalt  }
0x4b: {  	_ =	shalt  }
0x4c: {  	_ =	shalt  }
0x4d: {  	_ =	shalt  }
0x4e: {  	_ =	shalt  }
0x4f: {  	_ =	shalt  }
0x50: {  	_ =	shalt  }
0x51: {  	_ =	shalt  }
0x52: {  	_ =	shalt  }
0x53: {  	_ =	shalt  }
0x54: {  	_ =	shalt  }
0x55: {  	_ =	shalt  }
0x56: {  	_ =	shalt  }
0x57: {  	_ =	shalt  }
0x58: {  	_ =	shalt  }
0x59: {  	_ =	shalt  }
0x5a: {  	_ =	shalt  }
0x5b: {  	_ =	shalt  }
0x5c: {  	_ =	shalt  }
0x5d: {  	_ =	shalt  }
0x5e: {  	_ =	shalt  }
0x5f: {  	_ =	shalt  }
0x60: {  	_ =	shalt  }
0x61: {  	_ =	shalt  }
0x62: {  	_ =	shalt  }
0x63: {  	_ =	shalt  }
0x64: {  	_ =	shalt  }
0x65: {  	_ =	shalt  }
0x66: {  	_ =	shalt  }
0x67: {  	_ =	shalt  }
0x68: {  	_ =	shalt  }
0x69: {  	_ =	shalt  }
0x6a: {  	_ =	shalt  }
0x6b: {  	_ =	shalt  }
0x6c: {  	_ =	shalt  }
0x6d: {  	_ =	shalt  }
0x6e: {  	_ =	shalt  }
0x6f: {  	_ =	shalt  }
0x70: {  	_ =	shalt  }
0x71: {  	_ =	shalt  }
0x72: {  	_ =	shalt  }
0x73: {  	_ =	shalt  }
0x74: {  	_ =	shalt  }
0x75: {  	_ =	shalt  }
0x76: {  	_ =	shalt  }
0x77: {  	_ =	shalt  }
0x78: {  	_ =	shalt  }
0x79: {  	_ =	shalt  }
0x7a: {  	_ =	shalt  }
0x7b: {  	_ =	shalt  }
0x7c: {  	_ =	shalt  }
0x7d: {  	_ =	shalt  }
0x7e: {  	_ =	shalt  }
0x7f: {  	_ =	shalt  }
0x80: {  	_ =	shalt  }
0x81: {  	_ =	shalt  }
0x82: {  	_ =	shalt  }
0x83: {  	_ =	shalt  }
0x84: {  	_ =	shalt  }
0x85: {  	_ =	shalt  }
0x86: {  	_ =	shalt  }
0x87: {  	_ =	shalt  }
.Lfunc_end0:
.L_simem_size_0:
called_computation.2_lowered:
.L_overlay_start_0:
0x88: {  	s2 =	sld [smem:$0x3FD9]  }
0x89: {  	s3 =	sld [smem:$0x3FFE];
	_ =	sdelay $0x1  }
0x8a: {  	s1 =	srdreg.scid  }
0x8b: {  	s0 =	sand.u32 $0x1, s1  }
0x8c: {  	s17 =	sshll.u32 s0, $0xA;
	s2 =	sadd.s32 s3, s2  }
0x8d: {  	s2 =	sadd.s32 s2, s17  }
0x8e: {  	[smem:$0x3FC2] =	sst s2  }
0x8f: {  	_ = 	snop  }
0x90: {  	s2 =	sld [smem:$0x3FD0];
	(tm) =	ssettm $0x1  }
0x91: {  	s18 =	sld [smem:$0x3FFB];
	_ =	sdelay $0x3  }
0x92: {  	_ =	strace s18  }
0x93: {  	s3 =	sld [smem:$0x3FFC];
	_ =	sdelay $0x3  }
0x94: {  	_ =	strace s3  }
0x95: {  	s3 =	sld [smem:$0x3FFD];
	_ =	sdelay $0x3  }
0x96: {  	_ =	strace s3  }
0x97: {  	_ =	strace $0x8FFFFFFF  }
0x98: {  	s19 =	sld [smem:$0x3FDB];
	_ =	sdelay $0x1  }
0x99: {  	s4 =	simm.s32 $_scs_section_size  }
0x9a: {  	s5 =	simm.s32 $_size__tile_overlayer_lowered;
	s6 =	simm.s32 $_tile_overlayer_lowered  }
0x9b: {  	s22 =	simm.s32 $0x1BFF;
	s21 =	sshll.u32 s6, $0x1;
	s3 =	sadd.s32 s4, s19  }
0x9c: {  	s7 =	simm.s32 $0x0;
	s20 =	sshll.u32 s5, $0x1;
	s5 =	sadd.s32 s21, s3  }
0x9d: {  	[timem:s7], [sflag:s22] =	dma.local [hbm:s5], s20  }
0x9e: {  	_ =	swait.ge [sflag:s22], s20  }
0x9f: {  	s4 =	ssub.s32 $0x0, s20;
	[sflag:s22] =	ssyncset.done $0x0  }
0xa0: {  	[sflag:s22] =	ssyncadd.s32 s4;
	_ =	sdelay $0x1  }
0xa1: {  	s23 =	simm.s32 $0x1B8B  }
0xa2: {  	_ =	swait.ge [sflag:s23], $0x1  }
0xa3: {  	[sflag:s23] =	ssyncset.done $0x0  }
0xa4: {  	s25 =	simm.s32 $0x1B8E;
	s24 =	sld [smem:$0x3FFE];
	[sflag:s23] =	ssyncadd.s32 $0xFFFFFFFF  }
0xa5: {  	s26 =	simm.s32 $execute0_lowered;
	[smem:$0x3FD2] =	sst s25  }
0xa6: {  	s5 =	sshll.u32 s26, $0x1;
	_ =	strace $0x8000004C;
	[dreg:$0x1] =	wrdreg $0xFFFFFFFF  }
0xa7: {  	s28 =	simm.s32 $_size_execute0_lowered;
	s3 =	sadd.s32 s3, s5;
	[dreg:$0x0] =	wrdreg $0x0  }
0xa8: {  	s5 =	sshll.u32 s28, $0x1;
	[dreg:$0x2] =	wrdreg s3  }
0xa9: {  	[dreg:$0x3] =	wrdreg s5  }
0xaa: {  	[dreg:$0x4] =	wrdreg $0xC0  }
0xab: {  	_ =	task [dreg:s7], $0x5FFFF  }
0xac: {  	[dreg:$0x1] =	wrdreg $0xFFFFFFFF  }
0xad: {  	[dreg:$0x0] =	wrdreg $0x60  }
0xae: {  	[dreg:$0x2] =	wrdreg s2  }
0xaf: {  	[dreg:$0x3] =	wrdreg s24  }
0xb0: {  	[dreg:$0x4] =	wrdreg $0x13000  }
0xb1: {  	[dreg:$0x5] =	wrdreg $0x3A100  }
0xb2: {  	[dreg:$0x6] =	wrdreg $0x9  }
0xb3: {  	_ =	task.clear_ibuf [dreg:s7], $0x7FFFF;
	_ =	strace $0x9000004C  }
0xb4: {  	s29 =	simm.s32 $0x9;
	_ =	strace $0x8000004E  }
0xb5: {  	_ =	swait.ge [sflag:s29], $0x1  }
0xb6: {  	[sflag:s29] =	ssyncadd.s32 $0xFFFFFFFF  }
0xb7: {  	_ =	strace $0x9000004E  }
0xb8: {  	_ =	sfence  }
0xb9: {  	s30 =	sld [smem:$0x0];
	_ =	sdelay $0x2  }
0xba: {  	s31 =	sshll.u32 s1, $0xD;
	s1 =	sshrl.u32 s1, $0x2  }
0xbb: {  	s3 =	sand.u32 $0x4000, s31;
	s1 =	sadd.s32 s1, s30  }
0xbc: {  	s0 =	sor.u32 s3, s0;
	s1 =	sshll.u32 s1, $0x11  }
0xbd: {  	s0 =	sor.u32 s1, s0  }
0xbe: {  	s0 =	sadd.s32 $0x8F2B, s0  }
0xbf: {  	[sflag:s0] =	ssyncadd.remote.s32 $0x1  }
0xc0: {  	_ =	sfence.sel $0xFFFF  }
0xc1: {  	[dreg:$0x0] =	wrdreg $0xFFFFFFFF;
	(pc) =	sbr.abs _section_cstart, $3  }
0xc2: {  	[dreg:$0x1] =	wrdreg $0xFFFFFFFF  }
0xc3: {  	_ =	task.clear_ibuf [dreg:s7], $0x2FFFF;
	_ =	strace $0x9FFFFFFF  }
0xc4: {  	(tm) =	ssettm $0x7FFFFFFF  }
0xc5: {  	_ =	shalt  }
tec
execute0_lowered:
.L_overlay_start_1:
0x0: {  	(tag) =	ssettag $0x1  }
0x1: {  	s0 =	rddreg [dreg:$0x0]  }
0x2: {  	s1 =	rddreg [dreg:$0x1];
	s3 =	srdreg.scid  }
0x3: {  	s15 =	stileid.u32;
	s2 =	rddreg [dreg:$0x2]  }
0x4: {  	s4 =	simm.s32 $0x0;
	s28 =	simm.s32 $0x2;
	s9 =	smul.u32 $0x2800, s15  }
0x5: {  	s29 =	simm.s32 $0x3;
	s30 =	simm.s32 $0x0;
	s12 =	smul.u32 $0x2710, s15  }
0x6: {  	s7 =	sand.u32 $0x1, s3;
	s3 =	rddreg [dreg:$0x3];
	s22 =	smul.u32 $0xA000, s15  }
0x7: {  	[smem:$0x7FF] =	sst s4;
	s24 =	sshll.u32 s15, $0x6;
	s31 =	smul.u32 $0x4F, s15  }
0x8: {  	s5 =	smul.u32 $0x28000, s7;
	_ =	strace $0x8000004D;
	s21 =	ssub.s32 $0x2, s7  }
0x9: {  	s11 =	sshll.u32 s7, $0x4;
	s7 =	smul.u32 $0x4F0, s7;
	s10 =	sshrl.u32 s21, $0x1  }
0xa: {  	s13 =	sor.u32 s15, s11;
	s23 =	sshrl.u32 s12, $0x3;
	s25 =	sshrl.u32 s22, $0x2  }
0xb: {  	s22 =	simm.s32 $0x4;
	s6 =	sadd.s32 s9, s5;
	s5 =	sadd.s32 $0x15200, s1  }
0xc: {  	s19 =	ssub.s32 s21, s10;
	s21 =	sadd.s32 s12, s2;
	s14 =	smul.u32 $0x2780, s13  }
0xd: {  	s0 =	sadd.s32 s0, s23;
	s9 =	sadd.s32 s9, s3;
	s16 =	smul.u32 $0x4F0, s13  }
0xe: {  	s20 =	sadd.s32 s31, s7;
	s23 =	simm.s32 $0x300;
	s8 =	sshrl.u32 s6, $0x3  }
0xf: {  	s6 =	sadd.s32 $0x1400, s1;
	[dreg:$0x5] =	wrdreg s0;
	s0 =	sadd.s32 s25, s3  }
0x10: {  	s19 =	smax.u32 s19, $0x1;
	s21 =	sshrl.u32 s21, $0x3;
	s25 =	simm.s32 $0x1  }
0x11: {  	s1 =	sadd.s32 s8, s1;
	s8 =	sor.u32 $0x1C04, s24;
	s26 =	sadd.s32 $0x800, s0  }
0x12: {  	s11 =	sadd.s32 $0x1000, s0;
	s12 =	sadd.s32 $0x1800, s0;
	s14 =	sshrl.u32 s14, $0x3  }
0x13: {  	s13 =	sadd.s32 $0x2000, s0;
	s15 =	sadd.s32 s5, s16;
	s16 =	sadd.s32 s6, s16  }
0x14: {  	s24 =	simm.s32 $0x180;
	[dreg:$0x6] =	wrdreg s26;
	s14 =	sadd.s32 $0x10, s14  }
0x15: {  	v0 =	vimm.f32 $0.0e+00;
	s18 =	sadd.s32 $0xB200, s1;
	s26 =	simm.s32 $0x80;
	s17 =	sadd.s32 s5, s14  }
.LBB2_1:
0x16: {  	s0 =	rddreg [dreg:$0x5]  }
0x17: {  	[spmem:s21], [sflag:s8] =	dma.local [hbm:s0], $0x4E2  }
0x18: {  	_ =	swait.ge [sflag:s22], $0x4E2  }
0x19: {  	[sflag:s22] =	ssyncset.done $0x0  }
0x1a: {  	s1 =	simm.s32 $0x0;
	s0 =	simm.s32 $0x40;
	[sflag:s22] =	ssyncadd.s32 $0xFFFFFB1E  }
.LBB2_2:
0x1b: {  	p0 =	sne.s32 s0, $0x1FC0;
	[tilespmem:s1+$0x300] =	vst v0;
	s1 =	smov.u32 s0;
	s0 =	sadd.s32 $0x40, s0  }
.Ltmp0:
0x1c: {  	(pc) =	sbr.rel @p0 .LBB2_2-.Ltmp0, $2  }
0x1d: {  	_ =	sdelay $0x2  }
0x1e: {  	s1 =	sshra.s32 s1, $0x2  }
0x1f: {  	[tilespmem:s1+$0x300] =	vst v0  }
0x20: {  	[spmem:s9] =	stream.linear.scatter [tilespmem:s23], [sflag:$0x4], $0x800, $0x38;
	[tilespmem:$0x6210] =	vst v63  }
0x21: {  	_ =	swait.ge [sflag:s22], $0x800  }
0x22: {  	[sflag:s22] =	ssyncset.done $0x0  }
0x23: {  	s0 =	rddreg [dreg:$0x6];
	[sflag:s22] =	ssyncadd.s32 $0xFFFFF800  }
0x24: {  	[spmem:s0] =	stream.linear.scatter [tilespmem:s23], [sflag:$0x4], $0x800, $0x38;
	[tilespmem:$0x6210] =	vst v63  }
0x25: {  	_ =	swait.ge [sflag:s22], $0x800  }
0x26: {  	[sflag:s22] =	ssyncset.done $0x0  }
0x27: {  	[sflag:s22] =	ssyncadd.s32 $0xFFFFF800  }
0x28: {  	[spmem:s11] =	stream.linear.scatter [tilespmem:s23], [sflag:$0x4], $0x800, $0x38;
	[tilespmem:$0x6210] =	vst v63  }
0x29: {  	_ =	swait.ge [sflag:s22], $0x800  }
0x2a: {  	[sflag:s22] =	ssyncset.done $0x0  }
0x2b: {  	[sflag:s22] =	ssyncadd.s32 $0xFFFFF800  }
0x2c: {  	[spmem:s12] =	stream.linear.scatter [tilespmem:s23], [sflag:$0x4], $0x800, $0x38;
	[tilespmem:$0x6210] =	vst v63  }
0x2d: {  	_ =	swait.ge [sflag:s22], $0x800  }
0x2e: {  	[sflag:s22] =	ssyncset.done $0x0  }
0x2f: {  	[sflag:s22] =	ssyncadd.s32 $0xFFFFF800  }
0x30: {  	[spmem:s13] =	stream.linear.scatter [tilespmem:s23], [sflag:$0x4], $0x800, $0x38;
	[tilespmem:$0x6210] =	vst v63  }
0x31: {  	_ =	swait.ge [sflag:s22], $0x800  }
0x32: {  	[sflag:s22] =	ssyncset.done $0x0  }
0x33: {  	[sflag:s22] =	ssyncadd.s32 $0xFFFFF800  }
0x34: {  	s31 =	simm.s32 $0x0;
	[bflag:$0x0] =	sbarrier.arrive $0xFFFF  }
0x35: {  	[tilespmem:s31], [sflag:$0x1] =	stream.linear.gather [hbm4b:s15+s31], $0x80, $0x38;
	[tilespmem:$0x6210] =	vst v63  }
0x36: {  	_ = 	snop  }
0x37: {  	[tilespmem:s24], [sflag:$0x1] =	stream.linear.gather [hbm4b:s16+s31], $0x80, $0x38;
	[tilespmem:$0x6210] =	vst v63  }
0x38: {  	_ =	swait.ge [sflag:s25], $0x80  }
0x39: {  	[sflag:s25] =	ssyncset.done $0x0  }
0x3a: {  	[sflag:s25] =	ssyncadd.s32 $0xFFFFFF80  }
0x3b: {  	_ =	swait.ge [sflag:s25], $0x80  }
.Ltmp1:
0x3c: {  	[sflag:s25] =	ssyncset.done $0x0;
	(pc) =	sbr.rel .LBB2_4-.Ltmp1, $4  }
0x3d: {  	[sflag:s25] =	ssyncadd.s32 $0xFFFFFF80  }
0x3e: {  	[tilespmem:s23], [sflag:$0x2] =	stream.indirect.gather [spmem:s2], $0x10, s31, s26, $0xb8;
	[tilespmem:$0x6210] =	vst v63  }
0x3f: {  	s1 =	simm.s32 $0x200;
	s0 =	smov.u32 s14  }
0x40: {  	[tilespmem:s26], [sflag:$0x1] =	stream.linear.gather [hbm4b:s17+s31], $0x80, $0x38;
	[tilespmem:$0x6210] =	vst v63  }
.LBB2_9:
0x41: {  	s1 =	smul.u32 $0xAB, s0;
	_ =	sdelay $0x1  }
0x42: {  	s1 =	sshrl.u32 s1, $0x9  }
0x43: {  	s1 =	sand.u32 $0x7F, s1  }
0x44: {  	s1 =	smul.u32 $0x3, s1  }
0x45: {  	s7 =	sadd.s32 s0, s20  }
0x46: {  	s7 =	sshll.u32 s7, $0x4;
	s1 =	ssub.s32 s0, s1  }
0x47: {  	s0 =	sand.u32 $0x1FFFFFF0, s7;
	s10 =	sand.u32 $0xFF, s1  }
0x48: {  	s1 =	sshll.u32 s10, $0x7;
	s10 =	sadd.s32 s5, s0  }
0x49: {  	[tilespmem:s1], [sflag:$0x1] =	stream.linear.gather [hbm4b:s10+s4], $0x80, $0x38;
	[tilespmem:$0x6210] =	vst v63  }
0x4a: {  	s1 =	sadd.s32 $0x180, s1  }
.LBB2_4:
.Ltmp2:
0x4b: {  	(pc) =	sbr.rel .LBB2_5-.Ltmp2, $4  }
0x4c: {  	_ = 	snop  }
0x4d: {  	s0 =	sadd.s32 s6, s0  }
0x4e: {  	[tilespmem:s1], [sflag:$0x1] =	stream.linear.gather [hbm4b:s0+s4], $0x80, $0x38;
	[tilespmem:$0x6210] =	vst v63  }
0x4f: {  	s0 =	sadd.s32 $0x1, s31  }
.LBB2_6:
0x50: {  	[spmem:s3] =	stream.indirect.scatter.add.f32 [tilespmem:s7], [sflag:$0x3], $0x10, s24, s26, $0xb8;
	[tilespmem:$0x6210] =	vst v63  }
.LBB2_8:
0x51: {  	s7 =	smul.u32 $0xAB, s31;
	_ =	sdelay $0x1  }
0x52: {  	s7 =	sshrl.u32 s7, $0x9  }
0x53: {  	_ =	swait.ge [sflag:s25], $0x80;
	s7 =	sand.u32 $0x7F, s7  }
0x54: {  	[sflag:s25] =	ssyncset.done $0x0;
	s7 =	smul.u32 $0x3, s7  }
0x55: {  	p0 =	sgt.u32 s1, $0x4C;
	[sflag:s25] =	ssyncadd.s32 $0xFFFFFF80  }
.Ltmp3:
0x56: {  	_ =	swait.ge [sflag:s25], $0x80;
	s7 =	ssub.s32 s31, s7;
	(pc) =	sbr.rel @!p0 .LBB2_9-.Ltmp3, $4  }
0x57: {  	s0 =	sxor.u32 $0x800, s0;
	[sflag:s25] =	ssyncset.done $0x0;
	s7 =	sand.u32 $0xFF, s7  }
0x58: {  	s0 =	sor.u32 $0x300, s0;
	[sflag:s25] =	ssyncadd.s32 $0xFFFFFF80;
	s7 =	sshll.u32 s7, $0x7  }
0x59: {  	[tilespmem:s0], [sflag:$0x2] =	stream.indirect.gather [spmem:s2], $0x10, s7, s26, $0xb8;
	[tilespmem:$0x6210] =	vst v63  }
0x5a: {  	s0 =	sadd.s32 $0x1, s31  }
.LBB2_5:
0x5b: {  	s31 =	smov.u32 s0  }
0x5c: {  	p0 =	sne.s32 s31, $0x1  }
.Ltmp4:
0x5d: {  	_ = 	snop;
	(pc) =	sbr.rel @!p0 .LBB2_6-.Ltmp4, $4  }
0x5e: {  	s1 =	sadd.s32 $0xFFFFFFFF, s0  }
0x5f: {  	_ =	swait.ge [sflag:s28], $0x800;
	s0 =	sand.u32 $0x1, s1  }
0x60: {  	[sflag:s28] =	ssyncset.done $0x0;
	s0 =	sshll.u32 s0, $0xB  }
0x61: {  	[sflag:s28] =	ssyncadd.s32 $0xFFFFF800;
	s7 =	sor.u32 $0x300, s0  }
0x62: {  	s10 =	smul.u32 $0xAB, s1;
	_ =	sdelay $0x1  }
0x63: {  	s10 =	sshrl.u32 s10, $0x9  }
0x64: {  	s10 =	sand.u32 $0x7F, s10  }
0x65: {  	s10 =	smul.u32 $0x3, s10  }
0x66: {  	p0 =	seq.s32 s31, $0x4F  }
.Ltmp5:
0x67: {  	s10 =	ssub.s32 s1, s10;
	(pc) =	sbr.rel @!p0 .LBB2_8-.Ltmp5, $4  }
0x68: {  	_ =	swait.ge [sflag:s29], $0x800;
	s10 =	sand.u32 $0xFF, s10  }
0x69: {  	[sflag:s29] =	ssyncset.done $0x0;
	s10 =	sshll.u32 s10, $0x7  }
0x6a: {  	[sflag:s29] =	ssyncadd.s32 $0xFFFFF800;
	s10 =	sadd.s32 $0x180, s10  }
0x6b: {  	[spmem:s3] =	stream.indirect.scatter.add.f32 [tilespmem:s7], [sflag:$0x3], $0x10, s10, s26, $0xb8;
	[tilespmem:$0x6210] =	vst v63  }
0x6c: {  	_ =	swait.ge [sflag:s29], $0x800  }
0x6d: {  	s30 =	sadd.s32 $0x1, s30;
	[sflag:s29] =	ssyncset.done $0x0  }
0x6e: {  	p0 =	sne.s32 s30, s19;
	[sflag:s29] =	ssyncadd.s32 $0xFFFFF800  }
.Ltmp6:
0x6f: {  	s0 =	sshrl.u32 s9, $0x3;
	[bflag:$0x0] =	sbarrier.arrive $0xFFFF;
	(pc) =	sbr.rel @p0 .LBB2_1-.Ltmp6, $4  }
0x70: {  	[hbm:s18], [sflag:s8] =	dma.local [spmem:s0], $0x500  }
0x71: {  	_ =	swait.ge [sflag:s22], $0x500  }
0x72: {  	[sflag:s22] =	ssyncset.done $0x0  }
0x73: {  	[sflag:s22] =	ssyncadd.s32 $0xFFFFFB00  }
0x74: {  	_ =	sfence.sel $0x180000  }
0x75: {  	[bflag:$0x0] =	sbarrier.arrive $0xFFFF  }
0x76: {  	_ =	strace $0x9000004D  }
0x77: {  	s0 =	stileid.u32;
	[bflag:$0x2] =	sbarrier.arrive $0xFFFF  }
0x78: {  	p0 =	sne.s32 s0, $0x0;
	s0 =	rddreg [dreg:$0x4]  }
0x79: {  	s0 =	sadd.s32 @!p0 $0x100000, s0  }
0x7a: {  	[sflag:s0] =	ssyncadd.tile.s32 @!p0 $0x1;
	_ =	shalt  }
.Lfunc_end2:
_tile_overlayer_lowered:
.L_overlay_start_2:
0x7b: {  	(tag) =	ssettag $0x2  }
0x7c: {  	s0 =	rddreg [dreg:$0x0];
	s2 =	stileid.u32  }
0x7d: {  	s1 =	rddreg [dreg:$0x1];
	p0 =	sne.s32 s2, $0x0  }
0x7e: {  	s3 =	rddreg [dreg:$0x2];
	[bflag:$0x3] =	sbarrier.arrive $0xFFFF;
	s2 =	simm.s32 @!p0 $0x1C04  }
0x7f: {  	[timem:s3], [sflag:s2] =	dma.local @!p0 [hbm:s0], s1  }
0x80: {  	s0 =	simm.s32 @!p0 $0x4  }
0x81: {  	_ =	swait.ge @!p0 [sflag:s0], s1  }
0x82: {  	s1 =	ssub.s32 @!p0 $0x0, s1;
	[sflag:s0] =	ssyncset.done @!p0 $0x0  }
0x83: {  	[sflag:s0] =	ssyncadd.s32 @!p0 s1  }
0x84: {  	[bflag:$0x3] =	sbarrier.arrive $0xFFFF  }
0x85: {  	_ =	shalt  }

// kernel: kernel.9.cloned.1.call-start
scs
__scs_entry_jumppad:
0x0: {  	(pc) =	sbr.rel $0x88, $3  }
0x1: {  	(tag) =	ssettag $0x0;
	lr =	simm.s32 $0x1  }
0x2: {  	[smem:$0x3F9B] =	sst lr;
	_ =	strace $0xD0000000  }
0x3: {  	_ = 	snop  }
0x4: {  	_ = 	snop  }
0x5: {  	_ = 	snop  }
0x6: {  	_ = 	snop  }
0x7: {  	_ = 	snop  }
__scs_overlays_trampoline_lowered:
0x8: {  	[smem:$0x3FAA] =	sst s0  }
0x9: {  	[smem:$0x3FAB] =	sst s1  }
0xa: {  	[smem:$0x3FAC] =	sst s2  }
0xb: {  	[smem:$0x3FAD] =	sst s3  }
0xc: {  	[smem:$0x3FAE] =	sst s4  }
0xd: {  	[smem:$0x3FAF] =	sst s5  }
0xe: {  	[smem:$0x3FB0] =	sst s6  }
0xf: {  	[smem:$0x3FB1] =	sst s7  }
0x10: {  	[smem:$0x3FB2] =	sst s8  }
0x11: {  	[smem:$0x3FB3] =	sst s9;
	s0 =	simm.s32 @!p0 $0x0  }
0x12: {  	s1 =	sld [smem:$0x3F99];
	s0 =	simm.s32 @p0 $0x1  }
0x13: {  	[smem:$0x3FB4] =	sst s0;
	s0 =	simm.s32 @!p1 $0x0  }
0x14: {  	s2 =	sld [smem:$0x3F98];
	s0 =	simm.s32 @p1 $0x1  }
0x15: {  	[smem:$0x3FB5] =	sst s0;
	s0 =	simm.s32 @!p2 $0x0  }
0x16: {  	s3 =	sld [smem:$0x3FDB];
	s0 =	simm.s32 @p2 $0x1  }
0x17: {  	s4 =	simm.s32 $0x1BF5;
	[smem:$0x3FB7] =	sst s0  }
0x18: {  	s0 =	sld [smem:$0x3F9A];
	_ =	swait.ge [sflag:s4], $0x0  }
0x19: {  	s7 =	sld [smem:$0x3F9B]  }
0x1a: {  	s8 =	sadd.s32 $0xFFFFE003, lr  }
0x1b: {  	s9 =	sadd.s32 $0xFFFFFEF7, lr;
	s5 =	simm.s32 $0xFFFFFFFF;
	p2 =	slt.u32 s8, $0xFFFFF086  }
0x1c: {  	p1 =	slt.u32 s9, $0xF7A;
	s5 =	simm.s32 @!p2 $0x0  }
0x1d: {  	s5 =	simm.s32 @p1 $0x1;
	p0 =	seq.s32 s7, s2  }
0x1e: {  	s7 =	smul.u32 @!p0 $0xF7A, s2;
	p2 =	seq.s32 @!p0 s5, $0x0  }
0x1f: {  	s9 =	smul.u32 $0xF7A, s1;
	s8 =	simm.s32 @!p0 $0x1BF5;
	p2 =	por !p2, p0  }
0x20: {  	[sflag:s8] =	ssyncset.s32 @!p0 $0xFFFFF086;
	s6 =	sadd.s32 @!p0 s3, s7;
	s7 =	simm.s32 @!p0 $0x108  }
0x21: {  	s3 =	sadd.s32 s3, s9;
	s6 =	sadd.s32 @!p0 $0x88, s6;
	s7 =	simm.s32 @p2 $0x1082  }
0x22: {  	[simem:s7], [sflag:s8] =	dma.local @!p0 [hbm:s6], $0xF7A  }
0x23: {  	s9 =	sor.u32 $0xD0000000, s2;
	s6 =	simm.s32 $0x108;
	_ =	swait.ge @!p0 [sflag:s8], $0x0  }
0x24: {  	s3 =	sadd.s32 $0x88, s3;
	s6 =	simm.s32 @!p1 $0x1082;
	[sflag:s4] =	ssyncset.s32 $0xFFFFF086  }
0x25: {  	[simem:s6], [sflag:s4] =	dma.local [hbm:s3], $0xF7A  }
0x26: {  	[smem:$0x3F9B] =	sst s1;
	(tag) =	ssettag s2;
	_ =	strace s9  }
0x27: {  	s1 =	sld [smem:$0x3FAB]  }
0x28: {  	s2 =	sld [smem:$0x3FAC]  }
0x29: {  	s4 =	sld [smem:$0x3FAE]  }
0x2a: {  	p0 =	seq.s32 s5, $0x0;
	s5 =	sld [smem:$0x3FAF]  }
0x2b: {  	s6 =	sld [smem:$0x3FB0]  }
0x2c: {  	s7 =	sld [smem:$0x3FB1]  }
0x2d: {  	s3 =	simm.s32 $0x108;
	s8 =	sld [smem:$0x3FB2]  }
0x2e: {  	s3 =	simm.s32 @!p0 $0x1082;
	s9 =	sld [smem:$0x3FB3]  }
0x2f: {  	lr =	sadd.s32 s0, s3;
	s0 =	sld [smem:$0x3FAA]  }
0x30: {  	s3 =	sld [smem:$0x3FAD]  }
0x31: {  	[smem:$0x3FB6] =	sst s10  }
0x32: {  	s10 =	sld [smem:$0x3FB4];
	_ =	sdelay $0x3  }
0x33: {  	p0 =	seq.s32 s10, $0x1;
	s10 =	sld [smem:$0x3FB6];
	_ =	sdelay $0x3  }
0x34: {  	[smem:$0x3FB6] =	sst s10  }
0x35: {  	s10 =	sld [smem:$0x3FB5];
	_ =	sdelay $0x3  }
0x36: {  	p1 =	seq.s32 s10, $0x1;
	s10 =	sld [smem:$0x3FB6];
	_ =	sdelay $0x3  }
0x37: {  	[smem:$0x3FB6] =	sst s10  }
0x38: {  	s10 =	sld [smem:$0x3FB7]  }
0x39: {  	_ = 	snop;
	(pc) =	sbr.ind lr, $3  }
0x3a: {  	_ = 	snop  }
0x3b: {  	_ = 	snop  }
0x3c: {  	p2 =	seq.s32 s10, $0x1;
	s10 =	sld [smem:$0x3FB6]  }
0x3d: {  	_ =	shalt  }
0x3e: {  	_ =	shalt  }
0x3f: {  	_ =	shalt  }
0x40: {  	_ =	shalt  }
0x41: {  	_ =	shalt  }
0x42: {  	_ =	shalt  }
0x43: {  	_ =	shalt  }
0x44: {  	_ =	shalt  }
0x45: {  	_ =	shalt  }
0x46: {  	_ =	shalt  }
0x47: {  	_ =	shalt  }
0x48: {  	_ =	shalt  }
0x49: {  	_ =	shalt  }
0x4a: {  	_ =	shalt  }
0x4b: {  	_ =	shalt  }
0x4c: {  	_ =	shalt  }
0x4d: {  	_ =	shalt  }
0x4e: {  	_ =	shalt  }
0x4f: {  	_ =	shalt  }
0x50: {  	_ =	shalt  }
0x51: {  	_ =	shalt  }
0x52: {  	_ =	shalt  }
0x53: {  	_ =	shalt  }
0x54: {  	_ =	shalt  }
0x55: {  	_ =	shalt  }
0x56: {  	_ =	shalt  }
0x57: {  	_ =	shalt  }
0x58: {  	_ =	shalt  }
0x59: {  	_ =	shalt  }
0x5a: {  	_ =	shalt  }
0x5b: {  	_ =	shalt  }
0x5c: {  	_ =	shalt  }
0x5d: {  	_ =	shalt  }
0x5e: {  	_ =	shalt  }
0x5f: {  	_ =	shalt  }
0x60: {  	_ =	shalt  }
0x61: {  	_ =	shalt  }
0x62: {  	_ =	shalt  }
0x63: {  	_ =	shalt  }
0x64: {  	_ =	shalt  }
0x65: {  	_ =	shalt  }
0x66: {  	_ =	shalt  }
0x67: {  	_ =	shalt  }
0x68: {  	_ =	shalt  }
0x69: {  	_ =	shalt  }
0x6a: {  	_ =	shalt  }
0x6b: {  	_ =	shalt  }
0x6c: {  	_ =	shalt  }
0x6d: {  	_ =	shalt  }
0x6e: {  	_ =	shalt  }
0x6f: {  	_ =	shalt  }
0x70: {  	_ =	shalt  }
0x71: {  	_ =	shalt  }
0x72: {  	_ =	shalt  }
0x73: {  	_ =	shalt  }
0x74: {  	_ =	shalt  }
0x75: {  	_ =	shalt  }
0x76: {  	_ =	shalt  }
0x77: {  	_ =	shalt  }
0x78: {  	_ =	shalt  }
0x79: {  	_ =	shalt  }
0x7a: {  	_ =	shalt  }
0x7b: {  	_ =	shalt  }
0x7c: {  	_ =	shalt  }
0x7d: {  	_ =	shalt  }
0x7e: {  	_ =	shalt  }
0x7f: {  	_ =	shalt  }
0x80: {  	_ =	shalt  }
0x81: {  	_ =	shalt  }
0x82: {  	_ =	shalt  }
0x83: {  	_ =	shalt  }
0x84: {  	_ =	shalt  }
0x85: {  	_ =	shalt  }
0x86: {  	_ =	shalt  }
0x87: {  	_ =	shalt  }
.Lfunc_end0:
.L_simem_size_0:
called_computation_lowered:
.L_overlay_start_0:
0x88: {  	s2 =	sld [smem:$0x3FD9]  }
0x89: {  	s3 =	sld [smem:$0x3FFE];
	_ =	sdelay $0x1  }
0x8a: {  	s1 =	srdreg.scid  }
0x8b: {  	s0 =	sand.u32 $0x1, s1  }
0x8c: {  	s16 =	sshll.u32 s0, $0xA;
	s2 =	sadd.s32 s3, s2  }
0x8d: {  	s2 =	sadd.s32 s2, s16  }
0x8e: {  	[smem:$0x3FC2] =	sst s2  }
0x8f: {  	_ = 	snop  }
0x90: {  	(tm) =	ssettm $0x1  }
0x91: {  	s17 =	sld [smem:$0x3FFB];
	_ =	sdelay $0x3  }
0x92: {  	_ =	strace s17  }
0x93: {  	s2 =	sld [smem:$0x3FFC];
	_ =	sdelay $0x3  }
0x94: {  	_ =	strace s2  }
0x95: {  	s2 =	sld [smem:$0x3FFD];
	_ =	sdelay $0x3  }
0x96: {  	_ =	strace s2  }
0x97: {  	_ =	strace $0x8FFFFFFF  }
0x98: {  	s18 =	sld [smem:$0x3FDB];
	_ =	sdelay $0x1  }
0x99: {  	s19 =	simm.s32 $_scs_section_size  }
0x9a: {  	s4 =	simm.s32 $_size__tile_overlayer_lowered;
	s5 =	simm.s32 $_tile_overlayer_lowered  }
0x9b: {  	s22 =	simm.s32 $0x1BFF;
	s21 =	sshll.u32 s5, $0x1;
	s2 =	sadd.s32 s19, s18  }
0x9c: {  	s6 =	simm.s32 $0x0;
	s20 =	sshll.u32 s4, $0x1;
	s4 =	sadd.s32 s21, s2  }
0x9d: {  	[timem:s6], [sflag:s22] =	dma.local [hbm:s4], s20  }
0x9e: {  	_ =	swait.ge [sflag:s22], s20  }
0x9f: {  	s3 =	ssub.s32 $0x0, s20;
	[sflag:s22] =	ssyncset.done $0x0  }
0xa0: {  	[sflag:s22] =	ssyncadd.s32 s3;
	_ =	sdelay $0x1  }
0xa1: {  	s23 =	simm.s32 $0x1B8B  }
0xa2: {  	_ =	swait.ge [sflag:s23], $0x1  }
0xa3: {  	[sflag:s23] =	ssyncset.done $0x0  }
0xa4: {  	s25 =	simm.s32 $0x1B8E;
	s24 =	sld [smem:$0x3FFE];
	[sflag:s23] =	ssyncadd.s32 $0xFFFFFFFF  }
0xa5: {  	s26 =	simm.s32 $execute0_lowered;
	[smem:$0x3FD2] =	sst s25  }
0xa6: {  	s4 =	sshll.u32 s26, $0x1;
	_ =	strace $0x80000046;
	[dreg:$0x1] =	wrdreg $0xFFFFFFFF  }
0xa7: {  	s28 =	simm.s32 $_size_execute0_lowered;
	s2 =	sadd.s32 s2, s4;
	[dreg:$0x0] =	wrdreg $0x0  }
0xa8: {  	s4 =	sshll.u32 s28, $0x1;
	[dreg:$0x2] =	wrdreg s2  }
0xa9: {  	[dreg:$0x3] =	wrdreg s4  }
0xaa: {  	[dreg:$0x4] =	wrdreg $0xC0  }
0xab: {  	_ =	task [dreg:s6], $0x5FFFF  }
0xac: {  	[dreg:$0x1] =	wrdreg $0xFFFFFFFF  }
0xad: {  	[dreg:$0x0] =	wrdreg $0x60  }
0xae: {  	[dreg:$0x2] =	wrdreg s24  }
0xaf: {  	[dreg:$0x3] =	wrdreg $0x37800  }
0xb0: {  	[dreg:$0x4] =	wrdreg $0x9  }
0xb1: {  	_ =	task.clear_ibuf [dreg:s6], $0x5FFFF;
	_ =	strace $0x90000046  }
0xb2: {  	s29 =	simm.s32 $0x9;
	_ =	strace $0x80000048  }
0xb3: {  	_ =	swait.ge [sflag:s29], $0x1  }
0xb4: {  	[sflag:s29] =	ssyncadd.s32 $0xFFFFFFFF  }
0xb5: {  	_ =	strace $0x90000048  }
0xb6: {  	_ =	sfence  }
0xb7: {  	s30 =	sld [smem:$0x0];
	_ =	sdelay $0x2  }
0xb8: {  	s31 =	sshll.u32 s1, $0xD;
	s1 =	sshrl.u32 s1, $0x2  }
0xb9: {  	s3 =	sand.u32 $0x4000, s31;
	s1 =	sadd.s32 s1, s30  }
0xba: {  	s0 =	sor.u32 s3, s0;
	s1 =	sshll.u32 s1, $0x11  }
0xbb: {  	s0 =	sor.u32 s1, s0  }
0xbc: {  	s0 =	sadd.s32 $0x8F2B, s0  }
0xbd: {  	[sflag:s0] =	ssyncadd.remote.s32 $0x1  }
0xbe: {  	_ =	sfence.sel $0xFFFF  }
0xbf: {  	[dreg:$0x0] =	wrdreg $0xFFFFFFFF;
	(pc) =	sbr.abs _section_cstart, $3  }
0xc0: {  	[dreg:$0x1] =	wrdreg $0xFFFFFFFF  }
0xc1: {  	_ =	task.clear_ibuf [dreg:s6], $0x2FFFF;
	_ =	strace $0x9FFFFFFF  }
0xc2: {  	(tm) =	ssettm $0x7FFFFFFF  }
0xc3: {  	_ =	shalt  }
tec
execute0_lowered:
.L_overlay_start_1:
0x0: {  	(tag) =	ssettag $0x1  }
0x1: {  	s4 =	rddreg [dreg:$0x0];
	s0 =	srdreg.scid  }
0x2: {  	s2 =	rddreg [dreg:$0x1];
	s1 =	stileid.u32  }
0x3: {  	s3 =	simm.s32 $0x0;
	s12 =	simm.s32 $0x1;
	s13 =	simm.s32 $0x2F80  }
0x4: {  	s14 =	simm.s32 $0x80;
	s15 =	simm.s32 $0x2780;
	s18 =	simm.s32 $0x0  }
0x5: {  	s5 =	sand.u32 $0x1, s0;
	s0 =	rddreg [dreg:$0x2];
	s7 =	smul.u32 $0x2800, s1  }
0x6: {  	[smem:$0x7FF] =	sst s3;
	s9 =	smul.u32 $0xA000, s1;
	s16 =	sshll.u32 s1, $0x6  }
0x7: {  	s6 =	sshll.u32 s5, $0x4;
	s8 =	smul.u32 $0x28000, s5;
	_ =	strace $0x80000047  }
0x8: {  	s5 =	ssub.s32 $0x2, s5;
	s16 =	sor.u32 $0x1C01, s16;
	s6 =	sor.u32 s1, s6  }
0x9: {  	s30 =	sshrl.u32 s5, $0x1;
	s31 =	sshrl.u32 s9, $0x2;
	s6 =	smul.u32 $0x4F0, s6  }
0xa: {  	s8 =	sadd.s32 s7, s8;
	s11 =	ssub.s32 s5, s30;
	s9 =	sadd.s32 s31, s2  }
0xb: {  	s5 =	sadd.s32 s7, s2;
	s8 =	sshrl.u32 s8, $0x3;
	s7 =	sadd.s32 $0x1000, s9  }
0xc: {  	s11 =	smax.u32 s11, $0x1;
	s17 =	sshrl.u32 s5, $0x3;
	s6 =	sadd.s32 s6, s4  }
0xd: {  	s10 =	sadd.s32 s8, s4;
	s8 =	sadd.s32 $0x1800, s9;
	s4 =	sadd.s32 $0x1400, s6  }
0xe: {  	v0 =	vimm.f32 $1.000000000e+00;
	v1 =	vimm.f32 $0.0e+00;
	s6 =	sadd.s32 $0x800, s9;
	s9 =	sadd.s32 $0x2000, s9;
	s10 =	sadd.s32 $0xB200, s10  }
.LBB2_1:
0xf: {  	[tilespmem:s3], [sflag:$0x1] =	stream.linear.gather [hbm4b:s4+s3], $0x2780, $0x38;
	[tilespmem:$0x5F80] =	vst v63  }
0x10: {  	_ =	swait.ge [sflag:s12], $0x2780  }
0x11: {  	[sflag:s12] =	ssyncset.done $0x0  }
0x12: {  	s19 =	simm.s32 $0x0;
	[sflag:s12] =	ssyncadd.s32 $0xFFFFD880  }
.LBB2_2:
0x13: {  	p0 =	sne.s32 s19, $0x1FC0  }
.Ltmp0:
0x14: {  	_ = 	snop;
	(pc) =	sbr.rel @p0 .LBB2_2-.Ltmp0, $3  }
0x15: {  	_ =	sdelay $0x1  }
0x16: {  	s20 =	sshra.s32 s19, $0x2  }
0x17: {  	s19 =	sadd.s32 $0x40, s19;
	[tilespmem:s20+$0x2780] =	vst v0  }
0x18: {  	s19 =	simm.s32 $0x40;
	s20 =	simm.s32 $0x0  }
.LBB2_4:
0x19: {  	p0 =	sne.s32 s19, $0x1FC0;
	[tilespmem:s20+$0x2F80] =	vst v1;
	s20 =	smov.u32 s19;
	s19 =	sadd.s32 $0x40, s19  }
.Ltmp1:
0x1a: {  	(pc) =	sbr.rel @p0 .LBB2_4-.Ltmp1, $2  }
0x1b: {  	_ =	sdelay $0x2  }
0x1c: {  	s20 =	sshra.s32 s20, $0x2  }
0x1d: {  	[tilespmem:s20+$0x2F80] =	vst v1  }
0x1e: {  	[spmem:s5] =	stream.linear.scatter [tilespmem:s13], [sflag:$0x1], $0x800, $0x38;
	[tilespmem:$0x5F80] =	vst v63  }
0x1f: {  	_ =	swait.ge [sflag:s12], $0x800  }
0x20: {  	[sflag:s12] =	ssyncset.done $0x0  }
0x21: {  	[sflag:s12] =	ssyncadd.s32 $0xFFFFF800  }
0x22: {  	[spmem:s6] =	stream.linear.scatter [tilespmem:s13], [sflag:$0x1], $0x800, $0x38;
	[tilespmem:$0x5F80] =	vst v63  }
0x23: {  	_ =	swait.ge [sflag:s12], $0x800  }
0x24: {  	[sflag:s12] =	ssyncset.done $0x0  }
0x25: {  	[sflag:s12] =	ssyncadd.s32 $0xFFFFF800  }
0x26: {  	[spmem:s7] =	stream.linear.scatter [tilespmem:s13], [sflag:$0x1], $0x800, $0x38;
	[tilespmem:$0x5F80] =	vst v63  }
0x27: {  	_ =	swait.ge [sflag:s12], $0x800  }
0x28: {  	[sflag:s12] =	ssyncset.done $0x0  }
0x29: {  	[sflag:s12] =	ssyncadd.s32 $0xFFFFF800  }
0x2a: {  	[spmem:s8] =	stream.linear.scatter [tilespmem:s13], [sflag:$0x1], $0x800, $0x38;
	[tilespmem:$0x5F80] =	vst v63  }
0x2b: {  	_ =	swait.ge [sflag:s12], $0x800  }
0x2c: {  	[sflag:s12] =	ssyncset.done $0x0  }
0x2d: {  	[sflag:s12] =	ssyncadd.s32 $0xFFFFF800  }
0x2e: {  	[spmem:s9] =	stream.linear.scatter [tilespmem:s13], [sflag:$0x1], $0x800, $0x38;
	[tilespmem:$0x5F80] =	vst v63  }
0x2f: {  	_ =	swait.ge [sflag:s12], $0x800  }
0x30: {  	[sflag:s12] =	ssyncset.done $0x0  }
0x31: {  	[sflag:s12] =	ssyncadd.s32 $0xFFFFF800  }
0x32: {  	s19 =	simm.s32 $0x0;
	[bflag:$0x0] =	sbarrier.arrive $0xFFFF  }
0x33: {  	[spmem:s2] =	stream.indirect.scatter.add.f32 [tilespmem:s15], [sflag:$0x1], $0x10, s19, s14, $0xb8;
	[tilespmem:$0x5F80] =	vst v63  }
0x34: {  	_ =	swait.ge [sflag:s12], $0x800  }
0x35: {  	s19 =	simm.s32 $0x200;
	[sflag:s12] =	ssyncset.done $0x0  }
.LBB2_6:
0x36: {  	s20 =	sshra.s32 s19, $0x2;
	[sflag:s12] =	ssyncadd.s32 $0xFFFFF800;
	p0 =	sne.s32 s19, $0x9C00  }
0x37: {  	[spmem:s2] =	stream.indirect.scatter.add.f32 [tilespmem:s15], [sflag:$0x1], $0x10, s20, s14, $0xb8;
	[tilespmem:$0x5F80] =	vst v63  }
.Ltmp2:
0x38: {  	_ = 	snop;
	(pc) =	sbr.rel @p0 .LBB2_6-.Ltmp2, $4  }
0x39: {  	_ = 	snop  }
0x3a: {  	s19 =	sadd.s32 $0x200, s19  }
0x3b: {  	_ =	swait.ge [sflag:s12], $0x800  }
0x3c: {  	[sflag:s12] =	ssyncset.done $0x0  }
0x3d: {  	s18 =	sadd.s32 $0x1, s18  }
0x3e: {  	[sflag:s12] =	ssyncadd.s32 $0xFFFFF800;
	p0 =	sne.s32 s18, s11  }
.Ltmp3:
0x3f: {  	[bflag:$0x0] =	sbarrier.arrive $0xFFFF;
	(pc) =	sbr.rel @p0 .LBB2_1-.Ltmp3, $4  }
0x40: {  	[hbm:s10], [sflag:s16] =	dma.local [spmem:s17], $0x500  }
0x41: {  	_ =	swait.ge [sflag:s12], $0x500  }
0x42: {  	[sflag:s12] =	ssyncset.done $0x0  }
0x43: {  	[sflag:s12] =	ssyncadd.s32 $0xFFFFFB00  }
0x44: {  	_ =	sfence.sel $0x180000  }
0x45: {  	[bflag:$0x0] =	sbarrier.arrive $0xFFFF  }
0x46: {  	p0 =	sne.s32 s1, $0x0;
	_ =	strace $0x90000047  }
0x47: {  	s0 =	sadd.s32 @!p0 $0x100000, s0;
	[bflag:$0x2] =	sbarrier.arrive $0xFFFF  }
0x48: {  	[sflag:s0] =	ssyncadd.tile.s32 @!p0 $0x1;
	_ =	shalt  }
.Lfunc_end2:
_tile_overlayer_lowered:
.L_overlay_start_2:
0x49: {  	(tag) =	ssettag $0x2  }
0x4a: {  	s0 =	rddreg [dreg:$0x0];
	s2 =	stileid.u32  }
0x4b: {  	s1 =	rddreg [dreg:$0x1];
	p0 =	sne.s32 s2, $0x0  }
0x4c: {  	s3 =	rddreg [dreg:$0x2];
	[bflag:$0x3] =	sbarrier.arrive $0xFFFF;
	s2 =	simm.s32 @!p0 $0x1C01  }
0x4d: {  	[timem:s3], [sflag:s2] =	dma.local @!p0 [hbm:s0], s1  }
0x4e: {  	s0 =	simm.s32 @!p0 $0x1  }
0x4f: {  	_ =	swait.ge @!p0 [sflag:s0], s1  }
0x50: {  	s1 =	ssub.s32 @!p0 $0x0, s1;
	[sflag:s0] =	ssyncset.done @!p0 $0x0  }
0x51: {  	[sflag:s0] =	ssyncadd.s32 @!p0 s1  }
0x52: {  	[bflag:$0x3] =	sbarrier.arrive $0xFFFF  }
0x53: {  	_ =	shalt  }

</sc_bundles>
